<compile_context>
chip_gen: v7x
topology: tpu7x:2x2x1
jax: 0.10.2.dev20260603
libtpu: 0.0.44.dev20260713+nightly
codegen_flags: <defaults>
</compile_context>

<pallas_src>
import functools

import jax
import jax.numpy as jnp
from jax import lax
from jax.experimental import pallas as pl
from jax.experimental.pallas import tpu as pltpu
from jax.experimental.pallas import tpu_sc as plsc

L = 16
NW = 32
TOK_W = 512
NCHUNK = 1

MULT_CUR = 36313
MULT_PREV = 27191


def _hash16(cur, prev, mod, inv):
    v = (cur * MULT_CUR) ^ (prev * MULT_PREV)
    q = (v.astype(jnp.float32) * inv).astype(jnp.int32)
    r = v - q * mod
    r = jnp.where(r < 0, r + mod, r)
    r = jnp.where(r >= mod, r - mod, r)
    return r


def _body(n_tok_row, mod, x_hbm, scale_hbm, embed_hbm, out_hbm,
          xbuf, rows, sbuf, *sems):
    wid = lax.axis_index("s") * 2 + lax.axis_index("c")
    p = pl.multiple_of(wid * TOK_W, TOK_W)
    row_workers = n_tok_row // TOK_W
    row_flag = jnp.minimum(wid & (row_workers - 1), 1)

    pltpu.sync_copy(x_hbm.at[pl.ds(p, TOK_W)], xbuf.at[pl.ds(8, TOK_W)])
    pb = pl.multiple_of(jnp.maximum(p - 8, 0), 8)
    pltpu.sync_copy(x_hbm.at[pl.ds(pb, 8)], xbuf.at[pl.ds(0, 8)])
    pltpu.sync_copy(scale_hbm, sbuf)

    iota = lax.broadcasted_iota(jnp.int32, (L,), 0)
    inv = jnp.float32(1.0) / jnp.float32(mod)
    sv = sbuf[...]
    d = rows.shape[1]
    n_grp = TOK_W // L
    grp_per_chunk = n_grp // NCHUNK

    def fire16(k, hv, csem):
        for j in range(L):
            h = hv[j]
            pltpu.async_copy(embed_hbm.at[h >> 3, h & 7], rows.at[k * L + j],
                             csem)

    def hash_grp(k, first):
        cur = xbuf[pl.ds(8 + k * L, L)]
        prev = xbuf[pl.ds(7 + k * L, L)]
        if first:
            prev = prev * jnp.where(iota == 0, row_flag, 1)
        return _hash16(cur, prev, mod, inv)

    sem = sems[0]
    fire16(0, hash_grp(0, first=True), sem)

    def fire_body(k, carry):
        fire16(k, hash_grp(k, first=False), sem)
        return carry

    lax.fori_loop(1, n_grp, fire_body, 0)

    pltpu.make_async_copy(out_hbm.at[pl.ds(0, TOK_W)], rows, sem).wait()

    tok_c = TOK_W // NCHUNK
    for c in range(NCHUNK):
        t0 = c * tok_c

        def mul_body(g, carry, _t0=t0):
            r0 = _t0 + g * L
            for rr in range(L):
                for c0 in range(d // L):
                    sl = pl.ds(c0 * L, L)
                    rows[r0 + rr, sl] = rows[r0 + rr, sl] * sv
            return carry

        lax.fori_loop(0, grp_per_chunk, mul_body, 0)
        pltpu.sync_copy(rows.at[pl.ds(t0, tok_c)],
                        out_hbm.at[pl.ds(p + t0, tok_c)])


def kernel(x, embed, scale):
    b, s = x.shape
    v, d = embed.shape
    xf = x.reshape(-1)
    scale16 = jnp.full((L,), scale, jnp.float32)
    mesh = plsc.VectorSubcoreMesh(core_axis_name="c", subcore_axis_name="s")
    run = pl.kernel(
        functools.partial(_body, s, v - 1),
        mesh=mesh,
        out_type=jax.ShapeDtypeStruct((b * s, d), jnp.float32),
        scratch_types=[
            pltpu.VMEM((TOK_W + 8,), jnp.int32),
            pltpu.VMEM((TOK_W, d), jnp.float32),
            pltpu.VMEM((L,), jnp.float32),
        ] + [pltpu.SemaphoreType.DMA],
    )
    out = run(xf, scale16, embed.reshape(v // 8, 8, d))
    return out.reshape(b, s, d)

# --- scband reference (transcript-rebuilt; emitter-appended) ---
"""Pipeline reference for scband-bigram-hash-15410342658810 (READ-ONLY COPY).

The authoritative reference and input builder live on the scoring server;
editing this copy changes nothing except your own understanding.
"""

import jax, jax.numpy as jnp
import numpy as np

V = 1000000
D = 64
B = 4
S = 4096

def setup_inputs(seed: int = 0) -> dict:
    key = jax.random.key(seed)
    k1, k2 = jax.random.split(key)
    x = jax.random.randint(k1, (B, S), 0, 50257, dtype=jnp.int32)
    embed = jax.random.normal(k2, (V, D), dtype=jnp.float32)
    scale = jnp.asarray(0.05, dtype=jnp.float32)
    return {"x": x, "embed": embed, "scale": scale}

def reference(x, embed, scale):
    # BigramHash forward: hash current token with previous token, lookup embedding, scale.
    t = x.astype(jnp.int32)
    prev = jnp.concatenate([jnp.zeros_like(t[:, :1]), t[:, :-1]], axis=1)
    h = jnp.bitwise_xor(t * 36313, prev * 27191) % (V - 1)
    e = jnp.take(embed, h, axis=0)
    # d == m so proj is None; just apply scale
    return e * scale.astype(e.dtype)

if __name__ == "__main__":
    import jax
    _d = setup_inputs()
    print(jax.jit(kernel)(*tuple(_d.values())))

</pallas_src>

<mosaic_0001>
#map = affine_map<(d0, d1) -> (0)>
#map1 = affine_map<(d0, d1) -> (0, 0, 0)>
#map2 = affine_map<(d0, d1) -> (0, 0)>
module attributes {stable_mosaic.version = 14 : i64} {
  func.func @_body(%arg0: i32, %arg1: i32, %arg2: memref<16384xi32, #tpu.memory_space<hbm>>, %arg3: memref<16xf32, #tpu.memory_space<hbm>>, %arg4: memref<125000x8x64xf32, #tpu.memory_space<hbm>>, %arg5: memref<16384x64xf32, #tpu.memory_space<hbm>>, %arg6: memref<520xi32, #tpu.memory_space<vmem>>, %arg7: memref<512x64xf32, #tpu.memory_space<vmem>>, %arg8: memref<16xf32, #tpu.memory_space<vmem>>, %arg9: memref<!tpu.dma_semaphore, #tpu.memory_space<semaphore_mem>>) attributes {dimension_semantics = [#tpu.dimension_semantics<core_parallel>, #tpu.dimension_semantics<subcore_parallel>], iteration_bounds = array<i64: 2, 16>, scalar_prefetch = 0 : i64, scratch_operands = 4 : i64, tpu.core_type = #tpu.core_type<sc_vector_subcore>, window_params = [{transform_indices = #map}, {transform_indices = #map}, {transform_indices = #map1}, {transform_indices = #map2}]} {
    %mul3A = arith.constant 2 : i32
    %mul3A_0 = arith.muli %arg1, %mul3A : i32
    %add3A = arith.addi %mul3A_0, %arg0 : i32
    %mul3A_1 = arith.constant 512 : i32
    %mul3A_2 = arith.muli %add3A, %mul3A_1 : i32
    %multiple_of3A = tpu.assume_multiple %mul3A_2, 512 : i32
    %and3A = arith.constant 7 : i32
    %and3A_3 = arith.andi %add3A, %and3A : i32
    %min3A = arith.constant 1 : i32
    %min3A_4 = arith.minsi %and3A_3, %min3A : i32
    "tpu.region"() ({
      %run_scoped3A = tpu.sem_alloc : memref<!tpu.dma_semaphore, #tpu.memory_space<semaphore_mem>>
      %dma_start3A_365 = arith.constant 8 : i32
      %dma_start3A_366 = tpu.memref_slice %arg6[%dma_start3A_365] : memref<520xi32, #tpu.memory_space<vmem>> -> memref<512xi32, #tpu.memory_space<vmem>>
      %dma_start3A_367 = tpu.memref_slice %arg2[%multiple_of3A] : memref<16384xi32, #tpu.memory_space<hbm>> -> memref<512xi32, #tpu.memory_space<hbm>>
      %dma_start3A_368 = arith.constant 8 : i32
      %dma_start3A_369 = tpu.memref_slice %arg6[%dma_start3A_368] : memref<520xi32, #tpu.memory_space<vmem>> -> memref<512xi32, #tpu.memory_space<vmem>>
      %dma_start3A_370 = tpu.memref_slice %arg2[%multiple_of3A] : memref<16384xi32, #tpu.memory_space<hbm>> -> memref<512xi32, #tpu.memory_space<hbm>>
      tpu.enqueue_dma source(%dma_start3A_370 : memref<512xi32, #tpu.memory_space<hbm>>) target(%dma_start3A_369 : memref<512xi32, #tpu.memory_space<vmem>>) target_semaphore(%run_scoped3A : memref<!tpu.dma_semaphore, #tpu.memory_space<semaphore_mem>>)
      %dma_wait3A_371 = arith.constant 8 : i32
      %dma_wait3A_372 = tpu.memref_slice %arg6[%dma_wait3A_371] : memref<520xi32, #tpu.memory_space<vmem>> -> memref<512xi32, #tpu.memory_space<vmem>>
      %dma_wait3A_373 = tpu.memref_slice %arg2[%multiple_of3A] : memref<16384xi32, #tpu.memory_space<hbm>> -> memref<512xi32, #tpu.memory_space<hbm>>
      %dma_wait3A_374 = arith.constant 8 : i32
      %dma_wait3A_375 = tpu.memref_slice %arg6[%dma_wait3A_374] : memref<520xi32, #tpu.memory_space<vmem>> -> memref<512xi32, #tpu.memory_space<vmem>>
      %dma_wait3A_376 = tpu.memref_slice %arg2[%multiple_of3A] : memref<16384xi32, #tpu.memory_space<hbm>> -> memref<512xi32, #tpu.memory_space<hbm>>
      tpu.wait_dma2 semaphore(%run_scoped3A : memref<!tpu.dma_semaphore, #tpu.memory_space<semaphore_mem>>) src(%dma_wait3A_376 : memref<512xi32, #tpu.memory_space<hbm>>) dst(%dma_wait3A_375 : memref<512xi32, #tpu.memory_space<vmem>>)
      tpu.yield
    }) : () -> ()
    %sub3A = arith.constant 8 : i32
    %sub3A_5 = arith.subi %multiple_of3A, %sub3A : i32
    %max3A = arith.constant 0 : i32
    %max3A_6 = arith.maxsi %sub3A_5, %max3A : i32
    %multiple_of3A_7 = tpu.assume_multiple %max3A_6, 8 : i32
    "tpu.region"() ({
      %run_scoped3A = tpu.sem_alloc : memref<!tpu.dma_semaphore, #tpu.memory_space<semaphore_mem>>
      %dma_start3A_365 = arith.constant 0 : i32
      %dma_start3A_366 = tpu.memref_slice %arg6[%dma_start3A_365] : memref<520xi32, #tpu.memory_space<vmem>> -> memref<8xi32, #tpu.memory_space<vmem>>
      %dma_start3A_367 = tpu.memref_slice %arg2[%multiple_of3A_7] : memref<16384xi32, #tpu.memory_space<hbm>> -> memref<8xi32, #tpu.memory_space<hbm>>
      %dma_start3A_368 = arith.constant 0 : i32
      %dma_start3A_369 = tpu.memref_slice %arg6[%dma_start3A_368] : memref<520xi32, #tpu.memory_space<vmem>> -> memref<8xi32, #tpu.memory_space<vmem>>
      %dma_start3A_370 = tpu.memref_slice %arg2[%multiple_of3A_7] : memref<16384xi32, #tpu.memory_space<hbm>> -> memref<8xi32, #tpu.memory_space<hbm>>
      tpu.enqueue_dma source(%dma_start3A_370 : memref<8xi32, #tpu.memory_space<hbm>>) target(%dma_start3A_369 : memref<8xi32, #tpu.memory_space<vmem>>) target_semaphore(%run_scoped3A : memref<!tpu.dma_semaphore, #tpu.memory_space<semaphore_mem>>)
      %dma_wait3A_371 = arith.constant 0 : i32
      %dma_wait3A_372 = tpu.memref_slice %arg6[%dma_wait3A_371] : memref<520xi32, #tpu.memory_space<vmem>> -> memref<8xi32, #tpu.memory_space<vmem>>
      %dma_wait3A_373 = tpu.memref_slice %arg2[%multiple_of3A_7] : memref<16384xi32, #tpu.memory_space<hbm>> -> memref<8xi32, #tpu.memory_space<hbm>>
      %dma_wait3A_374 = arith.constant 0 : i32
      %dma_wait3A_375 = tpu.memref_slice %arg6[%dma_wait3A_374] : memref<520xi32, #tpu.memory_space<vmem>> -> memref<8xi32, #tpu.memory_space<vmem>>
      %dma_wait3A_376 = tpu.memref_slice %arg2[%multiple_of3A_7] : memref<16384xi32, #tpu.memory_space<hbm>> -> memref<8xi32, #tpu.memory_space<hbm>>
      tpu.wait_dma2 semaphore(%run_scoped3A : memref<!tpu.dma_semaphore, #tpu.memory_space<semaphore_mem>>) src(%dma_wait3A_376 : memref<8xi32, #tpu.memory_space<hbm>>) dst(%dma_wait3A_375 : memref<8xi32, #tpu.memory_space<vmem>>)
      tpu.yield
    }) : () -> ()
    "tpu.region"() ({
      %run_scoped3A = tpu.sem_alloc : memref<!tpu.dma_semaphore, #tpu.memory_space<semaphore_mem>>
      tpu.enqueue_dma source(%arg3 : memref<16xf32, #tpu.memory_space<hbm>>) target(%arg8 : memref<16xf32, #tpu.memory_space<vmem>>) target_semaphore(%run_scoped3A : memref<!tpu.dma_semaphore, #tpu.memory_space<semaphore_mem>>)
      tpu.wait_dma2 semaphore(%run_scoped3A : memref<!tpu.dma_semaphore, #tpu.memory_space<semaphore_mem>>) src(%arg3 : memref<16xf32, #tpu.memory_space<hbm>>) dst(%arg8 : memref<16xf32, #tpu.memory_space<vmem>>)
      tpu.yield
    }) : () -> ()
    %iota3A = tpu.iota {dimensions = array<i32: 0>} : vector<16xi32>
    %div3A = arith.constant 1.000000e+00 : f32
    %div3A_8 = arith.constant 9.999990e+05 : f32
    %div3A_9 = arith.divf %div3A, %div3A_8 : f32
    %get3A = arith.constant 0 : index
    %get3A_10 = tpu.vector_load %arg8[%get3A] {strides = array<i32>} : memref<16xf32, #tpu.memory_space<vmem>>, vector<16xf32>,
    %get3A_11 = vector.shape_cast %get3A_10 : vector<16xf32> to vector<16xf32>
    %get3A_12 = arith.constant 8 : index
    %get3A_13 = tpu.vector_load %arg6[%get3A_12] {strides = array<i32>} : memref<520xi32, #tpu.memory_space<vmem>>, vector<16xi32>,
    %get3A_14 = vector.shape_cast %get3A_13 : vector<16xi32> to vector<16xi32>
    %get3A_15 = arith.constant 7 : index
    %get3A_16 = tpu.vector_load %arg6[%get3A_15] {strides = array<i32>} : memref<520xi32, #tpu.memory_space<vmem>>, vector<16xi32>,
    %get3A_17 = vector.shape_cast %get3A_16 : vector<16xi32> to vector<16xi32>
    %eq3A = arith.constant 0 : i32
    %eq3A_18 = vector.broadcast %eq3A : i32 to vector<16xi32>
    %eq3A_19 = arith.cmpi eq, %iota3A, %eq3A_18 : vector<16xi32>
    %jit3A = arith.constant 1 : i32
    %broadcast_in_dim3A = vector.broadcast %min3A_4 : i32 to vector<16xi32>
    %broadcast_in_dim3A_20 = vector.broadcast %jit3A : i32 to vector<16xi32>
    %select_n3A = arith.select %eq3A_19, %broadcast_in_dim3A, %broadcast_in_dim3A_20 : vector<16xi1>, vector<16xi32>
    %mul3A_21 = arith.muli %get3A_17, %select_n3A : vector<16xi32>
    %mul3A_22 = arith.constant 36313 : i32
    %mul3A_23 = vector.broadcast %mul3A_22 : i32 to vector<16xi32>
    %mul3A_24 = arith.muli %get3A_14, %mul3A_23 : vector<16xi32>
    %mul3A_25 = arith.constant 27191 : i32
    %mul3A_26 = vector.broadcast %mul3A_25 : i32 to vector<16xi32>
    %mul3A_27 = arith.muli %mul3A_21, %mul3A_26 : vector<16xi32>
    %xor3A = arith.xori %mul3A_24, %mul3A_27 : vector<16xi32>
    %convert_element_type3A = arith.sitofp %xor3A : vector<16xi32> to vector<16xf32>
    %mul3A_28 = vector.broadcast %div3A_9 : f32 to vector<16xf32>
    %mul3A_29 = arith.mulf %convert_element_type3A, %mul3A_28 : vector<16xf32>
    %convert_element_type3A_30 = arith.fptosi %mul3A_29 : vector<16xf32> to vector<16xi32>
    %mul3A_31 = arith.constant 999999 : i32
    %mul3A_32 = vector.broadcast %mul3A_31 : i32 to vector<16xi32>
    %mul3A_33 = arith.muli %convert_element_type3A_30, %mul3A_32 : vector<16xi32>
    %sub3A_34 = arith.subi %xor3A, %mul3A_33 : vector<16xi32>
    %lt3A = arith.constant 0 : i32
    %lt3A_35 = vector.broadcast %lt3A : i32 to vector<16xi32>
    %lt3A_36 = arith.cmpi slt, %sub3A_34, %lt3A_35 : vector<16xi32>
    %add3A_37 = arith.constant 999999 : i32
    %add3A_38 = vector.broadcast %add3A_37 : i32 to vector<16xi32>
    %add3A_39 = arith.addi %sub3A_34, %add3A_38 : vector<16xi32>
    %select_n3A_40 = arith.select %lt3A_36, %add3A_39, %sub3A_34 : vector<16xi1>, vector<16xi32>
    %ge3A = arith.constant 999999 : i32
    %ge3A_41 = vector.broadcast %ge3A : i32 to vector<16xi32>
    %ge3A_42 = arith.cmpi sge, %select_n3A_40, %ge3A_41 : vector<16xi32>
    %sub3A_43 = arith.constant 999999 : i32
    %sub3A_44 = vector.broadcast %sub3A_43 : i32 to vector<16xi32>
    %sub3A_45 = arith.subi %select_n3A_40, %sub3A_44 : vector<16xi32>
    %select_n3A_46 = arith.select %ge3A_42, %sub3A_45, %select_n3A_40 : vector<16xi1>, vector<16xi32>
    %slice3A = vector.extract_strided_slice %select_n3A_46 {offsets = [0], sizes = [1], strides = [1]} : vector<16xi32> to vector<1xi32>
    %squeeze3A = vector.extract %slice3A[0] : i32 from vector<1xi32>
    %shift_right_arithmetic3A = arith.constant 3 : i32
    %shift_right_arithmetic3A_47 = arith.shrsi %squeeze3A, %shift_right_arithmetic3A : i32
    %and3A_48 = arith.constant 7 : i32
    %and3A_49 = arith.andi %squeeze3A, %and3A_48 : i32
    %dma_start3A = arith.constant 0 : i32
    %dma_start3A_50 = arith.constant 0 : i32
    %dma_start3A_51 = tpu.memref_slice %arg7[%dma_start3A, %dma_start3A_50] : memref<512x64xf32, #tpu.memory_space<vmem>> -> memref<1x64xf32, #tpu.memory_space<vmem>>
    %dma_start3A_52 = tpu.memref_squeeze %dma_start3A_51 : memref<1x64xf32, #tpu.memory_space<vmem>> -> memref<64xf32, #tpu.memory_space<vmem>>
    %dma_start3A_53 = arith.constant 0 : i32
    %dma_start3A_54 = tpu.memref_slice %arg4[%shift_right_arithmetic3A_47, %and3A_49, %dma_start3A_53] : memref<125000x8x64xf32, #tpu.memory_space<hbm>> -> memref<1x1x64xf32, #tpu.memory_space<hbm>>
    %dma_start3A_55 = tpu.memref_squeeze %dma_start3A_54 : memref<1x1x64xf32, #tpu.memory_space<hbm>> -> memref<64xf32, #tpu.memory_space<hbm>>
    %dma_start3A_56 = arith.constant 0 : i32
    %dma_start3A_57 = tpu.memref_slice %arg7[%dma_start3A, %dma_start3A_56] : memref<512x64xf32, #tpu.memory_space<vmem>> -> memref<1x64xf32, #tpu.memory_space<vmem>>
    %dma_start3A_58 = tpu.memref_squeeze %dma_start3A_57 : memref<1x64xf32, #tpu.memory_space<vmem>> -> memref<64xf32, #tpu.memory_space<vmem>>
    %dma_start3A_59 = arith.constant 0 : i32
    %dma_start3A_60 = tpu.memref_slice %arg4[%shift_right_arithmetic3A_47, %and3A_49, %dma_start3A_59] : memref<125000x8x64xf32, #tpu.memory_space<hbm>> -> memref<1x1x64xf32, #tpu.memory_space<hbm>>
    %dma_start3A_61 = tpu.memref_squeeze %dma_start3A_60 : memref<1x1x64xf32, #tpu.memory_space<hbm>> -> memref<64xf32, #tpu.memory_space<hbm>>
    tpu.enqueue_dma source(%dma_start3A_61 : memref<64xf32, #tpu.memory_space<hbm>>) target(%dma_start3A_58 : memref<64xf32, #tpu.memory_space<vmem>>) target_semaphore(%arg9 : memref<!tpu.dma_semaphore, #tpu.memory_space<semaphore_mem>>)
    %slice3A_62 = vector.extract_strided_slice %select_n3A_46 {offsets = [1], sizes = [1], strides = [1]} : vector<16xi32> to vector<1xi32>
    %squeeze3A_63 = vector.extract %slice3A_62[0] : i32 from vector<1xi32>
    %shift_right_arithmetic3A_64 = arith.constant 3 : i32
    %shift_right_arithmetic3A_65 = arith.shrsi %squeeze3A_63, %shift_right_arithmetic3A_64 : i32
    %and3A_66 = arith.constant 7 : i32
    %and3A_67 = arith.andi %squeeze3A_63, %and3A_66 : i32
    %dma_start3A_68 = arith.constant 1 : i32
    %dma_start3A_69 = arith.constant 0 : i32
    %dma_start3A_70 = tpu.memref_slice %arg7[%dma_start3A_68, %dma_start3A_69] : memref<512x64xf32, #tpu.memory_space<vmem>> -> memref<1x64xf32, #tpu.memory_space<vmem>>
    %dma_start3A_71 = tpu.memref_squeeze %dma_start3A_70 : memref<1x64xf32, #tpu.memory_space<vmem>> -> memref<64xf32, #tpu.memory_space<vmem>>
    %dma_start3A_72 = arith.constant 0 : i32
    %dma_start3A_73 = tpu.memref_slice %arg4[%shift_right_arithmetic3A_65, %and3A_67, %dma_start3A_72] : memref<125000x8x64xf32, #tpu.memory_space<hbm>> -> memref<1x1x64xf32, #tpu.memory_space<hbm>>
    %dma_start3A_74 = tpu.memref_squeeze %dma_start3A_73 : memref<1x1x64xf32, #tpu.memory_space<hbm>> -> memref<64xf32, #tpu.memory_space<hbm>>
    %dma_start3A_75 = arith.constant 0 : i32
    %dma_start3A_76 = tpu.memref_slice %arg7[%dma_start3A_68, %dma_start3A_75] : memref<512x64xf32, #tpu.memory_space<vmem>> -> memref<1x64xf32, #tpu.memory_space<vmem>>
    %dma_start3A_77 = tpu.memref_squeeze %dma_start3A_76 : memref<1x64xf32, #tpu.memory_space<vmem>> -> memref<64xf32, #tpu.memory_space<vmem>>
    %dma_start3A_78 = arith.constant 0 : i32
    %dma_start3A_79 = tpu.memref_slice %arg4[%shift_right_arithmetic3A_65, %and3A_67, %dma_start3A_78] : memref<125000x8x64xf32, #tpu.memory_space<hbm>> -> memref<1x1x64xf32, #tpu.memory_space<hbm>>
    %dma_start3A_80 = tpu.memref_squeeze %dma_start3A_79 : memref<1x1x64xf32, #tpu.memory_space<hbm>> -> memref<64xf32, #tpu.memory_space<hbm>>
    tpu.enqueue_dma source(%dma_start3A_80 : memref<64xf32, #tpu.memory_space<hbm>>) target(%dma_start3A_77 : memref<64xf32, #tpu.memory_space<vmem>>) target_semaphore(%arg9 : memref<!tpu.dma_semaphore, #tpu.memory_space<semaphore_mem>>)
    %slice3A_81 = vector.extract_strided_slice %select_n3A_46 {offsets = [2], sizes = [1], strides = [1]} : vector<16xi32> to vector<1xi32>
    %squeeze3A_82 = vector.extract %slice3A_81[0] : i32 from vector<1xi32>
    %shift_right_arithmetic3A_83 = arith.constant 3 : i32
    %shift_right_arithmetic3A_84 = arith.shrsi %squeeze3A_82, %shift_right_arithmetic3A_83 : i32
    %and3A_85 = arith.constant 7 : i32
    %and3A_86 = arith.andi %squeeze3A_82, %and3A_85 : i32
    %dma_start3A_87 = arith.constant 2 : i32
    %dma_start3A_88 = arith.constant 0 : i32
    %dma_start3A_89 = tpu.memref_slice %arg7[%dma_start3A_87, %dma_start3A_88] : memref<512x64xf32, #tpu.memory_space<vmem>> -> memref<1x64xf32, #tpu.memory_space<vmem>>
    %dma_start3A_90 = tpu.memref_squeeze %dma_start3A_89 : memref<1x64xf32, #tpu.memory_space<vmem>> -> memref<64xf32, #tpu.memory_space<vmem>>
    %dma_start3A_91 = arith.constant 0 : i32
    %dma_start3A_92 = tpu.memref_slice %arg4[%shift_right_arithmetic3A_84, %and3A_86, %dma_start3A_91] : memref<125000x8x64xf32, #tpu.memory_space<hbm>> -> memref<1x1x64xf32, #tpu.memory_space<hbm>>
    %dma_start3A_93 = tpu.memref_squeeze %dma_start3A_92 : memref<1x1x64xf32, #tpu.memory_space<hbm>> -> memref<64xf32, #tpu.memory_space<hbm>>
    %dma_start3A_94 = arith.constant 0 : i32
    %dma_start3A_95 = tpu.memref_slice %arg7[%dma_start3A_87, %dma_start3A_94] : memref<512x64xf32, #tpu.memory_space<vmem>> -> memref<1x64xf32, #tpu.memory_space<vmem>>
    %dma_start3A_96 = tpu.memref_squeeze %dma_start3A_95 : memref<1x64xf32, #tpu.memory_space<vmem>> -> memref<64xf32, #tpu.memory_space<vmem>>
    %dma_start3A_97 = arith.constant 0 : i32
    %dma_start3A_98 = tpu.memref_slice %arg4[%shift_right_arithmetic3A_84, %and3A_86, %dma_start3A_97] : memref<125000x8x64xf32, #tpu.memory_space<hbm>> -> memref<1x1x64xf32, #tpu.memory_space<hbm>>
    %dma_start3A_99 = tpu.memref_squeeze %dma_start3A_98 : memref<1x1x64xf32, #tpu.memory_space<hbm>> -> memref<64xf32, #tpu.memory_space<hbm>>
    tpu.enqueue_dma source(%dma_start3A_99 : memref<64xf32, #tpu.memory_space<hbm>>) target(%dma_start3A_96 : memref<64xf32, #tpu.memory_space<vmem>>) target_semaphore(%arg9 : memref<!tpu.dma_semaphore, #tpu.memory_space<semaphore_mem>>)
    %slice3A_100 = vector.extract_strided_slice %select_n3A_46 {offsets = [3], sizes = [1], strides = [1]} : vector<16xi32> to vector<1xi32>
    %squeeze3A_101 = vector.extract %slice3A_100[0] : i32 from vector<1xi32>
    %shift_right_arithmetic3A_102 = arith.constant 3 : i32
    %shift_right_arithmetic3A_103 = arith.shrsi %squeeze3A_101, %shift_right_arithmetic3A_102 : i32
    %and3A_104 = arith.constant 7 : i32
    %and3A_105 = arith.andi %squeeze3A_101, %and3A_104 : i32
    %dma_start3A_106 = arith.constant 3 : i32
    %dma_start3A_107 = arith.constant 0 : i32
    %dma_start3A_108 = tpu.memref_slice %arg7[%dma_start3A_106, %dma_start3A_107] : memref<512x64xf32, #tpu.memory_space<vmem>> -> memref<1x64xf32, #tpu.memory_space<vmem>>
    %dma_start3A_109 = tpu.memref_squeeze %dma_start3A_108 : memref<1x64xf32, #tpu.memory_space<vmem>> -> memref<64xf32, #tpu.memory_space<vmem>>
    %dma_start3A_110 = arith.constant 0 : i32
    %dma_start3A_111 = tpu.memref_slice %arg4[%shift_right_arithmetic3A_103, %and3A_105, %dma_start3A_110] : memref<125000x8x64xf32, #tpu.memory_space<hbm>> -> memref<1x1x64xf32, #tpu.memory_space<hbm>>
    %dma_start3A_112 = tpu.memref_squeeze %dma_start3A_111 : memref<1x1x64xf32, #tpu.memory_space<hbm>> -> memref<64xf32, #tpu.memory_space<hbm>>
    %dma_start3A_113 = arith.constant 0 : i32
    %dma_start3A_114 = tpu.memref_slice %arg7[%dma_start3A_106, %dma_start3A_113] : memref<512x64xf32, #tpu.memory_space<vmem>> -> memref<1x64xf32, #tpu.memory_space<vmem>>
    %dma_start3A_115 = tpu.memref_squeeze %dma_start3A_114 : memref<1x64xf32, #tpu.memory_space<vmem>> -> memref<64xf32, #tpu.memory_space<vmem>>
    %dma_start3A_116 = arith.constant 0 : i32
    %dma_start3A_117 = tpu.memref_slice %arg4[%shift_right_arithmetic3A_103, %and3A_105, %dma_start3A_116] : memref<125000x8x64xf32, #tpu.memory_space<hbm>> -> memref<1x1x64xf32, #tpu.memory_space<hbm>>
    %dma_start3A_118 = tpu.memref_squeeze %dma_start3A_117 : memref<1x1x64xf32, #tpu.memory_space<hbm>> -> memref<64xf32, #tpu.memory_space<hbm>>
    tpu.enqueue_dma source(%dma_start3A_118 : memref<64xf32, #tpu.memory_space<hbm>>) target(%dma_start3A_115 : memref<64xf32, #tpu.memory_space<vmem>>) target_semaphore(%arg9 : memref<!tpu.dma_semaphore, #tpu.memory_space<semaphore_mem>>)
    %slice3A_119 = vector.extract_strided_slice %select_n3A_46 {offsets = [4], sizes = [1], strides = [1]} : vector<16xi32> to vector<1xi32>
    %squeeze3A_120 = vector.extract %slice3A_119[0] : i32 from vector<1xi32>
    %shift_right_arithmetic3A_121 = arith.constant 3 : i32
    %shift_right_arithmetic3A_122 = arith.shrsi %squeeze3A_120, %shift_right_arithmetic3A_121 : i32
    %and3A_123 = arith.constant 7 : i32
    %and3A_124 = arith.andi %squeeze3A_120, %and3A_123 : i32
    %dma_start3A_125 = arith.constant 4 : i32
    %dma_start3A_126 = arith.constant 0 : i32
    %dma_start3A_127 = tpu.memref_slice %arg7[%dma_start3A_125, %dma_start3A_126] : memref<512x64xf32, #tpu.memory_space<vmem>> -> memref<1x64xf32, #tpu.memory_space<vmem>>
    %dma_start3A_128 = tpu.memref_squeeze %dma_start3A_127 : memref<1x64xf32, #tpu.memory_space<vmem>> -> memref<64xf32, #tpu.memory_space<vmem>>
    %dma_start3A_129 = arith.constant 0 : i32
    %dma_start3A_130 = tpu.memref_slice %arg4[%shift_right_arithmetic3A_122, %and3A_124, %dma_start3A_129] : memref<125000x8x64xf32, #tpu.memory_space<hbm>> -> memref<1x1x64xf32, #tpu.memory_space<hbm>>
    %dma_start3A_131 = tpu.memref_squeeze %dma_start3A_130 : memref<1x1x64xf32, #tpu.memory_space<hbm>> -> memref<64xf32, #tpu.memory_space<hbm>>
    %dma_start3A_132 = arith.constant 0 : i32
    %dma_start3A_133 = tpu.memref_slice %arg7[%dma_start3A_125, %dma_start3A_132] : memref<512x64xf32, #tpu.memory_space<vmem>> -> memref<1x64xf32, #tpu.memory_space<vmem>>
    %dma_start3A_134 = tpu.memref_squeeze %dma_start3A_133 : memref<1x64xf32, #tpu.memory_space<vmem>> -> memref<64xf32, #tpu.memory_space<vmem>>
    %dma_start3A_135 = arith.constant 0 : i32
    %dma_start3A_136 = tpu.memref_slice %arg4[%shift_right_arithmetic3A_122, %and3A_124, %dma_start3A_135] : memref<125000x8x64xf32, #tpu.memory_space<hbm>> -> memref<1x1x64xf32, #tpu.memory_space<hbm>>
    %dma_start3A_137 = tpu.memref_squeeze %dma_start3A_136 : memref<1x1x64xf32, #tpu.memory_space<hbm>> -> memref<64xf32, #tpu.memory_space<hbm>>
    tpu.enqueue_dma source(%dma_start3A_137 : memref<64xf32, #tpu.memory_space<hbm>>) target(%dma_start3A_134 : memref<64xf32, #tpu.memory_space<vmem>>) target_semaphore(%arg9 : memref<!tpu.dma_semaphore, #tpu.memory_space<semaphore_mem>>)
    %slice3A_138 = vector.extract_strided_slice %select_n3A_46 {offsets = [5], sizes = [1], strides = [1]} : vector<16xi32> to vector<1xi32>
    %squeeze3A_139 = vector.extract %slice3A_138[0] : i32 from vector<1xi32>
    %shift_right_arithmetic3A_140 = arith.constant 3 : i32
    %shift_right_arithmetic3A_141 = arith.shrsi %squeeze3A_139, %shift_right_arithmetic3A_140 : i32
    %and3A_142 = arith.constant 7 : i32
    %and3A_143 = arith.andi %squeeze3A_139, %and3A_142 : i32
    %dma_start3A_144 = arith.constant 5 : i32
    %dma_start3A_145 = arith.constant 0 : i32
    %dma_start3A_146 = tpu.memref_slice %arg7[%dma_start3A_144, %dma_start3A_145] : memref<512x64xf32, #tpu.memory_space<vmem>> -> memref<1x64xf32, #tpu.memory_space<vmem>>
    %dma_start3A_147 = tpu.memref_squeeze %dma_start3A_146 : memref<1x64xf32, #tpu.memory_space<vmem>> -> memref<64xf32, #tpu.memory_space<vmem>>
    %dma_start3A_148 = arith.constant 0 : i32
    %dma_start3A_149 = tpu.memref_slice %arg4[%shift_right_arithmetic3A_141, %and3A_143, %dma_start3A_148] : memref<125000x8x64xf32, #tpu.memory_space<hbm>> -> memref<1x1x64xf32, #tpu.memory_space<hbm>>
    %dma_start3A_150 = tpu.memref_squeeze %dma_start3A_149 : memref<1x1x64xf32, #tpu.memory_space<hbm>> -> memref<64xf32, #tpu.memory_space<hbm>>
    %dma_start3A_151 = arith.constant 0 : i32
    %dma_start3A_152 = tpu.memref_slice %arg7[%dma_start3A_144, %dma_start3A_151] : memref<512x64xf32, #tpu.memory_space<vmem>> -> memref<1x64xf32, #tpu.memory_space<vmem>>
    %dma_start3A_153 = tpu.memref_squeeze %dma_start3A_152 : memref<1x64xf32, #tpu.memory_space<vmem>> -> memref<64xf32, #tpu.memory_space<vmem>>
    %dma_start3A_154 = arith.constant 0 : i32
    %dma_start3A_155 = tpu.memref_slice %arg4[%shift_right_arithmetic3A_141, %and3A_143, %dma_start3A_154] : memref<125000x8x64xf32, #tpu.memory_space<hbm>> -> memref<1x1x64xf32, #tpu.memory_space<hbm>>
    %dma_start3A_156 = tpu.memref_squeeze %dma_start3A_155 : memref<1x1x64xf32, #tpu.memory_space<hbm>> -> memref<64xf32, #tpu.memory_space<hbm>>
    tpu.enqueue_dma source(%dma_start3A_156 : memref<64xf32, #tpu.memory_space<hbm>>) target(%dma_start3A_153 : memref<64xf32, #tpu.memory_space<vmem>>) target_semaphore(%arg9 : memref<!tpu.dma_semaphore, #tpu.memory_space<semaphore_mem>>)
    %slice3A_157 = vector.extract_strided_slice %select_n3A_46 {offsets = [6], sizes = [1], strides = [1]} : vector<16xi32> to vector<1xi32>
    %squeeze3A_158 = vector.extract %slice3A_157[0] : i32 from vector<1xi32>
    %shift_right_arithmetic3A_159 = arith.constant 3 : i32
    %shift_right_arithmetic3A_160 = arith.shrsi %squeeze3A_158, %shift_right_arithmetic3A_159 : i32
    %and3A_161 = arith.constant 7 : i32
    %and3A_162 = arith.andi %squeeze3A_158, %and3A_161 : i32
    %dma_start3A_163 = arith.constant 6 : i32
    %dma_start3A_164 = arith.constant 0 : i32
    %dma_start3A_165 = tpu.memref_slice %arg7[%dma_start3A_163, %dma_start3A_164] : memref<512x64xf32, #tpu.memory_space<vmem>> -> memref<1x64xf32, #tpu.memory_space<vmem>>
    %dma_start3A_166 = tpu.memref_squeeze %dma_start3A_165 : memref<1x64xf32, #tpu.memory_space<vmem>> -> memref<64xf32, #tpu.memory_space<vmem>>
    %dma_start3A_167 = arith.constant 0 : i32
    %dma_start3A_168 = tpu.memref_slice %arg4[%shift_right_arithmetic3A_160, %and3A_162, %dma_start3A_167] : memref<125000x8x64xf32, #tpu.memory_space<hbm>> -> memref<1x1x64xf32, #tpu.memory_space<hbm>>
    %dma_start3A_169 = tpu.memref_squeeze %dma_start3A_168 : memref<1x1x64xf32, #tpu.memory_space<hbm>> -> memref<64xf32, #tpu.memory_space<hbm>>
    %dma_start3A_170 = arith.constant 0 : i32
    %dma_start3A_171 = tpu.memref_slice %arg7[%dma_start3A_163, %dma_start3A_170] : memref<512x64xf32, #tpu.memory_space<vmem>> -> memref<1x64xf32, #tpu.memory_space<vmem>>
    %dma_start3A_172 = tpu.memref_squeeze %dma_start3A_171 : memref<1x64xf32, #tpu.memory_space<vmem>> -> memref<64xf32, #tpu.memory_space<vmem>>
    %dma_start3A_173 = arith.constant 0 : i32
    %dma_start3A_174 = tpu.memref_slice %arg4[%shift_right_arithmetic3A_160, %and3A_162, %dma_start3A_173] : memref<125000x8x64xf32, #tpu.memory_space<hbm>> -> memref<1x1x64xf32, #tpu.memory_space<hbm>>
    %dma_start3A_175 = tpu.memref_squeeze %dma_start3A_174 : memref<1x1x64xf32, #tpu.memory_space<hbm>> -> memref<64xf32, #tpu.memory_space<hbm>>
    tpu.enqueue_dma source(%dma_start3A_175 : memref<64xf32, #tpu.memory_space<hbm>>) target(%dma_start3A_172 : memref<64xf32, #tpu.memory_space<vmem>>) target_semaphore(%arg9 : memref<!tpu.dma_semaphore, #tpu.memory_space<semaphore_mem>>)
    %slice3A_176 = vector.extract_strided_slice %select_n3A_46 {offsets = [7], sizes = [1], strides = [1]} : vector<16xi32> to vector<1xi32>
    %squeeze3A_177 = vector.extract %slice3A_176[0] : i32 from vector<1xi32>
    %shift_right_arithmetic3A_178 = arith.constant 3 : i32
    %shift_right_arithmetic3A_179 = arith.shrsi %squeeze3A_177, %shift_right_arithmetic3A_178 : i32
    %and3A_180 = arith.constant 7 : i32
    %and3A_181 = arith.andi %squeeze3A_177, %and3A_180 : i32
    %dma_start3A_182 = arith.constant 7 : i32
    %dma_start3A_183 = arith.constant 0 : i32
    %dma_start3A_184 = tpu.memref_slice %arg7[%dma_start3A_182, %dma_start3A_183] : memref<512x64xf32, #tpu.memory_space<vmem>> -> memref<1x64xf32, #tpu.memory_space<vmem>>
    %dma_start3A_185 = tpu.memref_squeeze %dma_start3A_184 : memref<1x64xf32, #tpu.memory_space<vmem>> -> memref<64xf32, #tpu.memory_space<vmem>>
    %dma_start3A_186 = arith.constant 0 : i32
    %dma_start3A_187 = tpu.memref_slice %arg4[%shift_right_arithmetic3A_179, %and3A_181, %dma_start3A_186] : memref<125000x8x64xf32, #tpu.memory_space<hbm>> -> memref<1x1x64xf32, #tpu.memory_space<hbm>>
    %dma_start3A_188 = tpu.memref_squeeze %dma_start3A_187 : memref<1x1x64xf32, #tpu.memory_space<hbm>> -> memref<64xf32, #tpu.memory_space<hbm>>
    %dma_start3A_189 = arith.constant 0 : i32
    %dma_start3A_190 = tpu.memref_slice %arg7[%dma_start3A_182, %dma_start3A_189] : memref<512x64xf32, #tpu.memory_space<vmem>> -> memref<1x64xf32, #tpu.memory_space<vmem>>
    %dma_start3A_191 = tpu.memref_squeeze %dma_start3A_190 : memref<1x64xf32, #tpu.memory_space<vmem>> -> memref<64xf32, #tpu.memory_space<vmem>>
    %dma_start3A_192 = arith.constant 0 : i32
    %dma_start3A_193 = tpu.memref_slice %arg4[%shift_right_arithmetic3A_179, %and3A_181, %dma_start3A_192] : memref<125000x8x64xf32, #tpu.memory_space<hbm>> -> memref<1x1x64xf32, #tpu.memory_space<hbm>>
    %dma_start3A_194 = tpu.memref_squeeze %dma_start3A_193 : memref<1x1x64xf32, #tpu.memory_space<hbm>> -> memref<64xf32, #tpu.memory_space<hbm>>
    tpu.enqueue_dma source(%dma_start3A_194 : memref<64xf32, #tpu.memory_space<hbm>>) target(%dma_start3A_191 : memref<64xf32, #tpu.memory_space<vmem>>) target_semaphore(%arg9 : memref<!tpu.dma_semaphore, #tpu.memory_space<semaphore_mem>>)
    %slice3A_195 = vector.extract_strided_slice %select_n3A_46 {offsets = [8], sizes = [1], strides = [1]} : vector<16xi32> to vector<1xi32>
    %squeeze3A_196 = vector.extract %slice3A_195[0] : i32 from vector<1xi32>
    %shift_right_arithmetic3A_197 = arith.constant 3 : i32
    %shift_right_arithmetic3A_198 = arith.shrsi %squeeze3A_196, %shift_right_arithmetic3A_197 : i32
    %and3A_199 = arith.constant 7 : i32
    %and3A_200 = arith.andi %squeeze3A_196, %and3A_199 : i32
    %dma_start3A_201 = arith.constant 8 : i32
    %dma_start3A_202 = arith.constant 0 : i32
    %dma_start3A_203 = tpu.memref_slice %arg7[%dma_start3A_201, %dma_start3A_202] : memref<512x64xf32, #tpu.memory_space<vmem>> -> memref<1x64xf32, #tpu.memory_space<vmem>>
    %dma_start3A_204 = tpu.memref_squeeze %dma_start3A_203 : memref<1x64xf32, #tpu.memory_space<vmem>> -> memref<64xf32, #tpu.memory_space<vmem>>
    %dma_start3A_205 = arith.constant 0 : i32
    %dma_start3A_206 = tpu.memref_slice %arg4[%shift_right_arithmetic3A_198, %and3A_200, %dma_start3A_205] : memref<125000x8x64xf32, #tpu.memory_space<hbm>> -> memref<1x1x64xf32, #tpu.memory_space<hbm>>
    %dma_start3A_207 = tpu.memref_squeeze %dma_start3A_206 : memref<1x1x64xf32, #tpu.memory_space<hbm>> -> memref<64xf32, #tpu.memory_space<hbm>>
    %dma_start3A_208 = arith.constant 0 : i32
    %dma_start3A_209 = tpu.memref_slice %arg7[%dma_start3A_201, %dma_start3A_208] : memref<512x64xf32, #tpu.memory_space<vmem>> -> memref<1x64xf32, #tpu.memory_space<vmem>>
    %dma_start3A_210 = tpu.memref_squeeze %dma_start3A_209 : memref<1x64xf32, #tpu.memory_space<vmem>> -> memref<64xf32, #tpu.memory_space<vmem>>
    %dma_start3A_211 = arith.constant 0 : i32
    %dma_start3A_212 = tpu.memref_slice %arg4[%shift_right_arithmetic3A_198, %and3A_200, %dma_start3A_211] : memref<125000x8x64xf32, #tpu.memory_space<hbm>> -> memref<1x1x64xf32, #tpu.memory_space<hbm>>
    %dma_start3A_213 = tpu.memref_squeeze %dma_start3A_212 : memref<1x1x64xf32, #tpu.memory_space<hbm>> -> memref<64xf32, #tpu.memory_space<hbm>>
    tpu.enqueue_dma source(%dma_start3A_213 : memref<64xf32, #tpu.memory_space<hbm>>) target(%dma_start3A_210 : memref<64xf32, #tpu.memory_space<vmem>>) target_semaphore(%arg9 : memref<!tpu.dma_semaphore, #tpu.memory_space<semaphore_mem>>)
    %slice3A_214 = vector.extract_strided_slice %select_n3A_46 {offsets = [9], sizes = [1], strides = [1]} : vector<16xi32> to vector<1xi32>
    %squeeze3A_215 = vector.extract %slice3A_214[0] : i32 from vector<1xi32>
    %shift_right_arithmetic3A_216 = arith.constant 3 : i32
    %shift_right_arithmetic3A_217 = arith.shrsi %squeeze3A_215, %shift_right_arithmetic3A_216 : i32
    %and3A_218 = arith.constant 7 : i32
    %and3A_219 = arith.andi %squeeze3A_215, %and3A_218 : i32
    %dma_start3A_220 = arith.constant 9 : i32
    %dma_start3A_221 = arith.constant 0 : i32
    %dma_start3A_222 = tpu.memref_slice %arg7[%dma_start3A_220, %dma_start3A_221] : memref<512x64xf32, #tpu.memory_space<vmem>> -> memref<1x64xf32, #tpu.memory_space<vmem>>
    %dma_start3A_223 = tpu.memref_squeeze %dma_start3A_222 : memref<1x64xf32, #tpu.memory_space<vmem>> -> memref<64xf32, #tpu.memory_space<vmem>>
    %dma_start3A_224 = arith.constant 0 : i32
    %dma_start3A_225 = tpu.memref_slice %arg4[%shift_right_arithmetic3A_217, %and3A_219, %dma_start3A_224] : memref<125000x8x64xf32, #tpu.memory_space<hbm>> -> memref<1x1x64xf32, #tpu.memory_space<hbm>>
    %dma_start3A_226 = tpu.memref_squeeze %dma_start3A_225 : memref<1x1x64xf32, #tpu.memory_space<hbm>> -> memref<64xf32, #tpu.memory_space<hbm>>
    %dma_start3A_227 = arith.constant 0 : i32
    %dma_start3A_228 = tpu.memref_slice %arg7[%dma_start3A_220, %dma_start3A_227] : memref<512x64xf32, #tpu.memory_space<vmem>> -> memref<1x64xf32, #tpu.memory_space<vmem>>
    %dma_start3A_229 = tpu.memref_squeeze %dma_start3A_228 : memref<1x64xf32, #tpu.memory_space<vmem>> -> memref<64xf32, #tpu.memory_space<vmem>>
    %dma_start3A_230 = arith.constant 0 : i32
    %dma_start3A_231 = tpu.memref_slice %arg4[%shift_right_arithmetic3A_217, %and3A_219, %dma_start3A_230] : memref<125000x8x64xf32, #tpu.memory_space<hbm>> -> memref<1x1x64xf32, #tpu.memory_space<hbm>>
    %dma_start3A_232 = tpu.memref_squeeze %dma_start3A_231 : memref<1x1x64xf32, #tpu.memory_space<hbm>> -> memref<64xf32, #tpu.memory_space<hbm>>
    tpu.enqueue_dma source(%dma_start3A_232 : memref<64xf32, #tpu.memory_space<hbm>>) target(%dma_start3A_229 : memref<64xf32, #tpu.memory_space<vmem>>) target_semaphore(%arg9 : memref<!tpu.dma_semaphore, #tpu.memory_space<semaphore_mem>>)
    %slice3A_233 = vector.extract_strided_slice %select_n3A_46 {offsets = [10], sizes = [1], strides = [1]} : vector<16xi32> to vector<1xi32>
    %squeeze3A_234 = vector.extract %slice3A_233[0] : i32 from vector<1xi32>
    %shift_right_arithmetic3A_235 = arith.constant 3 : i32
    %shift_right_arithmetic3A_236 = arith.shrsi %squeeze3A_234, %shift_right_arithmetic3A_235 : i32
    %and3A_237 = arith.constant 7 : i32
    %and3A_238 = arith.andi %squeeze3A_234, %and3A_237 : i32
    %dma_start3A_239 = arith.constant 10 : i32
    %dma_start3A_240 = arith.constant 0 : i32
    %dma_start3A_241 = tpu.memref_slice %arg7[%dma_start3A_239, %dma_start3A_240] : memref<512x64xf32, #tpu.memory_space<vmem>> -> memref<1x64xf32, #tpu.memory_space<vmem>>
    %dma_start3A_242 = tpu.memref_squeeze %dma_start3A_241 : memref<1x64xf32, #tpu.memory_space<vmem>> -> memref<64xf32, #tpu.memory_space<vmem>>
    %dma_start3A_243 = arith.constant 0 : i32
    %dma_start3A_244 = tpu.memref_slice %arg4[%shift_right_arithmetic3A_236, %and3A_238, %dma_start3A_243] : memref<125000x8x64xf32, #tpu.memory_space<hbm>> -> memref<1x1x64xf32, #tpu.memory_space<hbm>>
    %dma_start3A_245 = tpu.memref_squeeze %dma_start3A_244 : memref<1x1x64xf32, #tpu.memory_space<hbm>> -> memref<64xf32, #tpu.memory_space<hbm>>
    %dma_start3A_246 = arith.constant 0 : i32
    %dma_start3A_247 = tpu.memref_slice %arg7[%dma_start3A_239, %dma_start3A_246] : memref<512x64xf32, #tpu.memory_space<vmem>> -> memref<1x64xf32, #tpu.memory_space<vmem>>
    %dma_start3A_248 = tpu.memref_squeeze %dma_start3A_247 : memref<1x64xf32, #tpu.memory_space<vmem>> -> memref<64xf32, #tpu.memory_space<vmem>>
    %dma_start3A_249 = arith.constant 0 : i32
    %dma_start3A_250 = tpu.memref_slice %arg4[%shift_right_arithmetic3A_236, %and3A_238, %dma_start3A_249] : memref<125000x8x64xf32, #tpu.memory_space<hbm>> -> memref<1x1x64xf32, #tpu.memory_space<hbm>>
    %dma_start3A_251 = tpu.memref_squeeze %dma_start3A_250 : memref<1x1x64xf32, #tpu.memory_space<hbm>> -> memref<64xf32, #tpu.memory_space<hbm>>
    tpu.enqueue_dma source(%dma_start3A_251 : memref<64xf32, #tpu.memory_space<hbm>>) target(%dma_start3A_248 : memref<64xf32, #tpu.memory_space<vmem>>) target_semaphore(%arg9 : memref<!tpu.dma_semaphore, #tpu.memory_space<semaphore_mem>>)
    %slice3A_252 = vector.extract_strided_slice %select_n3A_46 {offsets = [11], sizes = [1], strides = [1]} : vector<16xi32> to vector<1xi32>
    %squeeze3A_253 = vector.extract %slice3A_252[0] : i32 from vector<1xi32>
    %shift_right_arithmetic3A_254 = arith.constant 3 : i32
    %shift_right_arithmetic3A_255 = arith.shrsi %squeeze3A_253, %shift_right_arithmetic3A_254 : i32
    %and3A_256 = arith.constant 7 : i32
    %and3A_257 = arith.andi %squeeze3A_253, %and3A_256 : i32
    %dma_start3A_258 = arith.constant 11 : i32
    %dma_start3A_259 = arith.constant 0 : i32
    %dma_start3A_260 = tpu.memref_slice %arg7[%dma_start3A_258, %dma_start3A_259] : memref<512x64xf32, #tpu.memory_space<vmem>> -> memref<1x64xf32, #tpu.memory_space<vmem>>
    %dma_start3A_261 = tpu.memref_squeeze %dma_start3A_260 : memref<1x64xf32, #tpu.memory_space<vmem>> -> memref<64xf32, #tpu.memory_space<vmem>>
    %dma_start3A_262 = arith.constant 0 : i32
    %dma_start3A_263 = tpu.memref_slice %arg4[%shift_right_arithmetic3A_255, %and3A_257, %dma_start3A_262] : memref<125000x8x64xf32, #tpu.memory_space<hbm>> -> memref<1x1x64xf32, #tpu.memory_space<hbm>>
    %dma_start3A_264 = tpu.memref_squeeze %dma_start3A_263 : memref<1x1x64xf32, #tpu.memory_space<hbm>> -> memref<64xf32, #tpu.memory_space<hbm>>
    %dma_start3A_265 = arith.constant 0 : i32
    %dma_start3A_266 = tpu.memref_slice %arg7[%dma_start3A_258, %dma_start3A_265] : memref<512x64xf32, #tpu.memory_space<vmem>> -> memref<1x64xf32, #tpu.memory_space<vmem>>
    %dma_start3A_267 = tpu.memref_squeeze %dma_start3A_266 : memref<1x64xf32, #tpu.memory_space<vmem>> -> memref<64xf32, #tpu.memory_space<vmem>>
    %dma_start3A_268 = arith.constant 0 : i32
    %dma_start3A_269 = tpu.memref_slice %arg4[%shift_right_arithmetic3A_255, %and3A_257, %dma_start3A_268] : memref<125000x8x64xf32, #tpu.memory_space<hbm>> -> memref<1x1x64xf32, #tpu.memory_space<hbm>>
    %dma_start3A_270 = tpu.memref_squeeze %dma_start3A_269 : memref<1x1x64xf32, #tpu.memory_space<hbm>> -> memref<64xf32, #tpu.memory_space<hbm>>
    tpu.enqueue_dma source(%dma_start3A_270 : memref<64xf32, #tpu.memory_space<hbm>>) target(%dma_start3A_267 : memref<64xf32, #tpu.memory_space<vmem>>) target_semaphore(%arg9 : memref<!tpu.dma_semaphore, #tpu.memory_space<semaphore_mem>>)
    %slice3A_271 = vector.extract_strided_slice %select_n3A_46 {offsets = [12], sizes = [1], strides = [1]} : vector<16xi32> to vector<1xi32>
    %squeeze3A_272 = vector.extract %slice3A_271[0] : i32 from vector<1xi32>
    %shift_right_arithmetic3A_273 = arith.constant 3 : i32
    %shift_right_arithmetic3A_274 = arith.shrsi %squeeze3A_272, %shift_right_arithmetic3A_273 : i32
    %and3A_275 = arith.constant 7 : i32
    %and3A_276 = arith.andi %squeeze3A_272, %and3A_275 : i32
    %dma_start3A_277 = arith.constant 12 : i32
    %dma_start3A_278 = arith.constant 0 : i32
    %dma_start3A_279 = tpu.memref_slice %arg7[%dma_start3A_277, %dma_start3A_278] : memref<512x64xf32, #tpu.memory_space<vmem>> -> memref<1x64xf32, #tpu.memory_space<vmem>>
    %dma_start3A_280 = tpu.memref_squeeze %dma_start3A_279 : memref<1x64xf32, #tpu.memory_space<vmem>> -> memref<64xf32, #tpu.memory_space<vmem>>
    %dma_start3A_281 = arith.constant 0 : i32
    %dma_start3A_282 = tpu.memref_slice %arg4[%shift_right_arithmetic3A_274, %and3A_276, %dma_start3A_281] : memref<125000x8x64xf32, #tpu.memory_space<hbm>> -> memref<1x1x64xf32, #tpu.memory_space<hbm>>
    %dma_start3A_283 = tpu.memref_squeeze %dma_start3A_282 : memref<1x1x64xf32, #tpu.memory_space<hbm>> -> memref<64xf32, #tpu.memory_space<hbm>>
    %dma_start3A_284 = arith.constant 0 : i32
    %dma_start3A_285 = tpu.memref_slice %arg7[%dma_start3A_277, %dma_start3A_284] : memref<512x64xf32, #tpu.memory_space<vmem>> -> memref<1x64xf32, #tpu.memory_space<vmem>>
    %dma_start3A_286 = tpu.memref_squeeze %dma_start3A_285 : memref<1x64xf32, #tpu.memory_space<vmem>> -> memref<64xf32, #tpu.memory_space<vmem>>
    %dma_start3A_287 = arith.constant 0 : i32
    %dma_start3A_288 = tpu.memref_slice %arg4[%shift_right_arithmetic3A_274, %and3A_276, %dma_start3A_287] : memref<125000x8x64xf32, #tpu.memory_space<hbm>> -> memref<1x1x64xf32, #tpu.memory_space<hbm>>
    %dma_start3A_289 = tpu.memref_squeeze %dma_start3A_288 : memref<1x1x64xf32, #tpu.memory_space<hbm>> -> memref<64xf32, #tpu.memory_space<hbm>>
    tpu.enqueue_dma source(%dma_start3A_289 : memref<64xf32, #tpu.memory_space<hbm>>) target(%dma_start3A_286 : memref<64xf32, #tpu.memory_space<vmem>>) target_semaphore(%arg9 : memref<!tpu.dma_semaphore, #tpu.memory_space<semaphore_mem>>)
    %slice3A_290 = vector.extract_strided_slice %select_n3A_46 {offsets = [13], sizes = [1], strides = [1]} : vector<16xi32> to vector<1xi32>
    %squeeze3A_291 = vector.extract %slice3A_290[0] : i32 from vector<1xi32>
    %shift_right_arithmetic3A_292 = arith.constant 3 : i32
    %shift_right_arithmetic3A_293 = arith.shrsi %squeeze3A_291, %shift_right_arithmetic3A_292 : i32
    %and3A_294 = arith.constant 7 : i32
    %and3A_295 = arith.andi %squeeze3A_291, %and3A_294 : i32
    %dma_start3A_296 = arith.constant 13 : i32
    %dma_start3A_297 = arith.constant 0 : i32
    %dma_start3A_298 = tpu.memref_slice %arg7[%dma_start3A_296, %dma_start3A_297] : memref<512x64xf32, #tpu.memory_space<vmem>> -> memref<1x64xf32, #tpu.memory_space<vmem>>
    %dma_start3A_299 = tpu.memref_squeeze %dma_start3A_298 : memref<1x64xf32, #tpu.memory_space<vmem>> -> memref<64xf32, #tpu.memory_space<vmem>>
    %dma_start3A_300 = arith.constant 0 : i32
    %dma_start3A_301 = tpu.memref_slice %arg4[%shift_right_arithmetic3A_293, %and3A_295, %dma_start3A_300] : memref<125000x8x64xf32, #tpu.memory_space<hbm>> -> memref<1x1x64xf32, #tpu.memory_space<hbm>>
    %dma_start3A_302 = tpu.memref_squeeze %dma_start3A_301 : memref<1x1x64xf32, #tpu.memory_space<hbm>> -> memref<64xf32, #tpu.memory_space<hbm>>
    %dma_start3A_303 = arith.constant 0 : i32
    %dma_start3A_304 = tpu.memref_slice %arg7[%dma_start3A_296, %dma_start3A_303] : memref<512x64xf32, #tpu.memory_space<vmem>> -> memref<1x64xf32, #tpu.memory_space<vmem>>
    %dma_start3A_305 = tpu.memref_squeeze %dma_start3A_304 : memref<1x64xf32, #tpu.memory_space<vmem>> -> memref<64xf32, #tpu.memory_space<vmem>>
    %dma_start3A_306 = arith.constant 0 : i32
    %dma_start3A_307 = tpu.memref_slice %arg4[%shift_right_arithmetic3A_293, %and3A_295, %dma_start3A_306] : memref<125000x8x64xf32, #tpu.memory_space<hbm>> -> memref<1x1x64xf32, #tpu.memory_space<hbm>>
    %dma_start3A_308 = tpu.memref_squeeze %dma_start3A_307 : memref<1x1x64xf32, #tpu.memory_space<hbm>> -> memref<64xf32, #tpu.memory_space<hbm>>
    tpu.enqueue_dma source(%dma_start3A_308 : memref<64xf32, #tpu.memory_space<hbm>>) target(%dma_start3A_305 : memref<64xf32, #tpu.memory_space<vmem>>) target_semaphore(%arg9 : memref<!tpu.dma_semaphore, #tpu.memory_space<semaphore_mem>>)
    %slice3A_309 = vector.extract_strided_slice %select_n3A_46 {offsets = [14], sizes = [1], strides = [1]} : vector<16xi32> to vector<1xi32>
    %squeeze3A_310 = vector.extract %slice3A_309[0] : i32 from vector<1xi32>
    %shift_right_arithmetic3A_311 = arith.constant 3 : i32
    %shift_right_arithmetic3A_312 = arith.shrsi %squeeze3A_310, %shift_right_arithmetic3A_311 : i32
    %and3A_313 = arith.constant 7 : i32
    %and3A_314 = arith.andi %squeeze3A_310, %and3A_313 : i32
    %dma_start3A_315 = arith.constant 14 : i32
    %dma_start3A_316 = arith.constant 0 : i32
    %dma_start3A_317 = tpu.memref_slice %arg7[%dma_start3A_315, %dma_start3A_316] : memref<512x64xf32, #tpu.memory_space<vmem>> -> memref<1x64xf32, #tpu.memory_space<vmem>>
    %dma_start3A_318 = tpu.memref_squeeze %dma_start3A_317 : memref<1x64xf32, #tpu.memory_space<vmem>> -> memref<64xf32, #tpu.memory_space<vmem>>
    %dma_start3A_319 = arith.constant 0 : i32
    %dma_start3A_320 = tpu.memref_slice %arg4[%shift_right_arithmetic3A_312, %and3A_314, %dma_start3A_319] : memref<125000x8x64xf32, #tpu.memory_space<hbm>> -> memref<1x1x64xf32, #tpu.memory_space<hbm>>
    %dma_start3A_321 = tpu.memref_squeeze %dma_start3A_320 : memref<1x1x64xf32, #tpu.memory_space<hbm>> -> memref<64xf32, #tpu.memory_space<hbm>>
    %dma_start3A_322 = arith.constant 0 : i32
    %dma_start3A_323 = tpu.memref_slice %arg7[%dma_start3A_315, %dma_start3A_322] : memref<512x64xf32, #tpu.memory_space<vmem>> -> memref<1x64xf32, #tpu.memory_space<vmem>>
    %dma_start3A_324 = tpu.memref_squeeze %dma_start3A_323 : memref<1x64xf32, #tpu.memory_space<vmem>> -> memref<64xf32, #tpu.memory_space<vmem>>
    %dma_start3A_325 = arith.constant 0 : i32
    %dma_start3A_326 = tpu.memref_slice %arg4[%shift_right_arithmetic3A_312, %and3A_314, %dma_start3A_325] : memref<125000x8x64xf32, #tpu.memory_space<hbm>> -> memref<1x1x64xf32, #tpu.memory_space<hbm>>
    %dma_start3A_327 = tpu.memref_squeeze %dma_start3A_326 : memref<1x1x64xf32, #tpu.memory_space<hbm>> -> memref<64xf32, #tpu.memory_space<hbm>>
    tpu.enqueue_dma source(%dma_start3A_327 : memref<64xf32, #tpu.memory_space<hbm>>) target(%dma_start3A_324 : memref<64xf32, #tpu.memory_space<vmem>>) target_semaphore(%arg9 : memref<!tpu.dma_semaphore, #tpu.memory_space<semaphore_mem>>)
    %slice3A_328 = vector.extract_strided_slice %select_n3A_46 {offsets = [15], sizes = [1], strides = [1]} : vector<16xi32> to vector<1xi32>
    %squeeze3A_329 = vector.extract %slice3A_328[0] : i32 from vector<1xi32>
    %shift_right_arithmetic3A_330 = arith.constant 3 : i32
    %shift_right_arithmetic3A_331 = arith.shrsi %squeeze3A_329, %shift_right_arithmetic3A_330 : i32
    %and3A_332 = arith.constant 7 : i32
    %and3A_333 = arith.andi %squeeze3A_329, %and3A_332 : i32
    %dma_start3A_334 = arith.constant 15 : i32
    %dma_start3A_335 = arith.constant 0 : i32
    %dma_start3A_336 = tpu.memref_slice %arg7[%dma_start3A_334, %dma_start3A_335] : memref<512x64xf32, #tpu.memory_space<vmem>> -> memref<1x64xf32, #tpu.memory_space<vmem>>
    %dma_start3A_337 = tpu.memref_squeeze %dma_start3A_336 : memref<1x64xf32, #tpu.memory_space<vmem>> -> memref<64xf32, #tpu.memory_space<vmem>>
    %dma_start3A_338 = arith.constant 0 : i32
    %dma_start3A_339 = tpu.memref_slice %arg4[%shift_right_arithmetic3A_331, %and3A_333, %dma_start3A_338] : memref<125000x8x64xf32, #tpu.memory_space<hbm>> -> memref<1x1x64xf32, #tpu.memory_space<hbm>>
    %dma_start3A_340 = tpu.memref_squeeze %dma_start3A_339 : memref<1x1x64xf32, #tpu.memory_space<hbm>> -> memref<64xf32, #tpu.memory_space<hbm>>
    %dma_start3A_341 = arith.constant 0 : i32
    %dma_start3A_342 = tpu.memref_slice %arg7[%dma_start3A_334, %dma_start3A_341] : memref<512x64xf32, #tpu.memory_space<vmem>> -> memref<1x64xf32, #tpu.memory_space<vmem>>
    %dma_start3A_343 = tpu.memref_squeeze %dma_start3A_342 : memref<1x64xf32, #tpu.memory_space<vmem>> -> memref<64xf32, #tpu.memory_space<vmem>>
    %dma_start3A_344 = arith.constant 0 : i32
    %dma_start3A_345 = tpu.memref_slice %arg4[%shift_right_arithmetic3A_331, %and3A_333, %dma_start3A_344] : memref<125000x8x64xf32, #tpu.memory_space<hbm>> -> memref<1x1x64xf32, #tpu.memory_space<hbm>>
    %dma_start3A_346 = tpu.memref_squeeze %dma_start3A_345 : memref<1x1x64xf32, #tpu.memory_space<hbm>> -> memref<64xf32, #tpu.memory_space<hbm>>
    tpu.enqueue_dma source(%dma_start3A_346 : memref<64xf32, #tpu.memory_space<hbm>>) target(%dma_start3A_343 : memref<64xf32, #tpu.memory_space<vmem>>) target_semaphore(%arg9 : memref<!tpu.dma_semaphore, #tpu.memory_space<semaphore_mem>>)
    %scan3A = arith.constant 0 : i32
    %scan3A_347 = arith.constant 1 : i32
    %scan3A_348 = arith.constant 31 : i32
    %scan3A_349 = arith.addi %scan3A_347, %scan3A_348 : i32
    %scan3A_350 = arith.constant 1 : i32
    scf.for %scan3A_365 = %scan3A_347 to %scan3A_349 step %scan3A_350  : i32 {
      %mul3A_366 = arith.constant 16 : i32
      %mul3A_367 = arith.muli %scan3A_365, %mul3A_366 : i32
      %add3A_368 = arith.constant 8 : i32
      %add3A_369 = arith.addi %add3A_368, %mul3A_367 : i32
      %get3A_370 = arith.index_cast %add3A_369 : i32 to index
      %get3A_371 = tpu.vector_load %arg6[%get3A_370] {strides = array<i32>} : memref<520xi32, #tpu.memory_space<vmem>>, vector<16xi32>,
      %get3A_372 = vector.shape_cast %get3A_371 : vector<16xi32> to vector<16xi32>
      %mul3A_373 = arith.constant 16 : i32
      %mul3A_374 = arith.muli %scan3A_365, %mul3A_373 : i32
      %add3A_375 = arith.constant 7 : i32
      %add3A_376 = arith.addi %add3A_375, %mul3A_374 : i32
      %get3A_377 = arith.index_cast %add3A_376 : i32 to index
      %get3A_378 = tpu.vector_load %arg6[%get3A_377] {strides = array<i32>} : memref<520xi32, #tpu.memory_space<vmem>>, vector<16xi32>,
      %get3A_379 = vector.shape_cast %get3A_378 : vector<16xi32> to vector<16xi32>
      %mul3A_380 = arith.constant 36313 : i32
      %mul3A_381 = vector.broadcast %mul3A_380 : i32 to vector<16xi32>
      %mul3A_382 = arith.muli %get3A_372, %mul3A_381 : vector<16xi32>
      %mul3A_383 = arith.constant 27191 : i32
      %mul3A_384 = vector.broadcast %mul3A_383 : i32 to vector<16xi32>
      %mul3A_385 = arith.muli %get3A_379, %mul3A_384 : vector<16xi32>
      %xor3A_386 = arith.xori %mul3A_382, %mul3A_385 : vector<16xi32>
      %convert_element_type3A_387 = arith.sitofp %xor3A_386 : vector<16xi32> to vector<16xf32>
      %mul3A_388 = vector.broadcast %div3A_9 : f32 to vector<16xf32>
      %mul3A_389 = arith.mulf %convert_element_type3A_387, %mul3A_388 : vector<16xf32>
      %convert_element_type3A_390 = arith.fptosi %mul3A_389 : vector<16xf32> to vector<16xi32>
      %mul3A_391 = arith.constant 999999 : i32
      %mul3A_392 = vector.broadcast %mul3A_391 : i32 to vector<16xi32>
      %mul3A_393 = arith.muli %convert_element_type3A_390, %mul3A_392 : vector<16xi32>
      %sub3A_394 = arith.subi %xor3A_386, %mul3A_393 : vector<16xi32>
      %lt3A_395 = arith.constant 0 : i32
      %lt3A_396 = vector.broadcast %lt3A_395 : i32 to vector<16xi32>
      %lt3A_397 = arith.cmpi slt, %sub3A_394, %lt3A_396 : vector<16xi32>
      %add3A_398 = arith.constant 999999 : i32
      %add3A_399 = vector.broadcast %add3A_398 : i32 to vector<16xi32>
      %add3A_400 = arith.addi %sub3A_394, %add3A_399 : vector<16xi32>
      %select_n3A_401 = arith.select %lt3A_397, %add3A_400, %sub3A_394 : vector<16xi1>, vector<16xi32>
      %ge3A_402 = arith.constant 999999 : i32
      %ge3A_403 = vector.broadcast %ge3A_402 : i32 to vector<16xi32>
      %ge3A_404 = arith.cmpi sge, %select_n3A_401, %ge3A_403 : vector<16xi32>
      %sub3A_405 = arith.constant 999999 : i32
      %sub3A_406 = vector.broadcast %sub3A_405 : i32 to vector<16xi32>
      %sub3A_407 = arith.subi %select_n3A_401, %sub3A_406 : vector<16xi32>
      %select_n3A_408 = arith.select %ge3A_404, %sub3A_407, %select_n3A_401 : vector<16xi1>, vector<16xi32>
      %slice3A_409 = vector.extract_strided_slice %select_n3A_408 {offsets = [0], sizes = [1], strides = [1]} : vector<16xi32> to vector<1xi32>
      %squeeze3A_410 = vector.extract %slice3A_409[0] : i32 from vector<1xi32>
      %shift_right_arithmetic3A_411 = arith.constant 3 : i32
      %shift_right_arithmetic3A_412 = arith.shrsi %squeeze3A_410, %shift_right_arithmetic3A_411 : i32
      %and3A_413 = arith.constant 7 : i32
      %and3A_414 = arith.andi %squeeze3A_410, %and3A_413 : i32
      %mul3A_415 = arith.constant 16 : i32
      %mul3A_416 = arith.muli %scan3A_365, %mul3A_415 : i32
      %add3A_417 = arith.constant 0 : i32
      %add3A_418 = arith.addi %mul3A_416, %add3A_417 : i32
      %dma_start3A_419 = arith.constant 0 : i32
      %dma_start3A_420 = tpu.memref_slice %arg7[%add3A_418, %dma_start3A_419] : memref<512x64xf32, #tpu.memory_space<vmem>> -> memref<1x64xf32, #tpu.memory_space<vmem>>
      %dma_start3A_421 = tpu.memref_squeeze %dma_start3A_420 : memref<1x64xf32, #tpu.memory_space<vmem>> -> memref<64xf32, #tpu.memory_space<vmem>>
      %dma_start3A_422 = arith.constant 0 : i32
      %dma_start3A_423 = tpu.memref_slice %arg4[%shift_right_arithmetic3A_412, %and3A_414, %dma_start3A_422] : memref<125000x8x64xf32, #tpu.memory_space<hbm>> -> memref<1x1x64xf32, #tpu.memory_space<hbm>>
      %dma_start3A_424 = tpu.memref_squeeze %dma_start3A_423 : memref<1x1x64xf32, #tpu.memory_space<hbm>> -> memref<64xf32, #tpu.memory_space<hbm>>
      %dma_start3A_425 = arith.constant 0 : i32
      %dma_start3A_426 = tpu.memref_slice %arg7[%add3A_418, %dma_start3A_425] : memref<512x64xf32, #tpu.memory_space<vmem>> -> memref<1x64xf32, #tpu.memory_space<vmem>>
      %dma_start3A_427 = tpu.memref_squeeze %dma_start3A_426 : memref<1x64xf32, #tpu.memory_space<vmem>> -> memref<64xf32, #tpu.memory_space<vmem>>
      %dma_start3A_428 = arith.constant 0 : i32
      %dma_start3A_429 = tpu.memref_slice %arg4[%shift_right_arithmetic3A_412, %and3A_414, %dma_start3A_428] : memref<125000x8x64xf32, #tpu.memory_space<hbm>> -> memref<1x1x64xf32, #tpu.memory_space<hbm>>
      %dma_start3A_430 = tpu.memref_squeeze %dma_start3A_429 : memref<1x1x64xf32, #tpu.memory_space<hbm>> -> memref<64xf32, #tpu.memory_space<hbm>>
      tpu.enqueue_dma source(%dma_start3A_430 : memref<64xf32, #tpu.memory_space<hbm>>) target(%dma_start3A_427 : memref<64xf32, #tpu.memory_space<vmem>>) target_semaphore(%arg9 : memref<!tpu.dma_semaphore, #tpu.memory_space<semaphore_mem>>)
      %slice3A_431 = vector.extract_strided_slice %select_n3A_408 {offsets = [1], sizes = [1], strides = [1]} : vector<16xi32> to vector<1xi32>
      %squeeze3A_432 = vector.extract %slice3A_431[0] : i32 from vector<1xi32>
      %shift_right_arithmetic3A_433 = arith.constant 3 : i32
      %shift_right_arithmetic3A_434 = arith.shrsi %squeeze3A_432, %shift_right_arithmetic3A_433 : i32
      %and3A_435 = arith.constant 7 : i32
      %and3A_436 = arith.andi %squeeze3A_432, %and3A_435 : i32
      %mul3A_437 = arith.constant 16 : i32
      %mul3A_438 = arith.muli %scan3A_365, %mul3A_437 : i32
      %add3A_439 = arith.constant 1 : i32
      %add3A_440 = arith.addi %mul3A_438, %add3A_439 : i32
      %dma_start3A_441 = arith.constant 0 : i32
      %dma_start3A_442 = tpu.memref_slice %arg7[%add3A_440, %dma_start3A_441] : memref<512x64xf32, #tpu.memory_space<vmem>> -> memref<1x64xf32, #tpu.memory_space<vmem>>
      %dma_start3A_443 = tpu.memref_squeeze %dma_start3A_442 : memref<1x64xf32, #tpu.memory_space<vmem>> -> memref<64xf32, #tpu.memory_space<vmem>>
      %dma_start3A_444 = arith.constant 0 : i32
      %dma_start3A_445 = tpu.memref_slice %arg4[%shift_right_arithmetic3A_434, %and3A_436, %dma_start3A_444] : memref<125000x8x64xf32, #tpu.memory_space<hbm>> -> memref<1x1x64xf32, #tpu.memory_space<hbm>>
      %dma_start3A_446 = tpu.memref_squeeze %dma_start3A_445 : memref<1x1x64xf32, #tpu.memory_space<hbm>> -> memref<64xf32, #tpu.memory_space<hbm>>
      %dma_start3A_447 = arith.constant 0 : i32
      %dma_start3A_448 = tpu.memref_slice %arg7[%add3A_440, %dma_start3A_447] : memref<512x64xf32, #tpu.memory_space<vmem>> -> memref<1x64xf32, #tpu.memory_space<vmem>>
      %dma_start3A_449 = tpu.memref_squeeze %dma_start3A_448 : memref<1x64xf32, #tpu.memory_space<vmem>> -> memref<64xf32, #tpu.memory_space<vmem>>
      %dma_start3A_450 = arith.constant 0 : i32
      %dma_start3A_451 = tpu.memref_slice %arg4[%shift_right_arithmetic3A_434, %and3A_436, %dma_start3A_450] : memref<125000x8x64xf32, #tpu.memory_space<hbm>> -> memref<1x1x64xf32, #tpu.memory_space<hbm>>
      %dma_start3A_452 = tpu.memref_squeeze %dma_start3A_451 : memref<1x1x64xf32, #tpu.memory_space<hbm>> -> memref<64xf32, #tpu.memory_space<hbm>>
      tpu.enqueue_dma source(%dma_start3A_452 : memref<64xf32, #tpu.memory_space<hbm>>) target(%dma_start3A_449 : memref<64xf32, #tpu.memory_space<vmem>>) target_semaphore(%arg9 : memref<!tpu.dma_semaphore, #tpu.memory_space<semaphore_mem>>)
      %slice3A_453 = vector.extract_strided_slice %select_n3A_408 {offsets = [2], sizes = [1], strides = [1]} : vector<16xi32> to vector<1xi32>
      %squeeze3A_454 = vector.extract %slice3A_453[0] : i32 from vector<1xi32>
      %shift_right_arithmetic3A_455 = arith.constant 3 : i32
      %shift_right_arithmetic3A_456 = arith.shrsi %squeeze3A_454, %shift_right_arithmetic3A_455 : i32
      %and3A_457 = arith.constant 7 : i32
      %and3A_458 = arith.andi %squeeze3A_454, %and3A_457 : i32
      %mul3A_459 = arith.constant 16 : i32
      %mul3A_460 = arith.muli %scan3A_365, %mul3A_459 : i32
      %add3A_461 = arith.constant 2 : i32
      %add3A_462 = arith.addi %mul3A_460, %add3A_461 : i32
      %dma_start3A_463 = arith.constant 0 : i32
      %dma_start3A_464 = tpu.memref_slice %arg7[%add3A_462, %dma_start3A_463] : memref<512x64xf32, #tpu.memory_space<vmem>> -> memref<1x64xf32, #tpu.memory_space<vmem>>
      %dma_start3A_465 = tpu.memref_squeeze %dma_start3A_464 : memref<1x64xf32, #tpu.memory_space<vmem>> -> memref<64xf32, #tpu.memory_space<vmem>>
      %dma_start3A_466 = arith.constant 0 : i32
      %dma_start3A_467 = tpu.memref_slice %arg4[%shift_right_arithmetic3A_456, %and3A_458, %dma_start3A_466] : memref<125000x8x64xf32, #tpu.memory_space<hbm>> -> memref<1x1x64xf32, #tpu.memory_space<hbm>>
      %dma_start3A_468 = tpu.memref_squeeze %dma_start3A_467 : memref<1x1x64xf32, #tpu.memory_space<hbm>> -> memref<64xf32, #tpu.memory_space<hbm>>
      %dma_start3A_469 = arith.constant 0 : i32
      %dma_start3A_470 = tpu.memref_slice %arg7[%add3A_462, %dma_start3A_469] : memref<512x64xf32, #tpu.memory_space<vmem>> -> memref<1x64xf32, #tpu.memory_space<vmem>>
      %dma_start3A_471 = tpu.memref_squeeze %dma_start3A_470 : memref<1x64xf32, #tpu.memory_space<vmem>> -> memref<64xf32, #tpu.memory_space<vmem>>
      %dma_start3A_472 = arith.constant 0 : i32
      %dma_start3A_473 = tpu.memref_slice %arg4[%shift_right_arithmetic3A_456, %and3A_458, %dma_start3A_472] : memref<125000x8x64xf32, #tpu.memory_space<hbm>> -> memref<1x1x64xf32, #tpu.memory_space<hbm>>
      %dma_start3A_474 = tpu.memref_squeeze %dma_start3A_473 : memref<1x1x64xf32, #tpu.memory_space<hbm>> -> memref<64xf32, #tpu.memory_space<hbm>>
      tpu.enqueue_dma source(%dma_start3A_474 : memref<64xf32, #tpu.memory_space<hbm>>) target(%dma_start3A_471 : memref<64xf32, #tpu.memory_space<vmem>>) target_semaphore(%arg9 : memref<!tpu.dma_semaphore, #tpu.memory_space<semaphore_mem>>)
      %slice3A_475 = vector.extract_strided_slice %select_n3A_408 {offsets = [3], sizes = [1], strides = [1]} : vector<16xi32> to vector<1xi32>
      %squeeze3A_476 = vector.extract %slice3A_475[0] : i32 from vector<1xi32>
      %shift_right_arithmetic3A_477 = arith.constant 3 : i32
      %shift_right_arithmetic3A_478 = arith.shrsi %squeeze3A_476, %shift_right_arithmetic3A_477 : i32
      %and3A_479 = arith.constant 7 : i32
      %and3A_480 = arith.andi %squeeze3A_476, %and3A_479 : i32
      %mul3A_481 = arith.constant 16 : i32
      %mul3A_482 = arith.muli %scan3A_365, %mul3A_481 : i32
      %add3A_483 = arith.constant 3 : i32
      %add3A_484 = arith.addi %mul3A_482, %add3A_483 : i32
      %dma_start3A_485 = arith.constant 0 : i32
      %dma_start3A_486 = tpu.memref_slice %arg7[%add3A_484, %dma_start3A_485] : memref<512x64xf32, #tpu.memory_space<vmem>> -> memref<1x64xf32, #tpu.memory_space<vmem>>
      %dma_start3A_487 = tpu.memref_squeeze %dma_start3A_486 : memref<1x64xf32, #tpu.memory_space<vmem>> -> memref<64xf32, #tpu.memory_space<vmem>>
      %dma_start3A_488 = arith.constant 0 : i32
      %dma_start3A_489 = tpu.memref_slice %arg4[%shift_right_arithmetic3A_478, %and3A_480, %dma_start3A_488] : memref<125000x8x64xf32, #tpu.memory_space<hbm>> -> memref<1x1x64xf32, #tpu.memory_space<hbm>>
      %dma_start3A_490 = tpu.memref_squeeze %dma_start3A_489 : memref<1x1x64xf32, #tpu.memory_space<hbm>> -> memref<64xf32, #tpu.memory_space<hbm>>
      %dma_start3A_491 = arith.constant 0 : i32
      %dma_start3A_492 = tpu.memref_slice %arg7[%add3A_484, %dma_start3A_491] : memref<512x64xf32, #tpu.memory_space<vmem>> -> memref<1x64xf32, #tpu.memory_space<vmem>>
      %dma_start3A_493 = tpu.memref_squeeze %dma_start3A_492 : memref<1x64xf32, #tpu.memory_space<vmem>> -> memref<64xf32, #tpu.memory_space<vmem>>
      %dma_start3A_494 = arith.constant 0 : i32
      %dma_start3A_495 = tpu.memref_slice %arg4[%shift_right_arithmetic3A_478, %and3A_480, %dma_start3A_494] : memref<125000x8x64xf32, #tpu.memory_space<hbm>> -> memref<1x1x64xf32, #tpu.memory_space<hbm>>
      %dma_start3A_496 = tpu.memref_squeeze %dma_start3A_495 : memref<1x1x64xf32, #tpu.memory_space<hbm>> -> memref<64xf32, #tpu.memory_space<hbm>>
      tpu.enqueue_dma source(%dma_start3A_496 : memref<64xf32, #tpu.memory_space<hbm>>) target(%dma_start3A_493 : memref<64xf32, #tpu.memory_space<vmem>>) target_semaphore(%arg9 : memref<!tpu.dma_semaphore, #tpu.memory_space<semaphore_mem>>)
      %slice3A_497 = vector.extract_strided_slice %select_n3A_408 {offsets = [4], sizes = [1], strides = [1]} : vector<16xi32> to vector<1xi32>
      %squeeze3A_498 = vector.extract %slice3A_497[0] : i32 from vector<1xi32>
      %shift_right_arithmetic3A_499 = arith.constant 3 : i32
      %shift_right_arithmetic3A_500 = arith.shrsi %squeeze3A_498, %shift_right_arithmetic3A_499 : i32
      %and3A_501 = arith.constant 7 : i32
      %and3A_502 = arith.andi %squeeze3A_498, %and3A_501 : i32
      %mul3A_503 = arith.constant 16 : i32
      %mul3A_504 = arith.muli %scan3A_365, %mul3A_503 : i32
      %add3A_505 = arith.constant 4 : i32
      %add3A_506 = arith.addi %mul3A_504, %add3A_505 : i32
      %dma_start3A_507 = arith.constant 0 : i32
      %dma_start3A_508 = tpu.memref_slice %arg7[%add3A_506, %dma_start3A_507] : memref<512x64xf32, #tpu.memory_space<vmem>> -> memref<1x64xf32, #tpu.memory_space<vmem>>
      %dma_start3A_509 = tpu.memref_squeeze %dma_start3A_508 : memref<1x64xf32, #tpu.memory_space<vmem>> -> memref<64xf32, #tpu.memory_space<vmem>>
      %dma_start3A_510 = arith.constant 0 : i32
      %dma_start3A_511 = tpu.memref_slice %arg4[%shift_right_arithmetic3A_500, %and3A_502, %dma_start3A_510] : memref<125000x8x64xf32, #tpu.memory_space<hbm>> -> memref<1x1x64xf32, #tpu.memory_space<hbm>>
      %dma_start3A_512 = tpu.memref_squeeze %dma_start3A_511 : memref<1x1x64xf32, #tpu.memory_space<hbm>> -> memref<64xf32, #tpu.memory_space<hbm>>
      %dma_start3A_513 = arith.constant 0 : i32
      %dma_start3A_514 = tpu.memref_slice %arg7[%add3A_506, %dma_start3A_513] : memref<512x64xf32, #tpu.memory_space<vmem>> -> memref<1x64xf32, #tpu.memory_space<vmem>>
      %dma_start3A_515 = tpu.memref_squeeze %dma_start3A_514 : memref<1x64xf32, #tpu.memory_space<vmem>> -> memref<64xf32, #tpu.memory_space<vmem>>
      %dma_start3A_516 = arith.constant 0 : i32
      %dma_start3A_517 = tpu.memref_slice %arg4[%shift_right_arithmetic3A_500, %and3A_502, %dma_start3A_516] : memref<125000x8x64xf32, #tpu.memory_space<hbm>> -> memref<1x1x64xf32, #tpu.memory_space<hbm>>
      %dma_start3A_518 = tpu.memref_squeeze %dma_start3A_517 : memref<1x1x64xf32, #tpu.memory_space<hbm>> -> memref<64xf32, #tpu.memory_space<hbm>>
      tpu.enqueue_dma source(%dma_start3A_518 : memref<64xf32, #tpu.memory_space<hbm>>) target(%dma_start3A_515 : memref<64xf32, #tpu.memory_space<vmem>>) target_semaphore(%arg9 : memref<!tpu.dma_semaphore, #tpu.memory_space<semaphore_mem>>)
      %slice3A_519 = vector.extract_strided_slice %select_n3A_408 {offsets = [5], sizes = [1], strides = [1]} : vector<16xi32> to vector<1xi32>
      %squeeze3A_520 = vector.extract %slice3A_519[0] : i32 from vector<1xi32>
      %shift_right_arithmetic3A_521 = arith.constant 3 : i32
      %shift_right_arithmetic3A_522 = arith.shrsi %squeeze3A_520, %shift_right_arithmetic3A_521 : i32
      %and3A_523 = arith.constant 7 : i32
      %and3A_524 = arith.andi %squeeze3A_520, %and3A_523 : i32
      %mul3A_525 = arith.constant 16 : i32
      %mul3A_526 = arith.muli %scan3A_365, %mul3A_525 : i32
      %add3A_527 = arith.constant 5 : i32
      %add3A_528 = arith.addi %mul3A_526, %add3A_527 : i32
      %dma_start3A_529 = arith.constant 0 : i32
      %dma_start3A_530 = tpu.memref_slice %arg7[%add3A_528, %dma_start3A_529] : memref<512x64xf32, #tpu.memory_space<vmem>> -> memref<1x64xf32, #tpu.memory_space<vmem>>
      %dma_start3A_531 = tpu.memref_squeeze %dma_start3A_530 : memref<1x64xf32, #tpu.memory_space<vmem>> -> memref<64xf32, #tpu.memory_space<vmem>>
      %dma_start3A_532 = arith.constant 0 : i32
      %dma_start3A_533 = tpu.memref_slice %arg4[%shift_right_arithmetic3A_522, %and3A_524, %dma_start3A_532] : memref<125000x8x64xf32, #tpu.memory_space<hbm>> -> memref<1x1x64xf32, #tpu.memory_space<hbm>>
      %dma_start3A_534 = tpu.memref_squeeze %dma_start3A_533 : memref<1x1x64xf32, #tpu.memory_space<hbm>> -> memref<64xf32, #tpu.memory_space<hbm>>
      %dma_start3A_535 = arith.constant 0 : i32
      %dma_start3A_536 = tpu.memref_slice %arg7[%add3A_528, %dma_start3A_535] : memref<512x64xf32, #tpu.memory_space<vmem>> -> memref<1x64xf32, #tpu.memory_space<vmem>>
      %dma_start3A_537 = tpu.memref_squeeze %dma_start3A_536 : memref<1x64xf32, #tpu.memory_space<vmem>> -> memref<64xf32, #tpu.memory_space<vmem>>
      %dma_start3A_538 = arith.constant 0 : i32
      %dma_start3A_539 = tpu.memref_slice %arg4[%shift_right_arithmetic3A_522, %and3A_524, %dma_start3A_538] : memref<125000x8x64xf32, #tpu.memory_space<hbm>> -> memref<1x1x64xf32, #tpu.memory_space<hbm>>
      %dma_start3A_540 = tpu.memref_squeeze %dma_start3A_539 : memref<1x1x64xf32, #tpu.memory_space<hbm>> -> memref<64xf32, #tpu.memory_space<hbm>>
      tpu.enqueue_dma source(%dma_start3A_540 : memref<64xf32, #tpu.memory_space<hbm>>) target(%dma_start3A_537 : memref<64xf32, #tpu.memory_space<vmem>>) target_semaphore(%arg9 : memref<!tpu.dma_semaphore, #tpu.memory_space<semaphore_mem>>)
      %slice3A_541 = vector.extract_strided_slice %select_n3A_408 {offsets = [6], sizes = [1], strides = [1]} : vector<16xi32> to vector<1xi32>
      %squeeze3A_542 = vector.extract %slice3A_541[0] : i32 from vector<1xi32>
      %shift_right_arithmetic3A_543 = arith.constant 3 : i32
      %shift_right_arithmetic3A_544 = arith.shrsi %squeeze3A_542, %shift_right_arithmetic3A_543 : i32
      %and3A_545 = arith.constant 7 : i32
      %and3A_546 = arith.andi %squeeze3A_542, %and3A_545 : i32
      %mul3A_547 = arith.constant 16 : i32
      %mul3A_548 = arith.muli %scan3A_365, %mul3A_547 : i32
      %add3A_549 = arith.constant 6 : i32
      %add3A_550 = arith.addi %mul3A_548, %add3A_549 : i32
      %dma_start3A_551 = arith.constant 0 : i32
      %dma_start3A_552 = tpu.memref_slice %arg7[%add3A_550, %dma_start3A_551] : memref<512x64xf32, #tpu.memory_space<vmem>> -> memref<1x64xf32, #tpu.memory_space<vmem>>
      %dma_start3A_553 = tpu.memref_squeeze %dma_start3A_552 : memref<1x64xf32, #tpu.memory_space<vmem>> -> memref<64xf32, #tpu.memory_space<vmem>>
      %dma_start3A_554 = arith.constant 0 : i32
      %dma_start3A_555 = tpu.memref_slice %arg4[%shift_right_arithmetic3A_544, %and3A_546, %dma_start3A_554] : memref<125000x8x64xf32, #tpu.memory_space<hbm>> -> memref<1x1x64xf32, #tpu.memory_space<hbm>>
      %dma_start3A_556 = tpu.memref_squeeze %dma_start3A_555 : memref<1x1x64xf32, #tpu.memory_space<hbm>> -> memref<64xf32, #tpu.memory_space<hbm>>
      %dma_start3A_557 = arith.constant 0 : i32
      %dma_start3A_558 = tpu.memref_slice %arg7[%add3A_550, %dma_start3A_557] : memref<512x64xf32, #tpu.memory_space<vmem>> -> memref<1x64xf32, #tpu.memory_space<vmem>>
      %dma_start3A_559 = tpu.memref_squeeze %dma_start3A_558 : memref<1x64xf32, #tpu.memory_space<vmem>> -> memref<64xf32, #tpu.memory_space<vmem>>
      %dma_start3A_560 = arith.constant 0 : i32
      %dma_start3A_561 = tpu.memref_slice %arg4[%shift_right_arithmetic3A_544, %and3A_546, %dma_start3A_560] : memref<125000x8x64xf32, #tpu.memory_space<hbm>> -> memref<1x1x64xf32, #tpu.memory_space<hbm>>
      %dma_start3A_562 = tpu.memref_squeeze %dma_start3A_561 : memref<1x1x64xf32, #tpu.memory_space<hbm>> -> memref<64xf32, #tpu.memory_space<hbm>>
      tpu.enqueue_dma source(%dma_start3A_562 : memref<64xf32, #tpu.memory_space<hbm>>) target(%dma_start3A_559 : memref<64xf32, #tpu.memory_space<vmem>>) target_semaphore(%arg9 : memref<!tpu.dma_semaphore, #tpu.memory_space<semaphore_mem>>)
      %slice3A_563 = vector.extract_strided_slice %select_n3A_408 {offsets = [7], sizes = [1], strides = [1]} : vector<16xi32> to vector<1xi32>
      %squeeze3A_564 = vector.extract %slice3A_563[0] : i32 from vector<1xi32>
      %shift_right_arithmetic3A_565 = arith.constant 3 : i32
      %shift_right_arithmetic3A_566 = arith.shrsi %squeeze3A_564, %shift_right_arithmetic3A_565 : i32
      %and3A_567 = arith.constant 7 : i32
      %and3A_568 = arith.andi %squeeze3A_564, %and3A_567 : i32
      %mul3A_569 = arith.constant 16 : i32
      %mul3A_570 = arith.muli %scan3A_365, %mul3A_569 : i32
      %add3A_571 = arith.constant 7 : i32
      %add3A_572 = arith.addi %mul3A_570, %add3A_571 : i32
      %dma_start3A_573 = arith.constant 0 : i32
      %dma_start3A_574 = tpu.memref_slice %arg7[%add3A_572, %dma_start3A_573] : memref<512x64xf32, #tpu.memory_space<vmem>> -> memref<1x64xf32, #tpu.memory_space<vmem>>
      %dma_start3A_575 = tpu.memref_squeeze %dma_start3A_574 : memref<1x64xf32, #tpu.memory_space<vmem>> -> memref<64xf32, #tpu.memory_space<vmem>>
      %dma_start3A_576 = arith.constant 0 : i32
      %dma_start3A_577 = tpu.memref_slice %arg4[%shift_right_arithmetic3A_566, %and3A_568, %dma_start3A_576] : memref<125000x8x64xf32, #tpu.memory_space<hbm>> -> memref<1x1x64xf32, #tpu.memory_space<hbm>>
      %dma_start3A_578 = tpu.memref_squeeze %dma_start3A_577 : memref<1x1x64xf32, #tpu.memory_space<hbm>> -> memref<64xf32, #tpu.memory_space<hbm>>
      %dma_start3A_579 = arith.constant 0 : i32
      %dma_start3A_580 = tpu.memref_slice %arg7[%add3A_572, %dma_start3A_579] : memref<512x64xf32, #tpu.memory_space<vmem>> -> memref<1x64xf32, #tpu.memory_space<vmem>>
      %dma_start3A_581 = tpu.memref_squeeze %dma_start3A_580 : memref<1x64xf32, #tpu.memory_space<vmem>> -> memref<64xf32, #tpu.memory_space<vmem>>
      %dma_start3A_582 = arith.constant 0 : i32
      %dma_start3A_583 = tpu.memref_slice %arg4[%shift_right_arithmetic3A_566, %and3A_568, %dma_start3A_582] : memref<125000x8x64xf32, #tpu.memory_space<hbm>> -> memref<1x1x64xf32, #tpu.memory_space<hbm>>
      %dma_start3A_584 = tpu.memref_squeeze %dma_start3A_583 : memref<1x1x64xf32, #tpu.memory_space<hbm>> -> memref<64xf32, #tpu.memory_space<hbm>>
      tpu.enqueue_dma source(%dma_start3A_584 : memref<64xf32, #tpu.memory_space<hbm>>) target(%dma_start3A_581 : memref<64xf32, #tpu.memory_space<vmem>>) target_semaphore(%arg9 : memref<!tpu.dma_semaphore, #tpu.memory_space<semaphore_mem>>)
      %slice3A_585 = vector.extract_strided_slice %select_n3A_408 {offsets = [8], sizes = [1], strides = [1]} : vector<16xi32> to vector<1xi32>
      %squeeze3A_586 = vector.extract %slice3A_585[0] : i32 from vector<1xi32>
      %shift_right_arithmetic3A_587 = arith.constant 3 : i32
      %shift_right_arithmetic3A_588 = arith.shrsi %squeeze3A_586, %shift_right_arithmetic3A_587 : i32
      %and3A_589 = arith.constant 7 : i32
      %and3A_590 = arith.andi %squeeze3A_586, %and3A_589 : i32
      %mul3A_591 = arith.constant 16 : i32
      %mul3A_592 = arith.muli %scan3A_365, %mul3A_591 : i32
      %add3A_593 = arith.constant 8 : i32
      %add3A_594 = arith.addi %mul3A_592, %add3A_593 : i32
      %dma_start3A_595 = arith.constant 0 : i32
      %dma_start3A_596 = tpu.memref_slice %arg7[%add3A_594, %dma_start3A_595] : memref<512x64xf32, #tpu.memory_space<vmem>> -> memref<1x64xf32, #tpu.memory_space<vmem>>
      %dma_start3A_597 = tpu.memref_squeeze %dma_start3A_596 : memref<1x64xf32, #tpu.memory_space<vmem>> -> memref<64xf32, #tpu.memory_space<vmem>>
      %dma_start3A_598 = arith.constant 0 : i32
      %dma_start3A_599 = tpu.memref_slice %arg4[%shift_right_arithmetic3A_588, %and3A_590, %dma_start3A_598] : memref<125000x8x64xf32, #tpu.memory_space<hbm>> -> memref<1x1x64xf32, #tpu.memory_space<hbm>>
      %dma_start3A_600 = tpu.memref_squeeze %dma_start3A_599 : memref<1x1x64xf32, #tpu.memory_space<hbm>> -> memref<64xf32, #tpu.memory_space<hbm>>
      %dma_start3A_601 = arith.constant 0 : i32
      %dma_start3A_602 = tpu.memref_slice %arg7[%add3A_594, %dma_start3A_601] : memref<512x64xf32, #tpu.memory_space<vmem>> -> memref<1x64xf32, #tpu.memory_space<vmem>>
      %dma_start3A_603 = tpu.memref_squeeze %dma_start3A_602 : memref<1x64xf32, #tpu.memory_space<vmem>> -> memref<64xf32, #tpu.memory_space<vmem>>
      %dma_start3A_604 = arith.constant 0 : i32
      %dma_start3A_605 = tpu.memref_slice %arg4[%shift_right_arithmetic3A_588, %and3A_590, %dma_start3A_604] : memref<125000x8x64xf32, #tpu.memory_space<hbm>> -> memref<1x1x64xf32, #tpu.memory_space<hbm>>
      %dma_start3A_606 = tpu.memref_squeeze %dma_start3A_605 : memref<1x1x64xf32, #tpu.memory_space<hbm>> -> memref<64xf32, #tpu.memory_space<hbm>>
      tpu.enqueue_dma source(%dma_start3A_606 : memref<64xf32, #tpu.memory_space<hbm>>) target(%dma_start3A_603 : memref<64xf32, #tpu.memory_space<vmem>>) target_semaphore(%arg9 : memref<!tpu.dma_semaphore, #tpu.memory_space<semaphore_mem>>)
      %slice3A_607 = vector.extract_strided_slice %select_n3A_408 {offsets = [9], sizes = [1], strides = [1]} : vector<16xi32> to vector<1xi32>
      %squeeze3A_608 = vector.extract %slice3A_607[0] : i32 from vector<1xi32>
      %shift_right_arithmetic3A_609 = arith.constant 3 : i32
      %shift_right_arithmetic3A_610 = arith.shrsi %squeeze3A_608, %shift_right_arithmetic3A_609 : i32
      %and3A_611 = arith.constant 7 : i32
      %and3A_612 = arith.andi %squeeze3A_608, %and3A_611 : i32
      %mul3A_613 = arith.constant 16 : i32
      %mul3A_614 = arith.muli %scan3A_365, %mul3A_613 : i32
      %add3A_615 = arith.constant 9 : i32
      %add3A_616 = arith.addi %mul3A_614, %add3A_615 : i32
      %dma_start3A_617 = arith.constant 0 : i32
      %dma_start3A_618 = tpu.memref_slice %arg7[%add3A_616, %dma_start3A_617] : memref<512x64xf32, #tpu.memory_space<vmem>> -> memref<1x64xf32, #tpu.memory_space<vmem>>
      %dma_start3A_619 = tpu.memref_squeeze %dma_start3A_618 : memref<1x64xf32, #tpu.memory_space<vmem>> -> memref<64xf32, #tpu.memory_space<vmem>>
      %dma_start3A_620 = arith.constant 0 : i32
      %dma_start3A_621 = tpu.memref_slice %arg4[%shift_right_arithmetic3A_610, %and3A_612, %dma_start3A_620] : memref<125000x8x64xf32, #tpu.memory_space<hbm>> -> memref<1x1x64xf32, #tpu.memory_space<hbm>>
      %dma_start3A_622 = tpu.memref_squeeze %dma_start3A_621 : memref<1x1x64xf32, #tpu.memory_space<hbm>> -> memref<64xf32, #tpu.memory_space<hbm>>
      %dma_start3A_623 = arith.constant 0 : i32
      %dma_start3A_624 = tpu.memref_slice %arg7[%add3A_616, %dma_start3A_623] : memref<512x64xf32, #tpu.memory_space<vmem>> -> memref<1x64xf32, #tpu.memory_space<vmem>>
      %dma_start3A_625 = tpu.memref_squeeze %dma_start3A_624 : memref<1x64xf32, #tpu.memory_space<vmem>> -> memref<64xf32, #tpu.memory_space<vmem>>
      %dma_start3A_626 = arith.constant 0 : i32
      %dma_start3A_627 = tpu.memref_slice %arg4[%shift_right_arithmetic3A_610, %and3A_612, %dma_start3A_626] : memref<125000x8x64xf32, #tpu.memory_space<hbm>> -> memref<1x1x64xf32, #tpu.memory_space<hbm>>
      %dma_start3A_628 = tpu.memref_squeeze %dma_start3A_627 : memref<1x1x64xf32, #tpu.memory_space<hbm>> -> memref<64xf32, #tpu.memory_space<hbm>>
      tpu.enqueue_dma source(%dma_start3A_628 : memref<64xf32, #tpu.memory_space<hbm>>) target(%dma_start3A_625 : memref<64xf32, #tpu.memory_space<vmem>>) target_semaphore(%arg9 : memref<!tpu.dma_semaphore, #tpu.memory_space<semaphore_mem>>)
      %slice3A_629 = vector.extract_strided_slice %select_n3A_408 {offsets = [10], sizes = [1], strides = [1]} : vector<16xi32> to vector<1xi32>
      %squeeze3A_630 = vector.extract %slice3A_629[0] : i32 from vector<1xi32>
      %shift_right_arithmetic3A_631 = arith.constant 3 : i32
      %shift_right_arithmetic3A_632 = arith.shrsi %squeeze3A_630, %shift_right_arithmetic3A_631 : i32
      %and3A_633 = arith.constant 7 : i32
      %and3A_634 = arith.andi %squeeze3A_630, %and3A_633 : i32
      %mul3A_635 = arith.constant 16 : i32
      %mul3A_636 = arith.muli %scan3A_365, %mul3A_635 : i32
      %add3A_637 = arith.constant 10 : i32
      %add3A_638 = arith.addi %mul3A_636, %add3A_637 : i32
      %dma_start3A_639 = arith.constant 0 : i32
      %dma_start3A_640 = tpu.memref_slice %arg7[%add3A_638, %dma_start3A_639] : memref<512x64xf32, #tpu.memory_space<vmem>> -> memref<1x64xf32, #tpu.memory_space<vmem>>
      %dma_start3A_641 = tpu.memref_squeeze %dma_start3A_640 : memref<1x64xf32, #tpu.memory_space<vmem>> -> memref<64xf32, #tpu.memory_space<vmem>>
      %dma_start3A_642 = arith.constant 0 : i32
      %dma_start3A_643 = tpu.memref_slice %arg4[%shift_right_arithmetic3A_632, %and3A_634, %dma_start3A_642] : memref<125000x8x64xf32, #tpu.memory_space<hbm>> -> memref<1x1x64xf32, #tpu.memory_space<hbm>>
      %dma_start3A_644 = tpu.memref_squeeze %dma_start3A_643 : memref<1x1x64xf32, #tpu.memory_space<hbm>> -> memref<64xf32, #tpu.memory_space<hbm>>
      %dma_start3A_645 = arith.constant 0 : i32
      %dma_start3A_646 = tpu.memref_slice %arg7[%add3A_638, %dma_start3A_645] : memref<512x64xf32, #tpu.memory_space<vmem>> -> memref<1x64xf32, #tpu.memory_space<vmem>>
      %dma_start3A_647 = tpu.memref_squeeze %dma_start3A_646 : memref<1x64xf32, #tpu.memory_space<vmem>> -> memref<64xf32, #tpu.memory_space<vmem>>
      %dma_start3A_648 = arith.constant 0 : i32
      %dma_start3A_649 = tpu.memref_slice %arg4[%shift_right_arithmetic3A_632, %and3A_634, %dma_start3A_648] : memref<125000x8x64xf32, #tpu.memory_space<hbm>> -> memref<1x1x64xf32, #tpu.memory_space<hbm>>
      %dma_start3A_650 = tpu.memref_squeeze %dma_start3A_649 : memref<1x1x64xf32, #tpu.memory_space<hbm>> -> memref<64xf32, #tpu.memory_space<hbm>>
      tpu.enqueue_dma source(%dma_start3A_650 : memref<64xf32, #tpu.memory_space<hbm>>) target(%dma_start3A_647 : memref<64xf32, #tpu.memory_space<vmem>>) target_semaphore(%arg9 : memref<!tpu.dma_semaphore, #tpu.memory_space<semaphore_mem>>)
      %slice3A_651 = vector.extract_strided_slice %select_n3A_408 {offsets = [11], sizes = [1], strides = [1]} : vector<16xi32> to vector<1xi32>
      %squeeze3A_652 = vector.extract %slice3A_651[0] : i32 from vector<1xi32>
      %shift_right_arithmetic3A_653 = arith.constant 3 : i32
      %shift_right_arithmetic3A_654 = arith.shrsi %squeeze3A_652, %shift_right_arithmetic3A_653 : i32
      %and3A_655 = arith.constant 7 : i32
      %and3A_656 = arith.andi %squeeze3A_652, %and3A_655 : i32
      %mul3A_657 = arith.constant 16 : i32
      %mul3A_658 = arith.muli %scan3A_365, %mul3A_657 : i32
      %add3A_659 = arith.constant 11 : i32
      %add3A_660 = arith.addi %mul3A_658, %add3A_659 : i32
      %dma_start3A_661 = arith.constant 0 : i32
      %dma_start3A_662 = tpu.memref_slice %arg7[%add3A_660, %dma_start3A_661] : memref<512x64xf32, #tpu.memory_space<vmem>> -> memref<1x64xf32, #tpu.memory_space<vmem>>
      %dma_start3A_663 = tpu.memref_squeeze %dma_start3A_662 : memref<1x64xf32, #tpu.memory_space<vmem>> -> memref<64xf32, #tpu.memory_space<vmem>>
      %dma_start3A_664 = arith.constant 0 : i32
      %dma_start3A_665 = tpu.memref_slice %arg4[%shift_right_arithmetic3A_654, %and3A_656, %dma_start3A_664] : memref<125000x8x64xf32, #tpu.memory_space<hbm>> -> memref<1x1x64xf32, #tpu.memory_space<hbm>>
      %dma_start3A_666 = tpu.memref_squeeze %dma_start3A_665 : memref<1x1x64xf32, #tpu.memory_space<hbm>> -> memref<64xf32, #tpu.memory_space<hbm>>
      %dma_start3A_667 = arith.constant 0 : i32
      %dma_start3A_668 = tpu.memref_slice %arg7[%add3A_660, %dma_start3A_667] : memref<512x64xf32, #tpu.memory_space<vmem>> -> memref<1x64xf32, #tpu.memory_space<vmem>>
      %dma_start3A_669 = tpu.memref_squeeze %dma_start3A_668 : memref<1x64xf32, #tpu.memory_space<vmem>> -> memref<64xf32, #tpu.memory_space<vmem>>
      %dma_start3A_670 = arith.constant 0 : i32
      %dma_start3A_671 = tpu.memref_slice %arg4[%shift_right_arithmetic3A_654, %and3A_656, %dma_start3A_670] : memref<125000x8x64xf32, #tpu.memory_space<hbm>> -> memref<1x1x64xf32, #tpu.memory_space<hbm>>
      %dma_start3A_672 = tpu.memref_squeeze %dma_start3A_671 : memref<1x1x64xf32, #tpu.memory_space<hbm>> -> memref<64xf32, #tpu.memory_space<hbm>>
      tpu.enqueue_dma source(%dma_start3A_672 : memref<64xf32, #tpu.memory_space<hbm>>) target(%dma_start3A_669 : memref<64xf32, #tpu.memory_space<vmem>>) target_semaphore(%arg9 : memref<!tpu.dma_semaphore, #tpu.memory_space<semaphore_mem>>)
      %slice3A_673 = vector.extract_strided_slice %select_n3A_408 {offsets = [12], sizes = [1], strides = [1]} : vector<16xi32> to vector<1xi32>
      %squeeze3A_674 = vector.extract %slice3A_673[0] : i32 from vector<1xi32>
      %shift_right_arithmetic3A_675 = arith.constant 3 : i32
      %shift_right_arithmetic3A_676 = arith.shrsi %squeeze3A_674, %shift_right_arithmetic3A_675 : i32
      %and3A_677 = arith.constant 7 : i32
      %and3A_678 = arith.andi %squeeze3A_674, %and3A_677 : i32
      %mul3A_679 = arith.constant 16 : i32
      %mul3A_680 = arith.muli %scan3A_365, %mul3A_679 : i32
      %add3A_681 = arith.constant 12 : i32
      %add3A_682 = arith.addi %mul3A_680, %add3A_681 : i32
      %dma_start3A_683 = arith.constant 0 : i32
      %dma_start3A_684 = tpu.memref_slice %arg7[%add3A_682, %dma_start3A_683] : memref<512x64xf32, #tpu.memory_space<vmem>> -> memref<1x64xf32, #tpu.memory_space<vmem>>
      %dma_start3A_685 = tpu.memref_squeeze %dma_start3A_684 : memref<1x64xf32, #tpu.memory_space<vmem>> -> memref<64xf32, #tpu.memory_space<vmem>>
      %dma_start3A_686 = arith.constant 0 : i32
      %dma_start3A_687 = tpu.memref_slice %arg4[%shift_right_arithmetic3A_676, %and3A_678, %dma_start3A_686] : memref<125000x8x64xf32, #tpu.memory_space<hbm>> -> memref<1x1x64xf32, #tpu.memory_space<hbm>>
      %dma_start3A_688 = tpu.memref_squeeze %dma_start3A_687 : memref<1x1x64xf32, #tpu.memory_space<hbm>> -> memref<64xf32, #tpu.memory_space<hbm>>
      %dma_start3A_689 = arith.constant 0 : i32
      %dma_start3A_690 = tpu.memref_slice %arg7[%add3A_682, %dma_start3A_689] : memref<512x64xf32, #tpu.memory_space<vmem>> -> memref<1x64xf32, #tpu.memory_space<vmem>>
      %dma_start3A_691 = tpu.memref_squeeze %dma_start3A_690 : memref<1x64xf32, #tpu.memory_space<vmem>> -> memref<64xf32, #tpu.memory_space<vmem>>
      %dma_start3A_692 = arith.constant 0 : i32
      %dma_start3A_693 = tpu.memref_slice %arg4[%shift_right_arithmetic3A_676, %and3A_678, %dma_start3A_692] : memref<125000x8x64xf32, #tpu.memory_space<hbm>> -> memref<1x1x64xf32, #tpu.memory_space<hbm>>
      %dma_start3A_694 = tpu.memref_squeeze %dma_start3A_693 : memref<1x1x64xf32, #tpu.memory_space<hbm>> -> memref<64xf32, #tpu.memory_space<hbm>>
      tpu.enqueue_dma source(%dma_start3A_694 : memref<64xf32, #tpu.memory_space<hbm>>) target(%dma_start3A_691 : memref<64xf32, #tpu.memory_space<vmem>>) target_semaphore(%arg9 : memref<!tpu.dma_semaphore, #tpu.memory_space<semaphore_mem>>)
      %slice3A_695 = vector.extract_strided_slice %select_n3A_408 {offsets = [13], sizes = [1], strides = [1]} : vector<16xi32> to vector<1xi32>
      %squeeze3A_696 = vector.extract %slice3A_695[0] : i32 from vector<1xi32>
      %shift_right_arithmetic3A_697 = arith.constant 3 : i32
      %shift_right_arithmetic3A_698 = arith.shrsi %squeeze3A_696, %shift_right_arithmetic3A_697 : i32
      %and3A_699 = arith.constant 7 : i32
      %and3A_700 = arith.andi %squeeze3A_696, %and3A_699 : i32
      %mul3A_701 = arith.constant 16 : i32
      %mul3A_702 = arith.muli %scan3A_365, %mul3A_701 : i32
      %add3A_703 = arith.constant 13 : i32
      %add3A_704 = arith.addi %mul3A_702, %add3A_703 : i32
      %dma_start3A_705 = arith.constant 0 : i32
      %dma_start3A_706 = tpu.memref_slice %arg7[%add3A_704, %dma_start3A_705] : memref<512x64xf32, #tpu.memory_space<vmem>> -> memref<1x64xf32, #tpu.memory_space<vmem>>
      %dma_start3A_707 = tpu.memref_squeeze %dma_start3A_706 : memref<1x64xf32, #tpu.memory_space<vmem>> -> memref<64xf32, #tpu.memory_space<vmem>>
      %dma_start3A_708 = arith.constant 0 : i32
      %dma_start3A_709 = tpu.memref_slice %arg4[%shift_right_arithmetic3A_698, %and3A_700, %dma_start3A_708] : memref<125000x8x64xf32, #tpu.memory_space<hbm>> -> memref<1x1x64xf32, #tpu.memory_space<hbm>>
      %dma_start3A_710 = tpu.memref_squeeze %dma_start3A_709 : memref<1x1x64xf32, #tpu.memory_space<hbm>> -> memref<64xf32, #tpu.memory_space<hbm>>
      %dma_start3A_711 = arith.constant 0 : i32
      %dma_start3A_712 = tpu.memref_slice %arg7[%add3A_704, %dma_start3A_711] : memref<512x64xf32, #tpu.memory_space<vmem>> -> memref<1x64xf32, #tpu.memory_space<vmem>>
      %dma_start3A_713 = tpu.memref_squeeze %dma_start3A_712 : memref<1x64xf32, #tpu.memory_space<vmem>> -> memref<64xf32, #tpu.memory_space<vmem>>
      %dma_start3A_714 = arith.constant 0 : i32
      %dma_start3A_715 = tpu.memref_slice %arg4[%shift_right_arithmetic3A_698, %and3A_700, %dma_start3A_714] : memref<125000x8x64xf32, #tpu.memory_space<hbm>> -> memref<1x1x64xf32, #tpu.memory_space<hbm>>
      %dma_start3A_716 = tpu.memref_squeeze %dma_start3A_715 : memref<1x1x64xf32, #tpu.memory_space<hbm>> -> memref<64xf32, #tpu.memory_space<hbm>>
      tpu.enqueue_dma source(%dma_start3A_716 : memref<64xf32, #tpu.memory_space<hbm>>) target(%dma_start3A_713 : memref<64xf32, #tpu.memory_space<vmem>>) target_semaphore(%arg9 : memref<!tpu.dma_semaphore, #tpu.memory_space<semaphore_mem>>)
      %slice3A_717 = vector.extract_strided_slice %select_n3A_408 {offsets = [14], sizes = [1], strides = [1]} : vector<16xi32> to vector<1xi32>
      %squeeze3A_718 = vector.extract %slice3A_717[0] : i32 from vector<1xi32>
      %shift_right_arithmetic3A_719 = arith.constant 3 : i32
      %shift_right_arithmetic3A_720 = arith.shrsi %squeeze3A_718, %shift_right_arithmetic3A_719 : i32
      %and3A_721 = arith.constant 7 : i32
      %and3A_722 = arith.andi %squeeze3A_718, %and3A_721 : i32
      %mul3A_723 = arith.constant 16 : i32
      %mul3A_724 = arith.muli %scan3A_365, %mul3A_723 : i32
      %add3A_725 = arith.constant 14 : i32
      %add3A_726 = arith.addi %mul3A_724, %add3A_725 : i32
      %dma_start3A_727 = arith.constant 0 : i32
      %dma_start3A_728 = tpu.memref_slice %arg7[%add3A_726, %dma_start3A_727] : memref<512x64xf32, #tpu.memory_space<vmem>> -> memref<1x64xf32, #tpu.memory_space<vmem>>
      %dma_start3A_729 = tpu.memref_squeeze %dma_start3A_728 : memref<1x64xf32, #tpu.memory_space<vmem>> -> memref<64xf32, #tpu.memory_space<vmem>>
      %dma_start3A_730 = arith.constant 0 : i32
      %dma_start3A_731 = tpu.memref_slice %arg4[%shift_right_arithmetic3A_720, %and3A_722, %dma_start3A_730] : memref<125000x8x64xf32, #tpu.memory_space<hbm>> -> memref<1x1x64xf32, #tpu.memory_space<hbm>>
      %dma_start3A_732 = tpu.memref_squeeze %dma_start3A_731 : memref<1x1x64xf32, #tpu.memory_space<hbm>> -> memref<64xf32, #tpu.memory_space<hbm>>
      %dma_start3A_733 = arith.constant 0 : i32
      %dma_start3A_734 = tpu.memref_slice %arg7[%add3A_726, %dma_start3A_733] : memref<512x64xf32, #tpu.memory_space<vmem>> -> memref<1x64xf32, #tpu.memory_space<vmem>>
      %dma_start3A_735 = tpu.memref_squeeze %dma_start3A_734 : memref<1x64xf32, #tpu.memory_space<vmem>> -> memref<64xf32, #tpu.memory_space<vmem>>
      %dma_start3A_736 = arith.constant 0 : i32
      %dma_start3A_737 = tpu.memref_slice %arg4[%shift_right_arithmetic3A_720, %and3A_722, %dma_start3A_736] : memref<125000x8x64xf32, #tpu.memory_space<hbm>> -> memref<1x1x64xf32, #tpu.memory_space<hbm>>
      %dma_start3A_738 = tpu.memref_squeeze %dma_start3A_737 : memref<1x1x64xf32, #tpu.memory_space<hbm>> -> memref<64xf32, #tpu.memory_space<hbm>>
      tpu.enqueue_dma source(%dma_start3A_738 : memref<64xf32, #tpu.memory_space<hbm>>) target(%dma_start3A_735 : memref<64xf32, #tpu.memory_space<vmem>>) target_semaphore(%arg9 : memref<!tpu.dma_semaphore, #tpu.memory_space<semaphore_mem>>)
      %slice3A_739 = vector.extract_strided_slice %select_n3A_408 {offsets = [15], sizes = [1], strides = [1]} : vector<16xi32> to vector<1xi32>
      %squeeze3A_740 = vector.extract %slice3A_739[0] : i32 from vector<1xi32>
      %shift_right_arithmetic3A_741 = arith.constant 3 : i32
      %shift_right_arithmetic3A_742 = arith.shrsi %squeeze3A_740, %shift_right_arithmetic3A_741 : i32
      %and3A_743 = arith.constant 7 : i32
      %and3A_744 = arith.andi %squeeze3A_740, %and3A_743 : i32
      %mul3A_745 = arith.constant 16 : i32
      %mul3A_746 = arith.muli %scan3A_365, %mul3A_745 : i32
      %add3A_747 = arith.constant 15 : i32
      %add3A_748 = arith.addi %mul3A_746, %add3A_747 : i32
      %dma_start3A_749 = arith.constant 0 : i32
      %dma_start3A_750 = tpu.memref_slice %arg7[%add3A_748, %dma_start3A_749] : memref<512x64xf32, #tpu.memory_space<vmem>> -> memref<1x64xf32, #tpu.memory_space<vmem>>
      %dma_start3A_751 = tpu.memref_squeeze %dma_start3A_750 : memref<1x64xf32, #tpu.memory_space<vmem>> -> memref<64xf32, #tpu.memory_space<vmem>>
      %dma_start3A_752 = arith.constant 0 : i32
      %dma_start3A_753 = tpu.memref_slice %arg4[%shift_right_arithmetic3A_742, %and3A_744, %dma_start3A_752] : memref<125000x8x64xf32, #tpu.memory_space<hbm>> -> memref<1x1x64xf32, #tpu.memory_space<hbm>>
      %dma_start3A_754 = tpu.memref_squeeze %dma_start3A_753 : memref<1x1x64xf32, #tpu.memory_space<hbm>> -> memref<64xf32, #tpu.memory_space<hbm>>
      %dma_start3A_755 = arith.constant 0 : i32
      %dma_start3A_756 = tpu.memref_slice %arg7[%add3A_748, %dma_start3A_755] : memref<512x64xf32, #tpu.memory_space<vmem>> -> memref<1x64xf32, #tpu.memory_space<vmem>>
      %dma_start3A_757 = tpu.memref_squeeze %dma_start3A_756 : memref<1x64xf32, #tpu.memory_space<vmem>> -> memref<64xf32, #tpu.memory_space<vmem>>
      %dma_start3A_758 = arith.constant 0 : i32
      %dma_start3A_759 = tpu.memref_slice %arg4[%shift_right_arithmetic3A_742, %and3A_744, %dma_start3A_758] : memref<125000x8x64xf32, #tpu.memory_space<hbm>> -> memref<1x1x64xf32, #tpu.memory_space<hbm>>
      %dma_start3A_760 = tpu.memref_squeeze %dma_start3A_759 : memref<1x1x64xf32, #tpu.memory_space<hbm>> -> memref<64xf32, #tpu.memory_space<hbm>>
      tpu.enqueue_dma source(%dma_start3A_760 : memref<64xf32, #tpu.memory_space<hbm>>) target(%dma_start3A_757 : memref<64xf32, #tpu.memory_space<vmem>>) target_semaphore(%arg9 : memref<!tpu.dma_semaphore, #tpu.memory_space<semaphore_mem>>)
    }
    %scan3A_351 = arith.constant 31 : i32
    %dma_wait3A = arith.constant 0 : i32
    %dma_wait3A_352 = arith.constant 0 : i32
    %dma_wait3A_353 = tpu.memref_slice %arg5[%dma_wait3A, %dma_wait3A_352] : memref<16384x64xf32, #tpu.memory_space<hbm>> -> memref<512x64xf32, #tpu.memory_space<hbm>>
    %dma_wait3A_354 = arith.constant 0 : i32
    %dma_wait3A_355 = arith.constant 0 : i32
    %dma_wait3A_356 = tpu.memref_slice %arg5[%dma_wait3A_354, %dma_wait3A_355] : memref<16384x64xf32, #tpu.memory_space<hbm>> -> memref<512x64xf32, #tpu.memory_space<hbm>>
    tpu.wait_dma2 semaphore(%arg9 : memref<!tpu.dma_semaphore, #tpu.memory_space<semaphore_mem>>) src(%dma_wait3A_356 : memref<512x64xf32, #tpu.memory_space<hbm>>) dst(%arg7 : memref<512x64xf32, #tpu.memory_space<vmem>>)
    %scan3A_357 = arith.constant 0 : i32
    %scan3A_358 = arith.constant 0 : i32
    %scan3A_359 = arith.constant 32 : i32
    %scan3A_360 = arith.addi %scan3A_358, %scan3A_359 : i32
    %scan3A_361 = arith.constant 1 : i32
    scf.for %scan3A_365 = %scan3A_358 to %scan3A_360 step %scan3A_361  : i32 {
      %mul3A_366 = arith.constant 16 : i32
      %mul3A_367 = arith.muli %scan3A_365, %mul3A_366 : i32
      %add3A_368 = arith.constant 0 : i32
      %add3A_369 = arith.addi %add3A_368, %mul3A_367 : i32
      %add3A_370 = arith.constant 0 : i32
      %add3A_371 = arith.addi %add3A_369, %add3A_370 : i32
      %get3A_372 = arith.index_cast %add3A_371 : i32 to index
      %get3A_373 = arith.constant 0 : index
      %get3A_374 = tpu.vector_load %arg7[%get3A_372, %get3A_373] {strides = array<i32>} : memref<512x64xf32, #tpu.memory_space<vmem>>, vector<1x16xf32>,
      %get3A_375 = vector.shape_cast %get3A_374 : vector<1x16xf32> to vector<16xf32>
      %mul3A_376 = arith.mulf %get3A_375, %get3A_11 : vector<16xf32>
      %add3A_377 = arith.constant 0 : i32
      %add3A_378 = arith.addi %add3A_369, %add3A_377 : i32
      %swap3A = arith.index_cast %add3A_378 : i32 to index
      %swap3A_379 = arith.constant 0 : index
      %swap3A_380 = tpu.vector_load %arg7[%swap3A, %swap3A_379] {strides = array<i32>} : memref<512x64xf32, #tpu.memory_space<vmem>>, vector<1x16xf32>,
      %swap3A_381 = vector.shape_cast %swap3A_380 : vector<1x16xf32> to vector<16xf32>
      %swap3A_382 = vector.shape_cast %mul3A_376 : vector<16xf32> to vector<1x16xf32>
      tpu.vector_store %arg7[%swap3A, %swap3A_379], %swap3A_382 {strides = array<i32>} : memref<512x64xf32, #tpu.memory_space<vmem>>, vector<1x16xf32>,
      %add3A_383 = arith.constant 0 : i32
      %add3A_384 = arith.addi %add3A_369, %add3A_383 : i32
      %get3A_385 = arith.index_cast %add3A_384 : i32 to index
      %get3A_386 = arith.constant 16 : index
      %get3A_387 = tpu.vector_load %arg7[%get3A_385, %get3A_386] {strides = array<i32>} : memref<512x64xf32, #tpu.memory_space<vmem>>, vector<1x16xf32>,
      %get3A_388 = vector.shape_cast %get3A_387 : vector<1x16xf32> to vector<16xf32>
      %mul3A_389 = arith.mulf %get3A_388, %get3A_11 : vector<16xf32>
      %add3A_390 = arith.constant 0 : i32
      %add3A_391 = arith.addi %add3A_369, %add3A_390 : i32
      %swap3A_392 = arith.index_cast %add3A_391 : i32 to index
      %swap3A_393 = arith.constant 16 : index
      %swap3A_394 = tpu.vector_load %arg7[%swap3A_392, %swap3A_393] {strides = array<i32>} : memref<512x64xf32, #tpu.memory_space<vmem>>, vector<1x16xf32>,
      %swap3A_395 = vector.shape_cast %swap3A_394 : vector<1x16xf32> to vector<16xf32>
      %swap3A_396 = vector.shape_cast %mul3A_389 : vector<16xf32> to vector<1x16xf32>
      tpu.vector_store %arg7[%swap3A_392, %swap3A_393], %swap3A_396 {strides = array<i32>} : memref<512x64xf32, #tpu.memory_space<vmem>>, vector<1x16xf32>,
      %add3A_397 = arith.constant 0 : i32
      %add3A_398 = arith.addi %add3A_369, %add3A_397 : i32
      %get3A_399 = arith.index_cast %add3A_398 : i32 to index
      %get3A_400 = arith.constant 32 : index
      %get3A_401 = tpu.vector_load %arg7[%get3A_399, %get3A_400] {strides = array<i32>} : memref<512x64xf32, #tpu.memory_space<vmem>>, vector<1x16xf32>,
      %get3A_402 = vector.shape_cast %get3A_401 : vector<1x16xf32> to vector<16xf32>
      %mul3A_403 = arith.mulf %get3A_402, %get3A_11 : vector<16xf32>
      %add3A_404 = arith.constant 0 : i32
      %add3A_405 = arith.addi %add3A_369, %add3A_404 : i32
      %swap3A_406 = arith.index_cast %add3A_405 : i32 to index
      %swap3A_407 = arith.constant 32 : index
      %swap3A_408 = tpu.vector_load %arg7[%swap3A_406, %swap3A_407] {strides = array<i32>} : memref<512x64xf32, #tpu.memory_space<vmem>>, vector<1x16xf32>,
      %swap3A_409 = vector.shape_cast %swap3A_408 : vector<1x16xf32> to vector<16xf32>
      %swap3A_410 = vector.shape_cast %mul3A_403 : vector<16xf32> to vector<1x16xf32>
      tpu.vector_store %arg7[%swap3A_406, %swap3A_407], %swap3A_410 {strides = array<i32>} : memref<512x64xf32, #tpu.memory_space<vmem>>, vector<1x16xf32>,
      %add3A_411 = arith.constant 0 : i32
      %add3A_412 = arith.addi %add3A_369, %add3A_411 : i32
      %get3A_413 = arith.index_cast %add3A_412 : i32 to index
      %get3A_414 = arith.constant 48 : index
      %get3A_415 = tpu.vector_load %arg7[%get3A_413, %get3A_414] {strides = array<i32>} : memref<512x64xf32, #tpu.memory_space<vmem>>, vector<1x16xf32>,
      %get3A_416 = vector.shape_cast %get3A_415 : vector<1x16xf32> to vector<16xf32>
      %mul3A_417 = arith.mulf %get3A_416, %get3A_11 : vector<16xf32>
      %add3A_418 = arith.constant 0 : i32
      %add3A_419 = arith.addi %add3A_369, %add3A_418 : i32
      %swap3A_420 = arith.index_cast %add3A_419 : i32 to index
      %swap3A_421 = arith.constant 48 : index
      %swap3A_422 = tpu.vector_load %arg7[%swap3A_420, %swap3A_421] {strides = array<i32>} : memref<512x64xf32, #tpu.memory_space<vmem>>, vector<1x16xf32>,
      %swap3A_423 = vector.shape_cast %swap3A_422 : vector<1x16xf32> to vector<16xf32>
      %swap3A_424 = vector.shape_cast %mul3A_417 : vector<16xf32> to vector<1x16xf32>
      tpu.vector_store %arg7[%swap3A_420, %swap3A_421], %swap3A_424 {strides = array<i32>} : memref<512x64xf32, #tpu.memory_space<vmem>>, vector<1x16xf32>,
      %add3A_425 = arith.constant 1 : i32
      %add3A_426 = arith.addi %add3A_369, %add3A_425 : i32
      %get3A_427 = arith.index_cast %add3A_426 : i32 to index
      %get3A_428 = arith.constant 0 : index
      %get3A_429 = tpu.vector_load %arg7[%get3A_427, %get3A_428] {strides = array<i32>} : memref<512x64xf32, #tpu.memory_space<vmem>>, vector<1x16xf32>,
      %get3A_430 = vector.shape_cast %get3A_429 : vector<1x16xf32> to vector<16xf32>
      %mul3A_431 = arith.mulf %get3A_430, %get3A_11 : vector<16xf32>
      %add3A_432 = arith.constant 1 : i32
      %add3A_433 = arith.addi %add3A_369, %add3A_432 : i32
      %swap3A_434 = arith.index_cast %add3A_433 : i32 to index
      %swap3A_435 = arith.constant 0 : index
      %swap3A_436 = tpu.vector_load %arg7[%swap3A_434, %swap3A_435] {strides = array<i32>} : memref<512x64xf32, #tpu.memory_space<vmem>>, vector<1x16xf32>,
      %swap3A_437 = vector.shape_cast %swap3A_436 : vector<1x16xf32> to vector<16xf32>
      %swap3A_438 = vector.shape_cast %mul3A_431 : vector<16xf32> to vector<1x16xf32>
      tpu.vector_store %arg7[%swap3A_434, %swap3A_435], %swap3A_438 {strides = array<i32>} : memref<512x64xf32, #tpu.memory_space<vmem>>, vector<1x16xf32>,
      %add3A_439 = arith.constant 1 : i32
      %add3A_440 = arith.addi %add3A_369, %add3A_439 : i32
      %get3A_441 = arith.index_cast %add3A_440 : i32 to index
      %get3A_442 = arith.constant 16 : index
      %get3A_443 = tpu.vector_load %arg7[%get3A_441, %get3A_442] {strides = array<i32>} : memref<512x64xf32, #tpu.memory_space<vmem>>, vector<1x16xf32>,
      %get3A_444 = vector.shape_cast %get3A_443 : vector<1x16xf32> to vector<16xf32>
      %mul3A_445 = arith.mulf %get3A_444, %get3A_11 : vector<16xf32>
      %add3A_446 = arith.constant 1 : i32
      %add3A_447 = arith.addi %add3A_369, %add3A_446 : i32
      %swap3A_448 = arith.index_cast %add3A_447 : i32 to index
      %swap3A_449 = arith.constant 16 : index
      %swap3A_450 = tpu.vector_load %arg7[%swap3A_448, %swap3A_449] {strides = array<i32>} : memref<512x64xf32, #tpu.memory_space<vmem>>, vector<1x16xf32>,
      %swap3A_451 = vector.shape_cast %swap3A_450 : vector<1x16xf32> to vector<16xf32>
      %swap3A_452 = vector.shape_cast %mul3A_445 : vector<16xf32> to vector<1x16xf32>
      tpu.vector_store %arg7[%swap3A_448, %swap3A_449], %swap3A_452 {strides = array<i32>} : memref<512x64xf32, #tpu.memory_space<vmem>>, vector<1x16xf32>,
      %add3A_453 = arith.constant 1 : i32
      %add3A_454 = arith.addi %add3A_369, %add3A_453 : i32
      %get3A_455 = arith.index_cast %add3A_454 : i32 to index
      %get3A_456 = arith.constant 32 : index
      %get3A_457 = tpu.vector_load %arg7[%get3A_455, %get3A_456] {strides = array<i32>} : memref<512x64xf32, #tpu.memory_space<vmem>>, vector<1x16xf32>,
      %get3A_458 = vector.shape_cast %get3A_457 : vector<1x16xf32> to vector<16xf32>
      %mul3A_459 = arith.mulf %get3A_458, %get3A_11 : vector<16xf32>
      %add3A_460 = arith.constant 1 : i32
      %add3A_461 = arith.addi %add3A_369, %add3A_460 : i32
      %swap3A_462 = arith.index_cast %add3A_461 : i32 to index
      %swap3A_463 = arith.constant 32 : index
      %swap3A_464 = tpu.vector_load %arg7[%swap3A_462, %swap3A_463] {strides = array<i32>} : memref<512x64xf32, #tpu.memory_space<vmem>>, vector<1x16xf32>,
      %swap3A_465 = vector.shape_cast %swap3A_464 : vector<1x16xf32> to vector<16xf32>
      %swap3A_466 = vector.shape_cast %mul3A_459 : vector<16xf32> to vector<1x16xf32>
      tpu.vector_store %arg7[%swap3A_462, %swap3A_463], %swap3A_466 {strides = array<i32>} : memref<512x64xf32, #tpu.memory_space<vmem>>, vector<1x16xf32>,
      %add3A_467 = arith.constant 1 : i32
      %add3A_468 = arith.addi %add3A_369, %add3A_467 : i32
      %get3A_469 = arith.index_cast %add3A_468 : i32 to index
      %get3A_470 = arith.constant 48 : index
      %get3A_471 = tpu.vector_load %arg7[%get3A_469, %get3A_470] {strides = array<i32>} : memref<512x64xf32, #tpu.memory_space<vmem>>, vector<1x16xf32>,
      %get3A_472 = vector.shape_cast %get3A_471 : vector<1x16xf32> to vector<16xf32>
      %mul3A_473 = arith.mulf %get3A_472, %get3A_11 : vector<16xf32>
      %add3A_474 = arith.constant 1 : i32
      %add3A_475 = arith.addi %add3A_369, %add3A_474 : i32
      %swap3A_476 = arith.index_cast %add3A_475 : i32 to index
      %swap3A_477 = arith.constant 48 : index
      %swap3A_478 = tpu.vector_load %arg7[%swap3A_476, %swap3A_477] {strides = array<i32>} : memref<512x64xf32, #tpu.memory_space<vmem>>, vector<1x16xf32>,
      %swap3A_479 = vector.shape_cast %swap3A_478 : vector<1x16xf32> to vector<16xf32>
      %swap3A_480 = vector.shape_cast %mul3A_473 : vector<16xf32> to vector<1x16xf32>
      tpu.vector_store %arg7[%swap3A_476, %swap3A_477], %swap3A_480 {strides = array<i32>} : memref<512x64xf32, #tpu.memory_space<vmem>>, vector<1x16xf32>,
      %add3A_481 = arith.constant 2 : i32
      %add3A_482 = arith.addi %add3A_369, %add3A_481 : i32
      %get3A_483 = arith.index_cast %add3A_482 : i32 to index
      %get3A_484 = arith.constant 0 : index
      %get3A_485 = tpu.vector_load %arg7[%get3A_483, %get3A_484] {strides = array<i32>} : memref<512x64xf32, #tpu.memory_space<vmem>>, vector<1x16xf32>,
      %get3A_486 = vector.shape_cast %get3A_485 : vector<1x16xf32> to vector<16xf32>
      %mul3A_487 = arith.mulf %get3A_486, %get3A_11 : vector<16xf32>
      %add3A_488 = arith.constant 2 : i32
      %add3A_489 = arith.addi %add3A_369, %add3A_488 : i32
      %swap3A_490 = arith.index_cast %add3A_489 : i32 to index
      %swap3A_491 = arith.constant 0 : index
      %swap3A_492 = tpu.vector_load %arg7[%swap3A_490, %swap3A_491] {strides = array<i32>} : memref<512x64xf32, #tpu.memory_space<vmem>>, vector<1x16xf32>,
      %swap3A_493 = vector.shape_cast %swap3A_492 : vector<1x16xf32> to vector<16xf32>
      %swap3A_494 = vector.shape_cast %mul3A_487 : vector<16xf32> to vector<1x16xf32>
      tpu.vector_store %arg7[%swap3A_490, %swap3A_491], %swap3A_494 {strides = array<i32>} : memref<512x64xf32, #tpu.memory_space<vmem>>, vector<1x16xf32>,
      %add3A_495 = arith.constant 2 : i32
      %add3A_496 = arith.addi %add3A_369, %add3A_495 : i32
      %get3A_497 = arith.index_cast %add3A_496 : i32 to index
      %get3A_498 = arith.constant 16 : index
      %get3A_499 = tpu.vector_load %arg7[%get3A_497, %get3A_498] {strides = array<i32>} : memref<512x64xf32, #tpu.memory_space<vmem>>, vector<1x16xf32>,
      %get3A_500 = vector.shape_cast %get3A_499 : vector<1x16xf32> to vector<16xf32>
      %mul3A_501 = arith.mulf %get3A_500, %get3A_11 : vector<16xf32>
      %add3A_502 = arith.constant 2 : i32
      %add3A_503 = arith.addi %add3A_369, %add3A_502 : i32
      %swap3A_504 = arith.index_cast %add3A_503 : i32 to index
      %swap3A_505 = arith.constant 16 : index
      %swap3A_506 = tpu.vector_load %arg7[%swap3A_504, %swap3A_505] {strides = array<i32>} : memref<512x64xf32, #tpu.memory_space<vmem>>, vector<1x16xf32>,
      %swap3A_507 = vector.shape_cast %swap3A_506 : vector<1x16xf32> to vector<16xf32>
      %swap3A_508 = vector.shape_cast %mul3A_501 : vector<16xf32> to vector<1x16xf32>
      tpu.vector_store %arg7[%swap3A_504, %swap3A_505], %swap3A_508 {strides = array<i32>} : memref<512x64xf32, #tpu.memory_space<vmem>>, vector<1x16xf32>,
      %add3A_509 = arith.constant 2 : i32
      %add3A_510 = arith.addi %add3A_369, %add3A_509 : i32
      %get3A_511 = arith.index_cast %add3A_510 : i32 to index
      %get3A_512 = arith.constant 32 : index
      %get3A_513 = tpu.vector_load %arg7[%get3A_511, %get3A_512] {strides = array<i32>} : memref<512x64xf32, #tpu.memory_space<vmem>>, vector<1x16xf32>,
      %get3A_514 = vector.shape_cast %get3A_513 : vector<1x16xf32> to vector<16xf32>
      %mul3A_515 = arith.mulf %get3A_514, %get3A_11 : vector<16xf32>
      %add3A_516 = arith.constant 2 : i32
      %add3A_517 = arith.addi %add3A_369, %add3A_516 : i32
      %swap3A_518 = arith.index_cast %add3A_517 : i32 to index
      %swap3A_519 = arith.constant 32 : index
      %swap3A_520 = tpu.vector_load %arg7[%swap3A_518, %swap3A_519] {strides = array<i32>} : memref<512x64xf32, #tpu.memory_space<vmem>>, vector<1x16xf32>,
      %swap3A_521 = vector.shape_cast %swap3A_520 : vector<1x16xf32> to vector<16xf32>
      %swap3A_522 = vector.shape_cast %mul3A_515 : vector<16xf32> to vector<1x16xf32>
      tpu.vector_store %arg7[%swap3A_518, %swap3A_519], %swap3A_522 {strides = array<i32>} : memref<512x64xf32, #tpu.memory_space<vmem>>, vector<1x16xf32>,
      %add3A_523 = arith.constant 2 : i32
      %add3A_524 = arith.addi %add3A_369, %add3A_523 : i32
      %get3A_525 = arith.index_cast %add3A_524 : i32 to index
      %get3A_526 = arith.constant 48 : index
      %get3A_527 = tpu.vector_load %arg7[%get3A_525, %get3A_526] {strides = array<i32>} : memref<512x64xf32, #tpu.memory_space<vmem>>, vector<1x16xf32>,
      %get3A_528 = vector.shape_cast %get3A_527 : vector<1x16xf32> to vector<16xf32>
      %mul3A_529 = arith.mulf %get3A_528, %get3A_11 : vector<16xf32>
      %add3A_530 = arith.constant 2 : i32
      %add3A_531 = arith.addi %add3A_369, %add3A_530 : i32
      %swap3A_532 = arith.index_cast %add3A_531 : i32 to index
      %swap3A_533 = arith.constant 48 : index
      %swap3A_534 = tpu.vector_load %arg7[%swap3A_532, %swap3A_533] {strides = array<i32>} : memref<512x64xf32, #tpu.memory_space<vmem>>, vector<1x16xf32>,
      %swap3A_535 = vector.shape_cast %swap3A_534 : vector<1x16xf32> to vector<16xf32>
      %swap3A_536 = vector.shape_cast %mul3A_529 : vector<16xf32> to vector<1x16xf32>
      tpu.vector_store %arg7[%swap3A_532, %swap3A_533], %swap3A_536 {strides = array<i32>} : memref<512x64xf32, #tpu.memory_space<vmem>>, vector<1x16xf32>,
      %add3A_537 = arith.constant 3 : i32
      %add3A_538 = arith.addi %add3A_369, %add3A_537 : i32
      %get3A_539 = arith.index_cast %add3A_538 : i32 to index
      %get3A_540 = arith.constant 0 : index
      %get3A_541 = tpu.vector_load %arg7[%get3A_539, %get3A_540] {strides = array<i32>} : memref<512x64xf32, #tpu.memory_space<vmem>>, vector<1x16xf32>,
      %get3A_542 = vector.shape_cast %get3A_541 : vector<1x16xf32> to vector<16xf32>
      %mul3A_543 = arith.mulf %get3A_542, %get3A_11 : vector<16xf32>
      %add3A_544 = arith.constant 3 : i32
      %add3A_545 = arith.addi %add3A_369, %add3A_544 : i32
      %swap3A_546 = arith.index_cast %add3A_545 : i32 to index
      %swap3A_547 = arith.constant 0 : index
      %swap3A_548 = tpu.vector_load %arg7[%swap3A_546, %swap3A_547] {strides = array<i32>} : memref<512x64xf32, #tpu.memory_space<vmem>>, vector<1x16xf32>,
      %swap3A_549 = vector.shape_cast %swap3A_548 : vector<1x16xf32> to vector<16xf32>
      %swap3A_550 = vector.shape_cast %mul3A_543 : vector<16xf32> to vector<1x16xf32>
      tpu.vector_store %arg7[%swap3A_546, %swap3A_547], %swap3A_550 {strides = array<i32>} : memref<512x64xf32, #tpu.memory_space<vmem>>, vector<1x16xf32>,
      %add3A_551 = arith.constant 3 : i32
      %add3A_552 = arith.addi %add3A_369, %add3A_551 : i32
      %get3A_553 = arith.index_cast %add3A_552 : i32 to index
      %get3A_554 = arith.constant 16 : index
      %get3A_555 = tpu.vector_load %arg7[%get3A_553, %get3A_554] {strides = array<i32>} : memref<512x64xf32, #tpu.memory_space<vmem>>, vector<1x16xf32>,
      %get3A_556 = vector.shape_cast %get3A_555 : vector<1x16xf32> to vector<16xf32>
      %mul3A_557 = arith.mulf %get3A_556, %get3A_11 : vector<16xf32>
      %add3A_558 = arith.constant 3 : i32
      %add3A_559 = arith.addi %add3A_369, %add3A_558 : i32
      %swap3A_560 = arith.index_cast %add3A_559 : i32 to index
      %swap3A_561 = arith.constant 16 : index
      %swap3A_562 = tpu.vector_load %arg7[%swap3A_560, %swap3A_561] {strides = array<i32>} : memref<512x64xf32, #tpu.memory_space<vmem>>, vector<1x16xf32>,
      %swap3A_563 = vector.shape_cast %swap3A_562 : vector<1x16xf32> to vector<16xf32>
      %swap3A_564 = vector.shape_cast %mul3A_557 : vector<16xf32> to vector<1x16xf32>
      tpu.vector_store %arg7[%swap3A_560, %swap3A_561], %swap3A_564 {strides = array<i32>} : memref<512x64xf32, #tpu.memory_space<vmem>>, vector<1x16xf32>,
      %add3A_565 = arith.constant 3 : i32
      %add3A_566 = arith.addi %add3A_369, %add3A_565 : i32
      %get3A_567 = arith.index_cast %add3A_566 : i32 to index
      %get3A_568 = arith.constant 32 : index
      %get3A_569 = tpu.vector_load %arg7[%get3A_567, %get3A_568] {strides = array<i32>} : memref<512x64xf32, #tpu.memory_space<vmem>>, vector<1x16xf32>,
      %get3A_570 = vector.shape_cast %get3A_569 : vector<1x16xf32> to vector<16xf32>
      %mul3A_571 = arith.mulf %get3A_570, %get3A_11 : vector<16xf32>
      %add3A_572 = arith.constant 3 : i32
      %add3A_573 = arith.addi %add3A_369, %add3A_572 : i32
      %swap3A_574 = arith.index_cast %add3A_573 : i32 to index
      %swap3A_575 = arith.constant 32 : index
      %swap3A_576 = tpu.vector_load %arg7[%swap3A_574, %swap3A_575] {strides = array<i32>} : memref<512x64xf32, #tpu.memory_space<vmem>>, vector<1x16xf32>,
      %swap3A_577 = vector.shape_cast %swap3A_576 : vector<1x16xf32> to vector<16xf32>
      %swap3A_578 = vector.shape_cast %mul3A_571 : vector<16xf32> to vector<1x16xf32>
      tpu.vector_store %arg7[%swap3A_574, %swap3A_575], %swap3A_578 {strides = array<i32>} : memref<512x64xf32, #tpu.memory_space<vmem>>, vector<1x16xf32>,
      %add3A_579 = arith.constant 3 : i32
      %add3A_580 = arith.addi %add3A_369, %add3A_579 : i32
      %get3A_581 = arith.index_cast %add3A_580 : i32 to index
      %get3A_582 = arith.constant 48 : index
      %get3A_583 = tpu.vector_load %arg7[%get3A_581, %get3A_582] {strides = array<i32>} : memref<512x64xf32, #tpu.memory_space<vmem>>, vector<1x16xf32>,
      %get3A_584 = vector.shape_cast %get3A_583 : vector<1x16xf32> to vector<16xf32>
      %mul3A_585 = arith.mulf %get3A_584, %get3A_11 : vector<16xf32>
      %add3A_586 = arith.constant 3 : i32
      %add3A_587 = arith.addi %add3A_369, %add3A_586 : i32
      %swap3A_588 = arith.index_cast %add3A_587 : i32 to index
      %swap3A_589 = arith.constant 48 : index
      %swap3A_590 = tpu.vector_load %arg7[%swap3A_588, %swap3A_589] {strides = array<i32>} : memref<512x64xf32, #tpu.memory_space<vmem>>, vector<1x16xf32>,
      %swap3A_591 = vector.shape_cast %swap3A_590 : vector<1x16xf32> to vector<16xf32>
      %swap3A_592 = vector.shape_cast %mul3A_585 : vector<16xf32> to vector<1x16xf32>
      tpu.vector_store %arg7[%swap3A_588, %swap3A_589], %swap3A_592 {strides = array<i32>} : memref<512x64xf32, #tpu.memory_space<vmem>>, vector<1x16xf32>,
      %add3A_593 = arith.constant 4 : i32
      %add3A_594 = arith.addi %add3A_369, %add3A_593 : i32
      %get3A_595 = arith.index_cast %add3A_594 : i32 to index
      %get3A_596 = arith.constant 0 : index
      %get3A_597 = tpu.vector_load %arg7[%get3A_595, %get3A_596] {strides = array<i32>} : memref<512x64xf32, #tpu.memory_space<vmem>>, vector<1x16xf32>,
      %get3A_598 = vector.shape_cast %get3A_597 : vector<1x16xf32> to vector<16xf32>
      %mul3A_599 = arith.mulf %get3A_598, %get3A_11 : vector<16xf32>
      %add3A_600 = arith.constant 4 : i32
      %add3A_601 = arith.addi %add3A_369, %add3A_600 : i32
      %swap3A_602 = arith.index_cast %add3A_601 : i32 to index
      %swap3A_603 = arith.constant 0 : index
      %swap3A_604 = tpu.vector_load %arg7[%swap3A_602, %swap3A_603] {strides = array<i32>} : memref<512x64xf32, #tpu.memory_space<vmem>>, vector<1x16xf32>,
      %swap3A_605 = vector.shape_cast %swap3A_604 : vector<1x16xf32> to vector<16xf32>
      %swap3A_606 = vector.shape_cast %mul3A_599 : vector<16xf32> to vector<1x16xf32>
      tpu.vector_store %arg7[%swap3A_602, %swap3A_603], %swap3A_606 {strides = array<i32>} : memref<512x64xf32, #tpu.memory_space<vmem>>, vector<1x16xf32>,
      %add3A_607 = arith.constant 4 : i32
      %add3A_608 = arith.addi %add3A_369, %add3A_607 : i32
      %get3A_609 = arith.index_cast %add3A_608 : i32 to index
      %get3A_610 = arith.constant 16 : index
      %get3A_611 = tpu.vector_load %arg7[%get3A_609, %get3A_610] {strides = array<i32>} : memref<512x64xf32, #tpu.memory_space<vmem>>, vector<1x16xf32>,
      %get3A_612 = vector.shape_cast %get3A_611 : vector<1x16xf32> to vector<16xf32>
      %mul3A_613 = arith.mulf %get3A_612, %get3A_11 : vector<16xf32>
      %add3A_614 = arith.constant 4 : i32
      %add3A_615 = arith.addi %add3A_369, %add3A_614 : i32
      %swap3A_616 = arith.index_cast %add3A_615 : i32 to index
      %swap3A_617 = arith.constant 16 : index
      %swap3A_618 = tpu.vector_load %arg7[%swap3A_616, %swap3A_617] {strides = array<i32>} : memref<512x64xf32, #tpu.memory_space<vmem>>, vector<1x16xf32>,
      %swap3A_619 = vector.shape_cast %swap3A_618 : vector<1x16xf32> to vector<16xf32>
      %swap3A_620 = vector.shape_cast %mul3A_613 : vector<16xf32> to vector<1x16xf32>
      tpu.vector_store %arg7[%swap3A_616, %swap3A_617], %swap3A_620 {strides = array<i32>} : memref<512x64xf32, #tpu.memory_space<vmem>>, vector<1x16xf32>,
      %add3A_621 = arith.constant 4 : i32
      %add3A_622 = arith.addi %add3A_369, %add3A_621 : i32
      %get3A_623 = arith.index_cast %add3A_622 : i32 to index
      %get3A_624 = arith.constant 32 : index
      %get3A_625 = tpu.vector_load %arg7[%get3A_623, %get3A_624] {strides = array<i32>} : memref<512x64xf32, #tpu.memory_space<vmem>>, vector<1x16xf32>,
      %get3A_626 = vector.shape_cast %get3A_625 : vector<1x16xf32> to vector<16xf32>
      %mul3A_627 = arith.mulf %get3A_626, %get3A_11 : vector<16xf32>
      %add3A_628 = arith.constant 4 : i32
      %add3A_629 = arith.addi %add3A_369, %add3A_628 : i32
      %swap3A_630 = arith.index_cast %add3A_629 : i32 to index
      %swap3A_631 = arith.constant 32 : index
      %swap3A_632 = tpu.vector_load %arg7[%swap3A_630, %swap3A_631] {strides = array<i32>} : memref<512x64xf32, #tpu.memory_space<vmem>>, vector<1x16xf32>,
      %swap3A_633 = vector.shape_cast %swap3A_632 : vector<1x16xf32> to vector<16xf32>
      %swap3A_634 = vector.shape_cast %mul3A_627 : vector<16xf32> to vector<1x16xf32>
      tpu.vector_store %arg7[%swap3A_630, %swap3A_631], %swap3A_634 {strides = array<i32>} : memref<512x64xf32, #tpu.memory_space<vmem>>, vector<1x16xf32>,
      %add3A_635 = arith.constant 4 : i32
      %add3A_636 = arith.addi %add3A_369, %add3A_635 : i32
      %get3A_637 = arith.index_cast %add3A_636 : i32 to index
      %get3A_638 = arith.constant 48 : index
      %get3A_639 = tpu.vector_load %arg7[%get3A_637, %get3A_638] {strides = array<i32>} : memref<512x64xf32, #tpu.memory_space<vmem>>, vector<1x16xf32>,
      %get3A_640 = vector.shape_cast %get3A_639 : vector<1x16xf32> to vector<16xf32>
      %mul3A_641 = arith.mulf %get3A_640, %get3A_11 : vector<16xf32>
      %add3A_642 = arith.constant 4 : i32
      %add3A_643 = arith.addi %add3A_369, %add3A_642 : i32
      %swap3A_644 = arith.index_cast %add3A_643 : i32 to index
      %swap3A_645 = arith.constant 48 : index
      %swap3A_646 = tpu.vector_load %arg7[%swap3A_644, %swap3A_645] {strides = array<i32>} : memref<512x64xf32, #tpu.memory_space<vmem>>, vector<1x16xf32>,
      %swap3A_647 = vector.shape_cast %swap3A_646 : vector<1x16xf32> to vector<16xf32>
      %swap3A_648 = vector.shape_cast %mul3A_641 : vector<16xf32> to vector<1x16xf32>
      tpu.vector_store %arg7[%swap3A_644, %swap3A_645], %swap3A_648 {strides = array<i32>} : memref<512x64xf32, #tpu.memory_space<vmem>>, vector<1x16xf32>,
      %add3A_649 = arith.constant 5 : i32
      %add3A_650 = arith.addi %add3A_369, %add3A_649 : i32
      %get3A_651 = arith.index_cast %add3A_650 : i32 to index
      %get3A_652 = arith.constant 0 : index
      %get3A_653 = tpu.vector_load %arg7[%get3A_651, %get3A_652] {strides = array<i32>} : memref<512x64xf32, #tpu.memory_space<vmem>>, vector<1x16xf32>,
      %get3A_654 = vector.shape_cast %get3A_653 : vector<1x16xf32> to vector<16xf32>
      %mul3A_655 = arith.mulf %get3A_654, %get3A_11 : vector<16xf32>
      %add3A_656 = arith.constant 5 : i32
      %add3A_657 = arith.addi %add3A_369, %add3A_656 : i32
      %swap3A_658 = arith.index_cast %add3A_657 : i32 to index
      %swap3A_659 = arith.constant 0 : index
      %swap3A_660 = tpu.vector_load %arg7[%swap3A_658, %swap3A_659] {strides = array<i32>} : memref<512x64xf32, #tpu.memory_space<vmem>>, vector<1x16xf32>,
      %swap3A_661 = vector.shape_cast %swap3A_660 : vector<1x16xf32> to vector<16xf32>
      %swap3A_662 = vector.shape_cast %mul3A_655 : vector<16xf32> to vector<1x16xf32>
      tpu.vector_store %arg7[%swap3A_658, %swap3A_659], %swap3A_662 {strides = array<i32>} : memref<512x64xf32, #tpu.memory_space<vmem>>, vector<1x16xf32>,
      %add3A_663 = arith.constant 5 : i32
      %add3A_664 = arith.addi %add3A_369, %add3A_663 : i32
      %get3A_665 = arith.index_cast %add3A_664 : i32 to index
      %get3A_666 = arith.constant 16 : index
      %get3A_667 = tpu.vector_load %arg7[%get3A_665, %get3A_666] {strides = array<i32>} : memref<512x64xf32, #tpu.memory_space<vmem>>, vector<1x16xf32>,
      %get3A_668 = vector.shape_cast %get3A_667 : vector<1x16xf32> to vector<16xf32>
      %mul3A_669 = arith.mulf %get3A_668, %get3A_11 : vector<16xf32>
      %add3A_670 = arith.constant 5 : i32
      %add3A_671 = arith.addi %add3A_369, %add3A_670 : i32
      %swap3A_672 = arith.index_cast %add3A_671 : i32 to index
      %swap3A_673 = arith.constant 16 : index
      %swap3A_674 = tpu.vector_load %arg7[%swap3A_672, %swap3A_673] {strides = array<i32>} : memref<512x64xf32, #tpu.memory_space<vmem>>, vector<1x16xf32>,
      %swap3A_675 = vector.shape_cast %swap3A_674 : vector<1x16xf32> to vector<16xf32>
      %swap3A_676 = vector.shape_cast %mul3A_669 : vector<16xf32> to vector<1x16xf32>
      tpu.vector_store %arg7[%swap3A_672, %swap3A_673], %swap3A_676 {strides = array<i32>} : memref<512x64xf32, #tpu.memory_space<vmem>>, vector<1x16xf32>,
      %add3A_677 = arith.constant 5 : i32
      %add3A_678 = arith.addi %add3A_369, %add3A_677 : i32
      %get3A_679 = arith.index_cast %add3A_678 : i32 to index
      %get3A_680 = arith.constant 32 : index
      %get3A_681 = tpu.vector_load %arg7[%get3A_679, %get3A_680] {strides = array<i32>} : memref<512x64xf32, #tpu.memory_space<vmem>>, vector<1x16xf32>,
      %get3A_682 = vector.shape_cast %get3A_681 : vector<1x16xf32> to vector<16xf32>
      %mul3A_683 = arith.mulf %get3A_682, %get3A_11 : vector<16xf32>
      %add3A_684 = arith.constant 5 : i32
      %add3A_685 = arith.addi %add3A_369, %add3A_684 : i32
      %swap3A_686 = arith.index_cast %add3A_685 : i32 to index
      %swap3A_687 = arith.constant 32 : index
      %swap3A_688 = tpu.vector_load %arg7[%swap3A_686, %swap3A_687] {strides = array<i32>} : memref<512x64xf32, #tpu.memory_space<vmem>>, vector<1x16xf32>,
      %swap3A_689 = vector.shape_cast %swap3A_688 : vector<1x16xf32> to vector<16xf32>
      %swap3A_690 = vector.shape_cast %mul3A_683 : vector<16xf32> to vector<1x16xf32>
      tpu.vector_store %arg7[%swap3A_686, %swap3A_687], %swap3A_690 {strides = array<i32>} : memref<512x64xf32, #tpu.memory_space<vmem>>, vector<1x16xf32>,
      %add3A_691 = arith.constant 5 : i32
      %add3A_692 = arith.addi %add3A_369, %add3A_691 : i32
      %get3A_693 = arith.index_cast %add3A_692 : i32 to index
      %get3A_694 = arith.constant 48 : index
      %get3A_695 = tpu.vector_load %arg7[%get3A_693, %get3A_694] {strides = array<i32>} : memref<512x64xf32, #tpu.memory_space<vmem>>, vector<1x16xf32>,
      %get3A_696 = vector.shape_cast %get3A_695 : vector<1x16xf32> to vector<16xf32>
      %mul3A_697 = arith.mulf %get3A_696, %get3A_11 : vector<16xf32>
      %add3A_698 = arith.constant 5 : i32
      %add3A_699 = arith.addi %add3A_369, %add3A_698 : i32
      %swap3A_700 = arith.index_cast %add3A_699 : i32 to index
      %swap3A_701 = arith.constant 48 : index
      %swap3A_702 = tpu.vector_load %arg7[%swap3A_700, %swap3A_701] {strides = array<i32>} : memref<512x64xf32, #tpu.memory_space<vmem>>, vector<1x16xf32>,
      %swap3A_703 = vector.shape_cast %swap3A_702 : vector<1x16xf32> to vector<16xf32>
      %swap3A_704 = vector.shape_cast %mul3A_697 : vector<16xf32> to vector<1x16xf32>
      tpu.vector_store %arg7[%swap3A_700, %swap3A_701], %swap3A_704 {strides = array<i32>} : memref<512x64xf32, #tpu.memory_space<vmem>>, vector<1x16xf32>,
      %add3A_705 = arith.constant 6 : i32
      %add3A_706 = arith.addi %add3A_369, %add3A_705 : i32
      %get3A_707 = arith.index_cast %add3A_706 : i32 to index
      %get3A_708 = arith.constant 0 : index
      %get3A_709 = tpu.vector_load %arg7[%get3A_707, %get3A_708] {strides = array<i32>} : memref<512x64xf32, #tpu.memory_space<vmem>>, vector<1x16xf32>,
      %get3A_710 = vector.shape_cast %get3A_709 : vector<1x16xf32> to vector<16xf32>
      %mul3A_711 = arith.mulf %get3A_710, %get3A_11 : vector<16xf32>
      %add3A_712 = arith.constant 6 : i32
      %add3A_713 = arith.addi %add3A_369, %add3A_712 : i32
      %swap3A_714 = arith.index_cast %add3A_713 : i32 to index
      %swap3A_715 = arith.constant 0 : index
      %swap3A_716 = tpu.vector_load %arg7[%swap3A_714, %swap3A_715] {strides = array<i32>} : memref<512x64xf32, #tpu.memory_space<vmem>>, vector<1x16xf32>,
      %swap3A_717 = vector.shape_cast %swap3A_716 : vector<1x16xf32> to vector<16xf32>
      %swap3A_718 = vector.shape_cast %mul3A_711 : vector<16xf32> to vector<1x16xf32>
      tpu.vector_store %arg7[%swap3A_714, %swap3A_715], %swap3A_718 {strides = array<i32>} : memref<512x64xf32, #tpu.memory_space<vmem>>, vector<1x16xf32>,
      %add3A_719 = arith.constant 6 : i32
      %add3A_720 = arith.addi %add3A_369, %add3A_719 : i32
      %get3A_721 = arith.index_cast %add3A_720 : i32 to index
      %get3A_722 = arith.constant 16 : index
      %get3A_723 = tpu.vector_load %arg7[%get3A_721, %get3A_722] {strides = array<i32>} : memref<512x64xf32, #tpu.memory_space<vmem>>, vector<1x16xf32>,
      %get3A_724 = vector.shape_cast %get3A_723 : vector<1x16xf32> to vector<16xf32>
      %mul3A_725 = arith.mulf %get3A_724, %get3A_11 : vector<16xf32>
      %add3A_726 = arith.constant 6 : i32
      %add3A_727 = arith.addi %add3A_369, %add3A_726 : i32
      %swap3A_728 = arith.index_cast %add3A_727 : i32 to index
      %swap3A_729 = arith.constant 16 : index
      %swap3A_730 = tpu.vector_load %arg7[%swap3A_728, %swap3A_729] {strides = array<i32>} : memref<512x64xf32, #tpu.memory_space<vmem>>, vector<1x16xf32>,
      %swap3A_731 = vector.shape_cast %swap3A_730 : vector<1x16xf32> to vector<16xf32>
      %swap3A_732 = vector.shape_cast %mul3A_725 : vector<16xf32> to vector<1x16xf32>
      tpu.vector_store %arg7[%swap3A_728, %swap3A_729], %swap3A_732 {strides = array<i32>} : memref<512x64xf32, #tpu.memory_space<vmem>>, vector<1x16xf32>,
      %add3A_733 = arith.constant 6 : i32
      %add3A_734 = arith.addi %add3A_369, %add3A_733 : i32
      %get3A_735 = arith.index_cast %add3A_734 : i32 to index
      %get3A_736 = arith.constant 32 : index
      %get3A_737 = tpu.vector_load %arg7[%get3A_735, %get3A_736] {strides = array<i32>} : memref<512x64xf32, #tpu.memory_space<vmem>>, vector<1x16xf32>,
      %get3A_738 = vector.shape_cast %get3A_737 : vector<1x16xf32> to vector<16xf32>
      %mul3A_739 = arith.mulf %get3A_738, %get3A_11 : vector<16xf32>
      %add3A_740 = arith.constant 6 : i32
      %add3A_741 = arith.addi %add3A_369, %add3A_740 : i32
      %swap3A_742 = arith.index_cast %add3A_741 : i32 to index
      %swap3A_743 = arith.constant 32 : index
      %swap3A_744 = tpu.vector_load %arg7[%swap3A_742, %swap3A_743] {strides = array<i32>} : memref<512x64xf32, #tpu.memory_space<vmem>>, vector<1x16xf32>,
      %swap3A_745 = vector.shape_cast %swap3A_744 : vector<1x16xf32> to vector<16xf32>
      %swap3A_746 = vector.shape_cast %mul3A_739 : vector<16xf32> to vector<1x16xf32>
      tpu.vector_store %arg7[%swap3A_742, %swap3A_743], %swap3A_746 {strides = array<i32>} : memref<512x64xf32, #tpu.memory_space<vmem>>, vector<1x16xf32>,
      %add3A_747 = arith.constant 6 : i32
      %add3A_748 = arith.addi %add3A_369, %add3A_747 : i32
      %get3A_749 = arith.index_cast %add3A_748 : i32 to index
      %get3A_750 = arith.constant 48 : index
      %get3A_751 = tpu.vector_load %arg7[%get3A_749, %get3A_750] {strides = array<i32>} : memref<512x64xf32, #tpu.memory_space<vmem>>, vector<1x16xf32>,
      %get3A_752 = vector.shape_cast %get3A_751 : vector<1x16xf32> to vector<16xf32>
      %mul3A_753 = arith.mulf %get3A_752, %get3A_11 : vector<16xf32>
      %add3A_754 = arith.constant 6 : i32
      %add3A_755 = arith.addi %add3A_369, %add3A_754 : i32
      %swap3A_756 = arith.index_cast %add3A_755 : i32 to index
      %swap3A_757 = arith.constant 48 : index
      %swap3A_758 = tpu.vector_load %arg7[%swap3A_756, %swap3A_757] {strides = array<i32>} : memref<512x64xf32, #tpu.memory_space<vmem>>, vector<1x16xf32>,
      %swap3A_759 = vector.shape_cast %swap3A_758 : vector<1x16xf32> to vector<16xf32>
      %swap3A_760 = vector.shape_cast %mul3A_753 : vector<16xf32> to vector<1x16xf32>
      tpu.vector_store %arg7[%swap3A_756, %swap3A_757], %swap3A_760 {strides = array<i32>} : memref<512x64xf32, #tpu.memory_space<vmem>>, vector<1x16xf32>,
      %add3A_761 = arith.constant 7 : i32
      %add3A_762 = arith.addi %add3A_369, %add3A_761 : i32
      %get3A_763 = arith.index_cast %add3A_762 : i32 to index
      %get3A_764 = arith.constant 0 : index
      %get3A_765 = tpu.vector_load %arg7[%get3A_763, %get3A_764] {strides = array<i32>} : memref<512x64xf32, #tpu.memory_space<vmem>>, vector<1x16xf32>,
      %get3A_766 = vector.shape_cast %get3A_765 : vector<1x16xf32> to vector<16xf32>
      %mul3A_767 = arith.mulf %get3A_766, %get3A_11 : vector<16xf32>
      %add3A_768 = arith.constant 7 : i32
      %add3A_769 = arith.addi %add3A_369, %add3A_768 : i32
      %swap3A_770 = arith.index_cast %add3A_769 : i32 to index
      %swap3A_771 = arith.constant 0 : index
      %swap3A_772 = tpu.vector_load %arg7[%swap3A_770, %swap3A_771] {strides = array<i32>} : memref<512x64xf32, #tpu.memory_space<vmem>>, vector<1x16xf32>,
      %swap3A_773 = vector.shape_cast %swap3A_772 : vector<1x16xf32> to vector<16xf32>
      %swap3A_774 = vector.shape_cast %mul3A_767 : vector<16xf32> to vector<1x16xf32>
      tpu.vector_store %arg7[%swap3A_770, %swap3A_771], %swap3A_774 {strides = array<i32>} : memref<512x64xf32, #tpu.memory_space<vmem>>, vector<1x16xf32>,
      %add3A_775 = arith.constant 7 : i32
      %add3A_776 = arith.addi %add3A_369, %add3A_775 : i32
      %get3A_777 = arith.index_cast %add3A_776 : i32 to index
      %get3A_778 = arith.constant 16 : index
      %get3A_779 = tpu.vector_load %arg7[%get3A_777, %get3A_778] {strides = array<i32>} : memref<512x64xf32, #tpu.memory_space<vmem>>, vector<1x16xf32>,
      %get3A_780 = vector.shape_cast %get3A_779 : vector<1x16xf32> to vector<16xf32>
      %mul3A_781 = arith.mulf %get3A_780, %get3A_11 : vector<16xf32>
      %add3A_782 = arith.constant 7 : i32
      %add3A_783 = arith.addi %add3A_369, %add3A_782 : i32
      %swap3A_784 = arith.index_cast %add3A_783 : i32 to index
      %swap3A_785 = arith.constant 16 : index
      %swap3A_786 = tpu.vector_load %arg7[%swap3A_784, %swap3A_785] {strides = array<i32>} : memref<512x64xf32, #tpu.memory_space<vmem>>, vector<1x16xf32>,
      %swap3A_787 = vector.shape_cast %swap3A_786 : vector<1x16xf32> to vector<16xf32>
      %swap3A_788 = vector.shape_cast %mul3A_781 : vector<16xf32> to vector<1x16xf32>
      tpu.vector_store %arg7[%swap3A_784, %swap3A_785], %swap3A_788 {strides = array<i32>} : memref<512x64xf32, #tpu.memory_space<vmem>>, vector<1x16xf32>,
      %add3A_789 = arith.constant 7 : i32
      %add3A_790 = arith.addi %add3A_369, %add3A_789 : i32
      %get3A_791 = arith.index_cast %add3A_790 : i32 to index
      %get3A_792 = arith.constant 32 : index
      %get3A_793 = tpu.vector_load %arg7[%get3A_791, %get3A_792] {strides = array<i32>} : memref<512x64xf32, #tpu.memory_space<vmem>>, vector<1x16xf32>,
      %get3A_794 = vector.shape_cast %get3A_793 : vector<1x16xf32> to vector<16xf32>
      %mul3A_795 = arith.mulf %get3A_794, %get3A_11 : vector<16xf32>
      %add3A_796 = arith.constant 7 : i32
      %add3A_797 = arith.addi %add3A_369, %add3A_796 : i32
      %swap3A_798 = arith.index_cast %add3A_797 : i32 to index
      %swap3A_799 = arith.constant 32 : index
      %swap3A_800 = tpu.vector_load %arg7[%swap3A_798, %swap3A_799] {strides = array<i32>} : memref<512x64xf32, #tpu.memory_space<vmem>>, vector<1x16xf32>,
      %swap3A_801 = vector.shape_cast %swap3A_800 : vector<1x16xf32> to vector<16xf32>
      %swap3A_802 = vector.shape_cast %mul3A_795 : vector<16xf32> to vector<1x16xf32>
      tpu.vector_store %arg7[%swap3A_798, %swap3A_799], %swap3A_802 {strides = array<i32>} : memref<512x64xf32, #tpu.memory_space<vmem>>, vector<1x16xf32>,
      %add3A_803 = arith.constant 7 : i32
      %add3A_804 = arith.addi %add3A_369, %add3A_803 : i32
      %get3A_805 = arith.index_cast %add3A_804 : i32 to index
      %get3A_806 = arith.constant 48 : index
      %get3A_807 = tpu.vector_load %arg7[%get3A_805, %get3A_806] {strides = array<i32>} : memref<512x64xf32, #tpu.memory_space<vmem>>, vector<1x16xf32>,
      %get3A_808 = vector.shape_cast %get3A_807 : vector<1x16xf32> to vector<16xf32>
      %mul3A_809 = arith.mulf %get3A_808, %get3A_11 : vector<16xf32>
      %add3A_810 = arith.constant 7 : i32
      %add3A_811 = arith.addi %add3A_369, %add3A_810 : i32
      %swap3A_812 = arith.index_cast %add3A_811 : i32 to index
      %swap3A_813 = arith.constant 48 : index
      %swap3A_814 = tpu.vector_load %arg7[%swap3A_812, %swap3A_813] {strides = array<i32>} : memref<512x64xf32, #tpu.memory_space<vmem>>, vector<1x16xf32>,
      %swap3A_815 = vector.shape_cast %swap3A_814 : vector<1x16xf32> to vector<16xf32>
      %swap3A_816 = vector.shape_cast %mul3A_809 : vector<16xf32> to vector<1x16xf32>
      tpu.vector_store %arg7[%swap3A_812, %swap3A_813], %swap3A_816 {strides = array<i32>} : memref<512x64xf32, #tpu.memory_space<vmem>>, vector<1x16xf32>,
      %add3A_817 = arith.constant 8 : i32
      %add3A_818 = arith.addi %add3A_369, %add3A_817 : i32
      %get3A_819 = arith.index_cast %add3A_818 : i32 to index
      %get3A_820 = arith.constant 0 : index
      %get3A_821 = tpu.vector_load %arg7[%get3A_819, %get3A_820] {strides = array<i32>} : memref<512x64xf32, #tpu.memory_space<vmem>>, vector<1x16xf32>,
      %get3A_822 = vector.shape_cast %get3A_821 : vector<1x16xf32> to vector<16xf32>
      %mul3A_823 = arith.mulf %get3A_822, %get3A_11 : vector<16xf32>
      %add3A_824 = arith.constant 8 : i32
      %add3A_825 = arith.addi %add3A_369, %add3A_824 : i32
      %swap3A_826 = arith.index_cast %add3A_825 : i32 to index
      %swap3A_827 = arith.constant 0 : index
      %swap3A_828 = tpu.vector_load %arg7[%swap3A_826, %swap3A_827] {strides = array<i32>} : memref<512x64xf32, #tpu.memory_space<vmem>>, vector<1x16xf32>,
      %swap3A_829 = vector.shape_cast %swap3A_828 : vector<1x16xf32> to vector<16xf32>
      %swap3A_830 = vector.shape_cast %mul3A_823 : vector<16xf32> to vector<1x16xf32>
      tpu.vector_store %arg7[%swap3A_826, %swap3A_827], %swap3A_830 {strides = array<i32>} : memref<512x64xf32, #tpu.memory_space<vmem>>, vector<1x16xf32>,
      %add3A_831 = arith.constant 8 : i32
      %add3A_832 = arith.addi %add3A_369, %add3A_831 : i32
      %get3A_833 = arith.index_cast %add3A_832 : i32 to index
      %get3A_834 = arith.constant 16 : index
      %get3A_835 = tpu.vector_load %arg7[%get3A_833, %get3A_834] {strides = array<i32>} : memref<512x64xf32, #tpu.memory_space<vmem>>, vector<1x16xf32>,
      %get3A_836 = vector.shape_cast %get3A_835 : vector<1x16xf32> to vector<16xf32>
      %mul3A_837 = arith.mulf %get3A_836, %get3A_11 : vector<16xf32>
      %add3A_838 = arith.constant 8 : i32
      %add3A_839 = arith.addi %add3A_369, %add3A_838 : i32
      %swap3A_840 = arith.index_cast %add3A_839 : i32 to index
      %swap3A_841 = arith.constant 16 : index
      %swap3A_842 = tpu.vector_load %arg7[%swap3A_840, %swap3A_841] {strides = array<i32>} : memref<512x64xf32, #tpu.memory_space<vmem>>, vector<1x16xf32>,
      %swap3A_843 = vector.shape_cast %swap3A_842 : vector<1x16xf32> to vector<16xf32>
      %swap3A_844 = vector.shape_cast %mul3A_837 : vector<16xf32> to vector<1x16xf32>
      tpu.vector_store %arg7[%swap3A_840, %swap3A_841], %swap3A_844 {strides = array<i32>} : memref<512x64xf32, #tpu.memory_space<vmem>>, vector<1x16xf32>,
      %add3A_845 = arith.constant 8 : i32
      %add3A_846 = arith.addi %add3A_369, %add3A_845 : i32
      %get3A_847 = arith.index_cast %add3A_846 : i32 to index
      %get3A_848 = arith.constant 32 : index
      %get3A_849 = tpu.vector_load %arg7[%get3A_847, %get3A_848] {strides = array<i32>} : memref<512x64xf32, #tpu.memory_space<vmem>>, vector<1x16xf32>,
      %get3A_850 = vector.shape_cast %get3A_849 : vector<1x16xf32> to vector<16xf32>
      %mul3A_851 = arith.mulf %get3A_850, %get3A_11 : vector<16xf32>
      %add3A_852 = arith.constant 8 : i32
      %add3A_853 = arith.addi %add3A_369, %add3A_852 : i32
      %swap3A_854 = arith.index_cast %add3A_853 : i32 to index
      %swap3A_855 = arith.constant 32 : index
      %swap3A_856 = tpu.vector_load %arg7[%swap3A_854, %swap3A_855] {strides = array<i32>} : memref<512x64xf32, #tpu.memory_space<vmem>>, vector<1x16xf32>,
      %swap3A_857 = vector.shape_cast %swap3A_856 : vector<1x16xf32> to vector<16xf32>
      %swap3A_858 = vector.shape_cast %mul3A_851 : vector<16xf32> to vector<1x16xf32>
      tpu.vector_store %arg7[%swap3A_854, %swap3A_855], %swap3A_858 {strides = array<i32>} : memref<512x64xf32, #tpu.memory_space<vmem>>, vector<1x16xf32>,
      %add3A_859 = arith.constant 8 : i32
      %add3A_860 = arith.addi %add3A_369, %add3A_859 : i32
      %get3A_861 = arith.index_cast %add3A_860 : i32 to index
      %get3A_862 = arith.constant 48 : index
      %get3A_863 = tpu.vector_load %arg7[%get3A_861, %get3A_862] {strides = array<i32>} : memref<512x64xf32, #tpu.memory_space<vmem>>, vector<1x16xf32>,
      %get3A_864 = vector.shape_cast %get3A_863 : vector<1x16xf32> to vector<16xf32>
      %mul3A_865 = arith.mulf %get3A_864, %get3A_11 : vector<16xf32>
      %add3A_866 = arith.constant 8 : i32
      %add3A_867 = arith.addi %add3A_369, %add3A_866 : i32
      %swap3A_868 = arith.index_cast %add3A_867 : i32 to index
      %swap3A_869 = arith.constant 48 : index
      %swap3A_870 = tpu.vector_load %arg7[%swap3A_868, %swap3A_869] {strides = array<i32>} : memref<512x64xf32, #tpu.memory_space<vmem>>, vector<1x16xf32>,
      %swap3A_871 = vector.shape_cast %swap3A_870 : vector<1x16xf32> to vector<16xf32>
      %swap3A_872 = vector.shape_cast %mul3A_865 : vector<16xf32> to vector<1x16xf32>
      tpu.vector_store %arg7[%swap3A_868, %swap3A_869], %swap3A_872 {strides = array<i32>} : memref<512x64xf32, #tpu.memory_space<vmem>>, vector<1x16xf32>,
      %add3A_873 = arith.constant 9 : i32
      %add3A_874 = arith.addi %add3A_369, %add3A_873 : i32
      %get3A_875 = arith.index_cast %add3A_874 : i32 to index
      %get3A_876 = arith.constant 0 : index
      %get3A_877 = tpu.vector_load %arg7[%get3A_875, %get3A_876] {strides = array<i32>} : memref<512x64xf32, #tpu.memory_space<vmem>>, vector<1x16xf32>,
      %get3A_878 = vector.shape_cast %get3A_877 : vector<1x16xf32> to vector<16xf32>
      %mul3A_879 = arith.mulf %get3A_878, %get3A_11 : vector<16xf32>
      %add3A_880 = arith.constant 9 : i32
      %add3A_881 = arith.addi %add3A_369, %add3A_880 : i32
      %swap3A_882 = arith.index_cast %add3A_881 : i32 to index
      %swap3A_883 = arith.constant 0 : index
      %swap3A_884 = tpu.vector_load %arg7[%swap3A_882, %swap3A_883] {strides = array<i32>} : memref<512x64xf32, #tpu.memory_space<vmem>>, vector<1x16xf32>,
      %swap3A_885 = vector.shape_cast %swap3A_884 : vector<1x16xf32> to vector<16xf32>
      %swap3A_886 = vector.shape_cast %mul3A_879 : vector<16xf32> to vector<1x16xf32>
      tpu.vector_store %arg7[%swap3A_882, %swap3A_883], %swap3A_886 {strides = array<i32>} : memref<512x64xf32, #tpu.memory_space<vmem>>, vector<1x16xf32>,
      %add3A_887 = arith.constant 9 : i32
      %add3A_888 = arith.addi %add3A_369, %add3A_887 : i32
      %get3A_889 = arith.index_cast %add3A_888 : i32 to index
      %get3A_890 = arith.constant 16 : index
      %get3A_891 = tpu.vector_load %arg7[%get3A_889, %get3A_890] {strides = array<i32>} : memref<512x64xf32, #tpu.memory_space<vmem>>, vector<1x16xf32>,
      %get3A_892 = vector.shape_cast %get3A_891 : vector<1x16xf32> to vector<16xf32>
      %mul3A_893 = arith.mulf %get3A_892, %get3A_11 : vector<16xf32>
      %add3A_894 = arith.constant 9 : i32
      %add3A_895 = arith.addi %add3A_369, %add3A_894 : i32
      %swap3A_896 = arith.index_cast %add3A_895 : i32 to index
      %swap3A_897 = arith.constant 16 : index
      %swap3A_898 = tpu.vector_load %arg7[%swap3A_896, %swap3A_897] {strides = array<i32>} : memref<512x64xf32, #tpu.memory_space<vmem>>, vector<1x16xf32>,
      %swap3A_899 = vector.shape_cast %swap3A_898 : vector<1x16xf32> to vector<16xf32>
      %swap3A_900 = vector.shape_cast %mul3A_893 : vector<16xf32> to vector<1x16xf32>
      tpu.vector_store %arg7[%swap3A_896, %swap3A_897], %swap3A_900 {strides = array<i32>} : memref<512x64xf32, #tpu.memory_space<vmem>>, vector<1x16xf32>,
      %add3A_901 = arith.constant 9 : i32
      %add3A_902 = arith.addi %add3A_369, %add3A_901 : i32
      %get3A_903 = arith.index_cast %add3A_902 : i32 to index
      %get3A_904 = arith.constant 32 : index
      %get3A_905 = tpu.vector_load %arg7[%get3A_903, %get3A_904] {strides = array<i32>} : memref<512x64xf32, #tpu.memory_space<vmem>>, vector<1x16xf32>,
      %get3A_906 = vector.shape_cast %get3A_905 : vector<1x16xf32> to vector<16xf32>
      %mul3A_907 = arith.mulf %get3A_906, %get3A_11 : vector<16xf32>
      %add3A_908 = arith.constant 9 : i32
      %add3A_909 = arith.addi %add3A_369, %add3A_908 : i32
      %swap3A_910 = arith.index_cast %add3A_909 : i32 to index
      %swap3A_911 = arith.constant 32 : index
      %swap3A_912 = tpu.vector_load %arg7[%swap3A_910, %swap3A_911] {strides = array<i32>} : memref<512x64xf32, #tpu.memory_space<vmem>>, vector<1x16xf32>,
      %swap3A_913 = vector.shape_cast %swap3A_912 : vector<1x16xf32> to vector<16xf32>
      %swap3A_914 = vector.shape_cast %mul3A_907 : vector<16xf32> to vector<1x16xf32>
      tpu.vector_store %arg7[%swap3A_910, %swap3A_911], %swap3A_914 {strides = array<i32>} : memref<512x64xf32, #tpu.memory_space<vmem>>, vector<1x16xf32>,
      %add3A_915 = arith.constant 9 : i32
      %add3A_916 = arith.addi %add3A_369, %add3A_915 : i32
      %get3A_917 = arith.index_cast %add3A_916 : i32 to index
      %get3A_918 = arith.constant 48 : index
      %get3A_919 = tpu.vector_load %arg7[%get3A_917, %get3A_918] {strides = array<i32>} : memref<512x64xf32, #tpu.memory_space<vmem>>, vector<1x16xf32>,
      %get3A_920 = vector.shape_cast %get3A_919 : vector<1x16xf32> to vector<16xf32>
      %mul3A_921 = arith.mulf %get3A_920, %get3A_11 : vector<16xf32>
      %add3A_922 = arith.constant 9 : i32
      %add3A_923 = arith.addi %add3A_369, %add3A_922 : i32
      %swap3A_924 = arith.index_cast %add3A_923 : i32 to index
      %swap3A_925 = arith.constant 48 : index
      %swap3A_926 = tpu.vector_load %arg7[%swap3A_924, %swap3A_925] {strides = array<i32>} : memref<512x64xf32, #tpu.memory_space<vmem>>, vector<1x16xf32>,
      %swap3A_927 = vector.shape_cast %swap3A_926 : vector<1x16xf32> to vector<16xf32>
      %swap3A_928 = vector.shape_cast %mul3A_921 : vector<16xf32> to vector<1x16xf32>
      tpu.vector_store %arg7[%swap3A_924, %swap3A_925], %swap3A_928 {strides = array<i32>} : memref<512x64xf32, #tpu.memory_space<vmem>>, vector<1x16xf32>,
      %add3A_929 = arith.constant 10 : i32
      %add3A_930 = arith.addi %add3A_369, %add3A_929 : i32
      %get3A_931 = arith.index_cast %add3A_930 : i32 to index
      %get3A_932 = arith.constant 0 : index
      %get3A_933 = tpu.vector_load %arg7[%get3A_931, %get3A_932] {strides = array<i32>} : memref<512x64xf32, #tpu.memory_space<vmem>>, vector<1x16xf32>,
      %get3A_934 = vector.shape_cast %get3A_933 : vector<1x16xf32> to vector<16xf32>
      %mul3A_935 = arith.mulf %get3A_934, %get3A_11 : vector<16xf32>
      %add3A_936 = arith.constant 10 : i32
      %add3A_937 = arith.addi %add3A_369, %add3A_936 : i32
      %swap3A_938 = arith.index_cast %add3A_937 : i32 to index
      %swap3A_939 = arith.constant 0 : index
      %swap3A_940 = tpu.vector_load %arg7[%swap3A_938, %swap3A_939] {strides = array<i32>} : memref<512x64xf32, #tpu.memory_space<vmem>>, vector<1x16xf32>,
      %swap3A_941 = vector.shape_cast %swap3A_940 : vector<1x16xf32> to vector<16xf32>
      %swap3A_942 = vector.shape_cast %mul3A_935 : vector<16xf32> to vector<1x16xf32>
      tpu.vector_store %arg7[%swap3A_938, %swap3A_939], %swap3A_942 {strides = array<i32>} : memref<512x64xf32, #tpu.memory_space<vmem>>, vector<1x16xf32>,
      %add3A_943 = arith.constant 10 : i32
      %add3A_944 = arith.addi %add3A_369, %add3A_943 : i32
      %get3A_945 = arith.index_cast %add3A_944 : i32 to index
      %get3A_946 = arith.constant 16 : index
      %get3A_947 = tpu.vector_load %arg7[%get3A_945, %get3A_946] {strides = array<i32>} : memref<512x64xf32, #tpu.memory_space<vmem>>, vector<1x16xf32>,
      %get3A_948 = vector.shape_cast %get3A_947 : vector<1x16xf32> to vector<16xf32>
      %mul3A_949 = arith.mulf %get3A_948, %get3A_11 : vector<16xf32>
      %add3A_950 = arith.constant 10 : i32
      %add3A_951 = arith.addi %add3A_369, %add3A_950 : i32
      %swap3A_952 = arith.index_cast %add3A_951 : i32 to index
      %swap3A_953 = arith.constant 16 : index
      %swap3A_954 = tpu.vector_load %arg7[%swap3A_952, %swap3A_953] {strides = array<i32>} : memref<512x64xf32, #tpu.memory_space<vmem>>, vector<1x16xf32>,
      %swap3A_955 = vector.shape_cast %swap3A_954 : vector<1x16xf32> to vector<16xf32>
      %swap3A_956 = vector.shape_cast %mul3A_949 : vector<16xf32> to vector<1x16xf32>
      tpu.vector_store %arg7[%swap3A_952, %swap3A_953], %swap3A_956 {strides = array<i32>} : memref<512x64xf32, #tpu.memory_space<vmem>>, vector<1x16xf32>,
      %add3A_957 = arith.constant 10 : i32
      %add3A_958 = arith.addi %add3A_369, %add3A_957 : i32
      %get3A_959 = arith.index_cast %add3A_958 : i32 to index
      %get3A_960 = arith.constant 32 : index
      %get3A_961 = tpu.vector_load %arg7[%get3A_959, %get3A_960] {strides = array<i32>} : memref<512x64xf32, #tpu.memory_space<vmem>>, vector<1x16xf32>,
      %get3A_962 = vector.shape_cast %get3A_961 : vector<1x16xf32> to vector<16xf32>
      %mul3A_963 = arith.mulf %get3A_962, %get3A_11 : vector<16xf32>
      %add3A_964 = arith.constant 10 : i32
      %add3A_965 = arith.addi %add3A_369, %add3A_964 : i32
      %swap3A_966 = arith.index_cast %add3A_965 : i32 to index
      %swap3A_967 = arith.constant 32 : index
      %swap3A_968 = tpu.vector_load %arg7[%swap3A_966, %swap3A_967] {strides = array<i32>} : memref<512x64xf32, #tpu.memory_space<vmem>>, vector<1x16xf32>,
      %swap3A_969 = vector.shape_cast %swap3A_968 : vector<1x16xf32> to vector<16xf32>
      %swap3A_970 = vector.shape_cast %mul3A_963 : vector<16xf32> to vector<1x16xf32>
      tpu.vector_store %arg7[%swap3A_966, %swap3A_967], %swap3A_970 {strides = array<i32>} : memref<512x64xf32, #tpu.memory_space<vmem>>, vector<1x16xf32>,
      %add3A_971 = arith.constant 10 : i32
      %add3A_972 = arith.addi %add3A_369, %add3A_971 : i32
      %get3A_973 = arith.index_cast %add3A_972 : i32 to index
      %get3A_974 = arith.constant 48 : index
      %get3A_975 = tpu.vector_load %arg7[%get3A_973, %get3A_974] {strides = array<i32>} : memref<512x64xf32, #tpu.memory_space<vmem>>, vector<1x16xf32>,
      %get3A_976 = vector.shape_cast %get3A_975 : vector<1x16xf32> to vector<16xf32>
      %mul3A_977 = arith.mulf %get3A_976, %get3A_11 : vector<16xf32>
      %add3A_978 = arith.constant 10 : i32
      %add3A_979 = arith.addi %add3A_369, %add3A_978 : i32
      %swap3A_980 = arith.index_cast %add3A_979 : i32 to index
      %swap3A_981 = arith.constant 48 : index
      %swap3A_982 = tpu.vector_load %arg7[%swap3A_980, %swap3A_981] {strides = array<i32>} : memref<512x64xf32, #tpu.memory_space<vmem>>, vector<1x16xf32>,
      %swap3A_983 = vector.shape_cast %swap3A_982 : vector<1x16xf32> to vector<16xf32>
      %swap3A_984 = vector.shape_cast %mul3A_977 : vector<16xf32> to vector<1x16xf32>
      tpu.vector_store %arg7[%swap3A_980, %swap3A_981], %swap3A_984 {strides = array<i32>} : memref<512x64xf32, #tpu.memory_space<vmem>>, vector<1x16xf32>,
      %add3A_985 = arith.constant 11 : i32
      %add3A_986 = arith.addi %add3A_369, %add3A_985 : i32
      %get3A_987 = arith.index_cast %add3A_986 : i32 to index
      %get3A_988 = arith.constant 0 : index
      %get3A_989 = tpu.vector_load %arg7[%get3A_987, %get3A_988] {strides = array<i32>} : memref<512x64xf32, #tpu.memory_space<vmem>>, vector<1x16xf32>,
      %get3A_990 = vector.shape_cast %get3A_989 : vector<1x16xf32> to vector<16xf32>
      %mul3A_991 = arith.mulf %get3A_990, %get3A_11 : vector<16xf32>
      %add3A_992 = arith.constant 11 : i32
      %add3A_993 = arith.addi %add3A_369, %add3A_992 : i32
      %swap3A_994 = arith.index_cast %add3A_993 : i32 to index
      %swap3A_995 = arith.constant 0 : index
      %swap3A_996 = tpu.vector_load %arg7[%swap3A_994, %swap3A_995] {strides = array<i32>} : memref<512x64xf32, #tpu.memory_space<vmem>>, vector<1x16xf32>,
      %swap3A_997 = vector.shape_cast %swap3A_996 : vector<1x16xf32> to vector<16xf32>
      %swap3A_998 = vector.shape_cast %mul3A_991 : vector<16xf32> to vector<1x16xf32>
      tpu.vector_store %arg7[%swap3A_994, %swap3A_995], %swap3A_998 {strides = array<i32>} : memref<512x64xf32, #tpu.memory_space<vmem>>, vector<1x16xf32>,
      %add3A_999 = arith.constant 11 : i32
      %add3A_1000 = arith.addi %add3A_369, %add3A_999 : i32
      %get3A_1001 = arith.index_cast %add3A_1000 : i32 to index
      %get3A_1002 = arith.constant 16 : index
      %get3A_1003 = tpu.vector_load %arg7[%get3A_1001, %get3A_1002] {strides = array<i32>} : memref<512x64xf32, #tpu.memory_space<vmem>>, vector<1x16xf32>,
      %get3A_1004 = vector.shape_cast %get3A_1003 : vector<1x16xf32> to vector<16xf32>
      %mul3A_1005 = arith.mulf %get3A_1004, %get3A_11 : vector<16xf32>
      %add3A_1006 = arith.constant 11 : i32
      %add3A_1007 = arith.addi %add3A_369, %add3A_1006 : i32
      %swap3A_1008 = arith.index_cast %add3A_1007 : i32 to index
      %swap3A_1009 = arith.constant 16 : index
      %swap3A_1010 = tpu.vector_load %arg7[%swap3A_1008, %swap3A_1009] {strides = array<i32>} : memref<512x64xf32, #tpu.memory_space<vmem>>, vector<1x16xf32>,
      %swap3A_1011 = vector.shape_cast %swap3A_1010 : vector<1x16xf32> to vector<16xf32>
      %swap3A_1012 = vector.shape_cast %mul3A_1005 : vector<16xf32> to vector<1x16xf32>
      tpu.vector_store %arg7[%swap3A_1008, %swap3A_1009], %swap3A_1012 {strides = array<i32>} : memref<512x64xf32, #tpu.memory_space<vmem>>, vector<1x16xf32>,
      %add3A_1013 = arith.constant 11 : i32
      %add3A_1014 = arith.addi %add3A_369, %add3A_1013 : i32
      %get3A_1015 = arith.index_cast %add3A_1014 : i32 to index
      %get3A_1016 = arith.constant 32 : index
      %get3A_1017 = tpu.vector_load %arg7[%get3A_1015, %get3A_1016] {strides = array<i32>} : memref<512x64xf32, #tpu.memory_space<vmem>>, vector<1x16xf32>,
      %get3A_1018 = vector.shape_cast %get3A_1017 : vector<1x16xf32> to vector<16xf32>
      %mul3A_1019 = arith.mulf %get3A_1018, %get3A_11 : vector<16xf32>
      %add3A_1020 = arith.constant 11 : i32
      %add3A_1021 = arith.addi %add3A_369, %add3A_1020 : i32
      %swap3A_1022 = arith.index_cast %add3A_1021 : i32 to index
      %swap3A_1023 = arith.constant 32 : index
      %swap3A_1024 = tpu.vector_load %arg7[%swap3A_1022, %swap3A_1023] {strides = array<i32>} : memref<512x64xf32, #tpu.memory_space<vmem>>, vector<1x16xf32>,
      %swap3A_1025 = vector.shape_cast %swap3A_1024 : vector<1x16xf32> to vector<16xf32>
      %swap3A_1026 = vector.shape_cast %mul3A_1019 : vector<16xf32> to vector<1x16xf32>
      tpu.vector_store %arg7[%swap3A_1022, %swap3A_1023], %swap3A_1026 {strides = array<i32>} : memref<512x64xf32, #tpu.memory_space<vmem>>, vector<1x16xf32>,
      %add3A_1027 = arith.constant 11 : i32
      %add3A_1028 = arith.addi %add3A_369, %add3A_1027 : i32
      %get3A_1029 = arith.index_cast %add3A_1028 : i32 to index
      %get3A_1030 = arith.constant 48 : index
      %get3A_1031 = tpu.vector_load %arg7[%get3A_1029, %get3A_1030] {strides = array<i32>} : memref<512x64xf32, #tpu.memory_space<vmem>>, vector<1x16xf32>,
      %get3A_1032 = vector.shape_cast %get3A_1031 : vector<1x16xf32> to vector<16xf32>
      %mul3A_1033 = arith.mulf %get3A_1032, %get3A_11 : vector<16xf32>
      %add3A_1034 = arith.constant 11 : i32
      %add3A_1035 = arith.addi %add3A_369, %add3A_1034 : i32
      %swap3A_1036 = arith.index_cast %add3A_1035 : i32 to index
      %swap3A_1037 = arith.constant 48 : index
      %swap3A_1038 = tpu.vector_load %arg7[%swap3A_1036, %swap3A_1037] {strides = array<i32>} : memref<512x64xf32, #tpu.memory_space<vmem>>, vector<1x16xf32>,
      %swap3A_1039 = vector.shape_cast %swap3A_1038 : vector<1x16xf32> to vector<16xf32>
      %swap3A_1040 = vector.shape_cast %mul3A_1033 : vector<16xf32> to vector<1x16xf32>
      tpu.vector_store %arg7[%swap3A_1036, %swap3A_1037], %swap3A_1040 {strides = array<i32>} : memref<512x64xf32, #tpu.memory_space<vmem>>, vector<1x16xf32>,
      %add3A_1041 = arith.constant 12 : i32
      %add3A_1042 = arith.addi %add3A_369, %add3A_1041 : i32
      %get3A_1043 = arith.index_cast %add3A_1042 : i32 to index
      %get3A_1044 = arith.constant 0 : index
      %get3A_1045 = tpu.vector_load %arg7[%get3A_1043, %get3A_1044] {strides = array<i32>} : memref<512x64xf32, #tpu.memory_space<vmem>>, vector<1x16xf32>,
      %get3A_1046 = vector.shape_cast %get3A_1045 : vector<1x16xf32> to vector<16xf32>
      %mul3A_1047 = arith.mulf %get3A_1046, %get3A_11 : vector<16xf32>
      %add3A_1048 = arith.constant 12 : i32
      %add3A_1049 = arith.addi %add3A_369, %add3A_1048 : i32
      %swap3A_1050 = arith.index_cast %add3A_1049 : i32 to index
      %swap3A_1051 = arith.constant 0 : index
      %swap3A_1052 = tpu.vector_load %arg7[%swap3A_1050, %swap3A_1051] {strides = array<i32>} : memref<512x64xf32, #tpu.memory_space<vmem>>, vector<1x16xf32>,
      %swap3A_1053 = vector.shape_cast %swap3A_1052 : vector<1x16xf32> to vector<16xf32>
      %swap3A_1054 = vector.shape_cast %mul3A_1047 : vector<16xf32> to vector<1x16xf32>
      tpu.vector_store %arg7[%swap3A_1050, %swap3A_1051], %swap3A_1054 {strides = array<i32>} : memref<512x64xf32, #tpu.memory_space<vmem>>, vector<1x16xf32>,
      %add3A_1055 = arith.constant 12 : i32
      %add3A_1056 = arith.addi %add3A_369, %add3A_1055 : i32
      %get3A_1057 = arith.index_cast %add3A_1056 : i32 to index
      %get3A_1058 = arith.constant 16 : index
      %get3A_1059 = tpu.vector_load %arg7[%get3A_1057, %get3A_1058] {strides = array<i32>} : memref<512x64xf32, #tpu.memory_space<vmem>>, vector<1x16xf32>,
      %get3A_1060 = vector.shape_cast %get3A_1059 : vector<1x16xf32> to vector<16xf32>
      %mul3A_1061 = arith.mulf %get3A_1060, %get3A_11 : vector<16xf32>
      %add3A_1062 = arith.constant 12 : i32
      %add3A_1063 = arith.addi %add3A_369, %add3A_1062 : i32
      %swap3A_1064 = arith.index_cast %add3A_1063 : i32 to index
      %swap3A_1065 = arith.constant 16 : index
      %swap3A_1066 = tpu.vector_load %arg7[%swap3A_1064, %swap3A_1065] {strides = array<i32>} : memref<512x64xf32, #tpu.memory_space<vmem>>, vector<1x16xf32>,
      %swap3A_1067 = vector.shape_cast %swap3A_1066 : vector<1x16xf32> to vector<16xf32>
      %swap3A_1068 = vector.shape_cast %mul3A_1061 : vector<16xf32> to vector<1x16xf32>
      tpu.vector_store %arg7[%swap3A_1064, %swap3A_1065], %swap3A_1068 {strides = array<i32>} : memref<512x64xf32, #tpu.memory_space<vmem>>, vector<1x16xf32>,
      %add3A_1069 = arith.constant 12 : i32
      %add3A_1070 = arith.addi %add3A_369, %add3A_1069 : i32
      %get3A_1071 = arith.index_cast %add3A_1070 : i32 to index
      %get3A_1072 = arith.constant 32 : index
      %get3A_1073 = tpu.vector_load %arg7[%get3A_1071, %get3A_1072] {strides = array<i32>} : memref<512x64xf32, #tpu.memory_space<vmem>>, vector<1x16xf32>,
      %get3A_1074 = vector.shape_cast %get3A_1073 : vector<1x16xf32> to vector<16xf32>
      %mul3A_1075 = arith.mulf %get3A_1074, %get3A_11 : vector<16xf32>
      %add3A_1076 = arith.constant 12 : i32
      %add3A_1077 = arith.addi %add3A_369, %add3A_1076 : i32
      %swap3A_1078 = arith.index_cast %add3A_1077 : i32 to index
      %swap3A_1079 = arith.constant 32 : index
      %swap3A_1080 = tpu.vector_load %arg7[%swap3A_1078, %swap3A_1079] {strides = array<i32>} : memref<512x64xf32, #tpu.memory_space<vmem>>, vector<1x16xf32>,
      %swap3A_1081 = vector.shape_cast %swap3A_1080 : vector<1x16xf32> to vector<16xf32>
      %swap3A_1082 = vector.shape_cast %mul3A_1075 : vector<16xf32> to vector<1x16xf32>
      tpu.vector_store %arg7[%swap3A_1078, %swap3A_1079], %swap3A_1082 {strides = array<i32>} : memref<512x64xf32, #tpu.memory_space<vmem>>, vector<1x16xf32>,
      %add3A_1083 = arith.constant 12 : i32
      %add3A_1084 = arith.addi %add3A_369, %add3A_1083 : i32
      %get3A_1085 = arith.index_cast %add3A_1084 : i32 to index
      %get3A_1086 = arith.constant 48 : index
      %get3A_1087 = tpu.vector_load %arg7[%get3A_1085, %get3A_1086] {strides = array<i32>} : memref<512x64xf32, #tpu.memory_space<vmem>>, vector<1x16xf32>,
      %get3A_1088 = vector.shape_cast %get3A_1087 : vector<1x16xf32> to vector<16xf32>
      %mul3A_1089 = arith.mulf %get3A_1088, %get3A_11 : vector<16xf32>
      %add3A_1090 = arith.constant 12 : i32
      %add3A_1091 = arith.addi %add3A_369, %add3A_1090 : i32
      %swap3A_1092 = arith.index_cast %add3A_1091 : i32 to index
      %swap3A_1093 = arith.constant 48 : index
      %swap3A_1094 = tpu.vector_load %arg7[%swap3A_1092, %swap3A_1093] {strides = array<i32>} : memref<512x64xf32, #tpu.memory_space<vmem>>, vector<1x16xf32>,
      %swap3A_1095 = vector.shape_cast %swap3A_1094 : vector<1x16xf32> to vector<16xf32>
      %swap3A_1096 = vector.shape_cast %mul3A_1089 : vector<16xf32> to vector<1x16xf32>
      tpu.vector_store %arg7[%swap3A_1092, %swap3A_1093], %swap3A_1096 {strides = array<i32>} : memref<512x64xf32, #tpu.memory_space<vmem>>, vector<1x16xf32>,
      %add3A_1097 = arith.constant 13 : i32
      %add3A_1098 = arith.addi %add3A_369, %add3A_1097 : i32
      %get3A_1099 = arith.index_cast %add3A_1098 : i32 to index
      %get3A_1100 = arith.constant 0 : index
      %get3A_1101 = tpu.vector_load %arg7[%get3A_1099, %get3A_1100] {strides = array<i32>} : memref<512x64xf32, #tpu.memory_space<vmem>>, vector<1x16xf32>,
      %get3A_1102 = vector.shape_cast %get3A_1101 : vector<1x16xf32> to vector<16xf32>
      %mul3A_1103 = arith.mulf %get3A_1102, %get3A_11 : vector<16xf32>
      %add3A_1104 = arith.constant 13 : i32
      %add3A_1105 = arith.addi %add3A_369, %add3A_1104 : i32
      %swap3A_1106 = arith.index_cast %add3A_1105 : i32 to index
      %swap3A_1107 = arith.constant 0 : index
      %swap3A_1108 = tpu.vector_load %arg7[%swap3A_1106, %swap3A_1107] {strides = array<i32>} : memref<512x64xf32, #tpu.memory_space<vmem>>, vector<1x16xf32>,
      %swap3A_1109 = vector.shape_cast %swap3A_1108 : vector<1x16xf32> to vector<16xf32>
      %swap3A_1110 = vector.shape_cast %mul3A_1103 : vector<16xf32> to vector<1x16xf32>
      tpu.vector_store %arg7[%swap3A_1106, %swap3A_1107], %swap3A_1110 {strides = array<i32>} : memref<512x64xf32, #tpu.memory_space<vmem>>, vector<1x16xf32>,
      %add3A_1111 = arith.constant 13 : i32
      %add3A_1112 = arith.addi %add3A_369, %add3A_1111 : i32
      %get3A_1113 = arith.index_cast %add3A_1112 : i32 to index
      %get3A_1114 = arith.constant 16 : index
      %get3A_1115 = tpu.vector_load %arg7[%get3A_1113, %get3A_1114] {strides = array<i32>} : memref<512x64xf32, #tpu.memory_space<vmem>>, vector<1x16xf32>,
      %get3A_1116 = vector.shape_cast %get3A_1115 : vector<1x16xf32> to vector<16xf32>
      %mul3A_1117 = arith.mulf %get3A_1116, %get3A_11 : vector<16xf32>
      %add3A_1118 = arith.constant 13 : i32
      %add3A_1119 = arith.addi %add3A_369, %add3A_1118 : i32
      %swap3A_1120 = arith.index_cast %add3A_1119 : i32 to index
      %swap3A_1121 = arith.constant 16 : index
      %swap3A_1122 = tpu.vector_load %arg7[%swap3A_1120, %swap3A_1121] {strides = array<i32>} : memref<512x64xf32, #tpu.memory_space<vmem>>, vector<1x16xf32>,
      %swap3A_1123 = vector.shape_cast %swap3A_1122 : vector<1x16xf32> to vector<16xf32>
      %swap3A_1124 = vector.shape_cast %mul3A_1117 : vector<16xf32> to vector<1x16xf32>
      tpu.vector_store %arg7[%swap3A_1120, %swap3A_1121], %swap3A_1124 {strides = array<i32>} : memref<512x64xf32, #tpu.memory_space<vmem>>, vector<1x16xf32>,
      %add3A_1125 = arith.constant 13 : i32
      %add3A_1126 = arith.addi %add3A_369, %add3A_1125 : i32
      %get3A_1127 = arith.index_cast %add3A_1126 : i32 to index
      %get3A_1128 = arith.constant 32 : index
      %get3A_1129 = tpu.vector_load %arg7[%get3A_1127, %get3A_1128] {strides = array<i32>} : memref<512x64xf32, #tpu.memory_space<vmem>>, vector<1x16xf32>,
      %get3A_1130 = vector.shape_cast %get3A_1129 : vector<1x16xf32> to vector<16xf32>
      %mul3A_1131 = arith.mulf %get3A_1130, %get3A_11 : vector<16xf32>
      %add3A_1132 = arith.constant 13 : i32
      %add3A_1133 = arith.addi %add3A_369, %add3A_1132 : i32
      %swap3A_1134 = arith.index_cast %add3A_1133 : i32 to index
      %swap3A_1135 = arith.constant 32 : index
      %swap3A_1136 = tpu.vector_load %arg7[%swap3A_1134, %swap3A_1135] {strides = array<i32>} : memref<512x64xf32, #tpu.memory_space<vmem>>, vector<1x16xf32>,
      %swap3A_1137 = vector.shape_cast %swap3A_1136 : vector<1x16xf32> to vector<16xf32>
      %swap3A_1138 = vector.shape_cast %mul3A_1131 : vector<16xf32> to vector<1x16xf32>
      tpu.vector_store %arg7[%swap3A_1134, %swap3A_1135], %swap3A_1138 {strides = array<i32>} : memref<512x64xf32, #tpu.memory_space<vmem>>, vector<1x16xf32>,
      %add3A_1139 = arith.constant 13 : i32
      %add3A_1140 = arith.addi %add3A_369, %add3A_1139 : i32
      %get3A_1141 = arith.index_cast %add3A_1140 : i32 to index
      %get3A_1142 = arith.constant 48 : index
      %get3A_1143 = tpu.vector_load %arg7[%get3A_1141, %get3A_1142] {strides = array<i32>} : memref<512x64xf32, #tpu.memory_space<vmem>>, vector<1x16xf32>,
      %get3A_1144 = vector.shape_cast %get3A_1143 : vector<1x16xf32> to vector<16xf32>
      %mul3A_1145 = arith.mulf %get3A_1144, %get3A_11 : vector<16xf32>
      %add3A_1146 = arith.constant 13 : i32
      %add3A_1147 = arith.addi %add3A_369, %add3A_1146 : i32
      %swap3A_1148 = arith.index_cast %add3A_1147 : i32 to index
      %swap3A_1149 = arith.constant 48 : index
      %swap3A_1150 = tpu.vector_load %arg7[%swap3A_1148, %swap3A_1149] {strides = array<i32>} : memref<512x64xf32, #tpu.memory_space<vmem>>, vector<1x16xf32>,
      %swap3A_1151 = vector.shape_cast %swap3A_1150 : vector<1x16xf32> to vector<16xf32>
      %swap3A_1152 = vector.shape_cast %mul3A_1145 : vector<16xf32> to vector<1x16xf32>
      tpu.vector_store %arg7[%swap3A_1148, %swap3A_1149], %swap3A_1152 {strides = array<i32>} : memref<512x64xf32, #tpu.memory_space<vmem>>, vector<1x16xf32>,
      %add3A_1153 = arith.constant 14 : i32
      %add3A_1154 = arith.addi %add3A_369, %add3A_1153 : i32
      %get3A_1155 = arith.index_cast %add3A_1154 : i32 to index
      %get3A_1156 = arith.constant 0 : index
      %get3A_1157 = tpu.vector_load %arg7[%get3A_1155, %get3A_1156] {strides = array<i32>} : memref<512x64xf32, #tpu.memory_space<vmem>>, vector<1x16xf32>,
      %get3A_1158 = vector.shape_cast %get3A_1157 : vector<1x16xf32> to vector<16xf32>
      %mul3A_1159 = arith.mulf %get3A_1158, %get3A_11 : vector<16xf32>
      %add3A_1160 = arith.constant 14 : i32
      %add3A_1161 = arith.addi %add3A_369, %add3A_1160 : i32
      %swap3A_1162 = arith.index_cast %add3A_1161 : i32 to index
      %swap3A_1163 = arith.constant 0 : index
      %swap3A_1164 = tpu.vector_load %arg7[%swap3A_1162, %swap3A_1163] {strides = array<i32>} : memref<512x64xf32, #tpu.memory_space<vmem>>, vector<1x16xf32>,
      %swap3A_1165 = vector.shape_cast %swap3A_1164 : vector<1x16xf32> to vector<16xf32>
      %swap3A_1166 = vector.shape_cast %mul3A_1159 : vector<16xf32> to vector<1x16xf32>
      tpu.vector_store %arg7[%swap3A_1162, %swap3A_1163], %swap3A_1166 {strides = array<i32>} : memref<512x64xf32, #tpu.memory_space<vmem>>, vector<1x16xf32>,
      %add3A_1167 = arith.constant 14 : i32
      %add3A_1168 = arith.addi %add3A_369, %add3A_1167 : i32
      %get3A_1169 = arith.index_cast %add3A_1168 : i32 to index
      %get3A_1170 = arith.constant 16 : index
      %get3A_1171 = tpu.vector_load %arg7[%get3A_1169, %get3A_1170] {strides = array<i32>} : memref<512x64xf32, #tpu.memory_space<vmem>>, vector<1x16xf32>,
      %get3A_1172 = vector.shape_cast %get3A_1171 : vector<1x16xf32> to vector<16xf32>
      %mul3A_1173 = arith.mulf %get3A_1172, %get3A_11 : vector<16xf32>
      %add3A_1174 = arith.constant 14 : i32
      %add3A_1175 = arith.addi %add3A_369, %add3A_1174 : i32
      %swap3A_1176 = arith.index_cast %add3A_1175 : i32 to index
      %swap3A_1177 = arith.constant 16 : index
      %swap3A_1178 = tpu.vector_load %arg7[%swap3A_1176, %swap3A_1177] {strides = array<i32>} : memref<512x64xf32, #tpu.memory_space<vmem>>, vector<1x16xf32>,
      %swap3A_1179 = vector.shape_cast %swap3A_1178 : vector<1x16xf32> to vector<16xf32>
      %swap3A_1180 = vector.shape_cast %mul3A_1173 : vector<16xf32> to vector<1x16xf32>
      tpu.vector_store %arg7[%swap3A_1176, %swap3A_1177], %swap3A_1180 {strides = array<i32>} : memref<512x64xf32, #tpu.memory_space<vmem>>, vector<1x16xf32>,
      %add3A_1181 = arith.constant 14 : i32
      %add3A_1182 = arith.addi %add3A_369, %add3A_1181 : i32
      %get3A_1183 = arith.index_cast %add3A_1182 : i32 to index
      %get3A_1184 = arith.constant 32 : index
      %get3A_1185 = tpu.vector_load %arg7[%get3A_1183, %get3A_1184] {strides = array<i32>} : memref<512x64xf32, #tpu.memory_space<vmem>>, vector<1x16xf32>,
      %get3A_1186 = vector.shape_cast %get3A_1185 : vector<1x16xf32> to vector<16xf32>
      %mul3A_1187 = arith.mulf %get3A_1186, %get3A_11 : vector<16xf32>
      %add3A_1188 = arith.constant 14 : i32
      %add3A_1189 = arith.addi %add3A_369, %add3A_1188 : i32
      %swap3A_1190 = arith.index_cast %add3A_1189 : i32 to index
      %swap3A_1191 = arith.constant 32 : index
      %swap3A_1192 = tpu.vector_load %arg7[%swap3A_1190, %swap3A_1191] {strides = array<i32>} : memref<512x64xf32, #tpu.memory_space<vmem>>, vector<1x16xf32>,
      %swap3A_1193 = vector.shape_cast %swap3A_1192 : vector<1x16xf32> to vector<16xf32>
      %swap3A_1194 = vector.shape_cast %mul3A_1187 : vector<16xf32> to vector<1x16xf32>
      tpu.vector_store %arg7[%swap3A_1190, %swap3A_1191], %swap3A_1194 {strides = array<i32>} : memref<512x64xf32, #tpu.memory_space<vmem>>, vector<1x16xf32>,
      %add3A_1195 = arith.constant 14 : i32
      %add3A_1196 = arith.addi %add3A_369, %add3A_1195 : i32
      %get3A_1197 = arith.index_cast %add3A_1196 : i32 to index
      %get3A_1198 = arith.constant 48 : index
      %get3A_1199 = tpu.vector_load %arg7[%get3A_1197, %get3A_1198] {strides = array<i32>} : memref<512x64xf32, #tpu.memory_space<vmem>>, vector<1x16xf32>,
      %get3A_1200 = vector.shape_cast %get3A_1199 : vector<1x16xf32> to vector<16xf32>
      %mul3A_1201 = arith.mulf %get3A_1200, %get3A_11 : vector<16xf32>
      %add3A_1202 = arith.constant 14 : i32
      %add3A_1203 = arith.addi %add3A_369, %add3A_1202 : i32
      %swap3A_1204 = arith.index_cast %add3A_1203 : i32 to index
      %swap3A_1205 = arith.constant 48 : index
      %swap3A_1206 = tpu.vector_load %arg7[%swap3A_1204, %swap3A_1205] {strides = array<i32>} : memref<512x64xf32, #tpu.memory_space<vmem>>, vector<1x16xf32>,
      %swap3A_1207 = vector.shape_cast %swap3A_1206 : vector<1x16xf32> to vector<16xf32>
      %swap3A_1208 = vector.shape_cast %mul3A_1201 : vector<16xf32> to vector<1x16xf32>
      tpu.vector_store %arg7[%swap3A_1204, %swap3A_1205], %swap3A_1208 {strides = array<i32>} : memref<512x64xf32, #tpu.memory_space<vmem>>, vector<1x16xf32>,
      %add3A_1209 = arith.constant 15 : i32
      %add3A_1210 = arith.addi %add3A_369, %add3A_1209 : i32
      %get3A_1211 = arith.index_cast %add3A_1210 : i32 to index
      %get3A_1212 = arith.constant 0 : index
      %get3A_1213 = tpu.vector_load %arg7[%get3A_1211, %get3A_1212] {strides = array<i32>} : memref<512x64xf32, #tpu.memory_space<vmem>>, vector<1x16xf32>,
      %get3A_1214 = vector.shape_cast %get3A_1213 : vector<1x16xf32> to vector<16xf32>
      %mul3A_1215 = arith.mulf %get3A_1214, %get3A_11 : vector<16xf32>
      %add3A_1216 = arith.constant 15 : i32
      %add3A_1217 = arith.addi %add3A_369, %add3A_1216 : i32
      %swap3A_1218 = arith.index_cast %add3A_1217 : i32 to index
      %swap3A_1219 = arith.constant 0 : index
      %swap3A_1220 = tpu.vector_load %arg7[%swap3A_1218, %swap3A_1219] {strides = array<i32>} : memref<512x64xf32, #tpu.memory_space<vmem>>, vector<1x16xf32>,
      %swap3A_1221 = vector.shape_cast %swap3A_1220 : vector<1x16xf32> to vector<16xf32>
      %swap3A_1222 = vector.shape_cast %mul3A_1215 : vector<16xf32> to vector<1x16xf32>
      tpu.vector_store %arg7[%swap3A_1218, %swap3A_1219], %swap3A_1222 {strides = array<i32>} : memref<512x64xf32, #tpu.memory_space<vmem>>, vector<1x16xf32>,
      %add3A_1223 = arith.constant 15 : i32
      %add3A_1224 = arith.addi %add3A_369, %add3A_1223 : i32
      %get3A_1225 = arith.index_cast %add3A_1224 : i32 to index
      %get3A_1226 = arith.constant 16 : index
      %get3A_1227 = tpu.vector_load %arg7[%get3A_1225, %get3A_1226] {strides = array<i32>} : memref<512x64xf32, #tpu.memory_space<vmem>>, vector<1x16xf32>,
      %get3A_1228 = vector.shape_cast %get3A_1227 : vector<1x16xf32> to vector<16xf32>
      %mul3A_1229 = arith.mulf %get3A_1228, %get3A_11 : vector<16xf32>
      %add3A_1230 = arith.constant 15 : i32
      %add3A_1231 = arith.addi %add3A_369, %add3A_1230 : i32
      %swap3A_1232 = arith.index_cast %add3A_1231 : i32 to index
      %swap3A_1233 = arith.constant 16 : index
      %swap3A_1234 = tpu.vector_load %arg7[%swap3A_1232, %swap3A_1233] {strides = array<i32>} : memref<512x64xf32, #tpu.memory_space<vmem>>, vector<1x16xf32>,
      %swap3A_1235 = vector.shape_cast %swap3A_1234 : vector<1x16xf32> to vector<16xf32>
      %swap3A_1236 = vector.shape_cast %mul3A_1229 : vector<16xf32> to vector<1x16xf32>
      tpu.vector_store %arg7[%swap3A_1232, %swap3A_1233], %swap3A_1236 {strides = array<i32>} : memref<512x64xf32, #tpu.memory_space<vmem>>, vector<1x16xf32>,
      %add3A_1237 = arith.constant 15 : i32
      %add3A_1238 = arith.addi %add3A_369, %add3A_1237 : i32
      %get3A_1239 = arith.index_cast %add3A_1238 : i32 to index
      %get3A_1240 = arith.constant 32 : index
      %get3A_1241 = tpu.vector_load %arg7[%get3A_1239, %get3A_1240] {strides = array<i32>} : memref<512x64xf32, #tpu.memory_space<vmem>>, vector<1x16xf32>,
      %get3A_1242 = vector.shape_cast %get3A_1241 : vector<1x16xf32> to vector<16xf32>
      %mul3A_1243 = arith.mulf %get3A_1242, %get3A_11 : vector<16xf32>
      %add3A_1244 = arith.constant 15 : i32
      %add3A_1245 = arith.addi %add3A_369, %add3A_1244 : i32
      %swap3A_1246 = arith.index_cast %add3A_1245 : i32 to index
      %swap3A_1247 = arith.constant 32 : index
      %swap3A_1248 = tpu.vector_load %arg7[%swap3A_1246, %swap3A_1247] {strides = array<i32>} : memref<512x64xf32, #tpu.memory_space<vmem>>, vector<1x16xf32>,
      %swap3A_1249 = vector.shape_cast %swap3A_1248 : vector<1x16xf32> to vector<16xf32>
      %swap3A_1250 = vector.shape_cast %mul3A_1243 : vector<16xf32> to vector<1x16xf32>
      tpu.vector_store %arg7[%swap3A_1246, %swap3A_1247], %swap3A_1250 {strides = array<i32>} : memref<512x64xf32, #tpu.memory_space<vmem>>, vector<1x16xf32>,
      %add3A_1251 = arith.constant 15 : i32
      %add3A_1252 = arith.addi %add3A_369, %add3A_1251 : i32
      %get3A_1253 = arith.index_cast %add3A_1252 : i32 to index
      %get3A_1254 = arith.constant 48 : index
      %get3A_1255 = tpu.vector_load %arg7[%get3A_1253, %get3A_1254] {strides = array<i32>} : memref<512x64xf32, #tpu.memory_space<vmem>>, vector<1x16xf32>,
      %get3A_1256 = vector.shape_cast %get3A_1255 : vector<1x16xf32> to vector<16xf32>
      %mul3A_1257 = arith.mulf %get3A_1256, %get3A_11 : vector<16xf32>
      %add3A_1258 = arith.constant 15 : i32
      %add3A_1259 = arith.addi %add3A_369, %add3A_1258 : i32
      %swap3A_1260 = arith.index_cast %add3A_1259 : i32 to index
      %swap3A_1261 = arith.constant 48 : index
      %swap3A_1262 = tpu.vector_load %arg7[%swap3A_1260, %swap3A_1261] {strides = array<i32>} : memref<512x64xf32, #tpu.memory_space<vmem>>, vector<1x16xf32>,
      %swap3A_1263 = vector.shape_cast %swap3A_1262 : vector<1x16xf32> to vector<16xf32>
      %swap3A_1264 = vector.shape_cast %mul3A_1257 : vector<16xf32> to vector<1x16xf32>
      tpu.vector_store %arg7[%swap3A_1260, %swap3A_1261], %swap3A_1264 {strides = array<i32>} : memref<512x64xf32, #tpu.memory_space<vmem>>, vector<1x16xf32>,
    }
    %scan3A_362 = arith.constant 32 : i32
    %add3A_363 = arith.constant 0 : i32
    %add3A_364 = arith.addi %multiple_of3A, %add3A_363 : i32
    "tpu.region"() ({
      %run_scoped3A = tpu.sem_alloc : memref<!tpu.dma_semaphore, #tpu.memory_space<semaphore_mem>>
      %dma_start3A_365 = arith.constant 0 : i32
      %dma_start3A_366 = arith.constant 0 : i32
      %dma_start3A_367 = tpu.memref_slice %arg7[%dma_start3A_365, %dma_start3A_366] : memref<512x64xf32, #tpu.memory_space<vmem>> -> memref<512x64xf32, #tpu.memory_space<vmem>>
      %dma_start3A_368 = arith.constant 0 : i32
      %dma_start3A_369 = tpu.memref_slice %arg5[%add3A_364, %dma_start3A_368] : memref<16384x64xf32, #tpu.memory_space<hbm>> -> memref<512x64xf32, #tpu.memory_space<hbm>>
      %dma_start3A_370 = arith.constant 0 : i32
      %dma_start3A_371 = tpu.memref_slice %arg5[%add3A_364, %dma_start3A_370] : memref<16384x64xf32, #tpu.memory_space<hbm>> -> memref<512x64xf32, #tpu.memory_space<hbm>>
      %dma_start3A_372 = arith.constant 0 : i32
      %dma_start3A_373 = arith.constant 0 : i32
      %dma_start3A_374 = tpu.memref_slice %arg7[%dma_start3A_372, %dma_start3A_373] : memref<512x64xf32, #tpu.memory_space<vmem>> -> memref<512x64xf32, #tpu.memory_space<vmem>>
      tpu.enqueue_dma source(%dma_start3A_374 : memref<512x64xf32, #tpu.memory_space<vmem>>) target(%dma_start3A_371 : memref<512x64xf32, #tpu.memory_space<hbm>>) target_semaphore(%run_scoped3A : memref<!tpu.dma_semaphore, #tpu.memory_space<semaphore_mem>>)
      %dma_wait3A_375 = arith.constant 0 : i32
      %dma_wait3A_376 = arith.constant 0 : i32
      %dma_wait3A_377 = tpu.memref_slice %arg7[%dma_wait3A_375, %dma_wait3A_376] : memref<512x64xf32, #tpu.memory_space<vmem>> -> memref<512x64xf32, #tpu.memory_space<vmem>>
      %dma_wait3A_378 = arith.constant 0 : i32
      %dma_wait3A_379 = tpu.memref_slice %arg5[%add3A_364, %dma_wait3A_378] : memref<16384x64xf32, #tpu.memory_space<hbm>> -> memref<512x64xf32, #tpu.memory_space<hbm>>
      %dma_wait3A_380 = arith.constant 0 : i32
      %dma_wait3A_381 = tpu.memref_slice %arg5[%add3A_364, %dma_wait3A_380] : memref<16384x64xf32, #tpu.memory_space<hbm>> -> memref<512x64xf32, #tpu.memory_space<hbm>>
      %dma_wait3A_382 = arith.constant 0 : i32
      %dma_wait3A_383 = arith.constant 0 : i32
      %dma_wait3A_384 = tpu.memref_slice %arg7[%dma_wait3A_382, %dma_wait3A_383] : memref<512x64xf32, #tpu.memory_space<vmem>> -> memref<512x64xf32, #tpu.memory_space<vmem>>
      tpu.wait_dma2 semaphore(%run_scoped3A : memref<!tpu.dma_semaphore, #tpu.memory_space<semaphore_mem>>) src(%dma_wait3A_384 : memref<512x64xf32, #tpu.memory_space<vmem>>) dst(%dma_wait3A_381 : memref<512x64xf32, #tpu.memory_space<hbm>>)
      tpu.yield
    }) : () -> ()
    return
  }
}

</mosaic_0001>

<sc_bundles>
// kernel: kernel.3.cloned.1.call-start
scs
__scs_entry_jumppad:
0x0: {  	(pc) =	sbr.rel $0x88, $3  }
0x1: {  	(tag) =	ssettag $0x0;
	lr =	simm.s32 $0x1  }
0x2: {  	[smem:$0x3F9E] =	sst lr;
	_ =	strace $0xD0000000  }
0x3: {  	_ = 	snop  }
0x4: {  	_ = 	snop  }
0x5: {  	_ = 	snop  }
0x6: {  	_ = 	snop  }
0x7: {  	_ = 	snop  }
__scs_overlays_trampoline_lowered:
0x8: {  	[smem:$0x3FAD] =	sst s0  }
0x9: {  	[smem:$0x3FAE] =	sst s1  }
0xa: {  	[smem:$0x3FAF] =	sst s2  }
0xb: {  	[smem:$0x3FB0] =	sst s3  }
0xc: {  	[smem:$0x3FB1] =	sst s4  }
0xd: {  	[smem:$0x3FB2] =	sst s5  }
0xe: {  	[smem:$0x3FB3] =	sst s6  }
0xf: {  	[smem:$0x3FB4] =	sst s7  }
0x10: {  	[smem:$0x3FB5] =	sst s8  }
0x11: {  	[smem:$0x3FB6] =	sst s9;
	s0 =	simm.s32 @!p0 $0x0  }
0x12: {  	s1 =	sld [smem:$0x3F9C];
	s0 =	simm.s32 @p0 $0x1  }
0x13: {  	[smem:$0x3FB7] =	sst s0;
	s0 =	simm.s32 @!p1 $0x0  }
0x14: {  	s2 =	sld [smem:$0x3F9B];
	s0 =	simm.s32 @p1 $0x1  }
0x15: {  	[smem:$0x3FB8] =	sst s0;
	s0 =	simm.s32 @!p2 $0x0  }
0x16: {  	s3 =	sld [smem:$0x3FDB];
	s0 =	simm.s32 @p2 $0x1  }
0x17: {  	s4 =	simm.s32 $0x1BF5;
	[smem:$0x3FBA] =	sst s0  }
0x18: {  	s0 =	sld [smem:$0x3F9D];
	_ =	swait.ge [sflag:s4], $0x0  }
0x19: {  	s7 =	sld [smem:$0x3F9E]  }
0x1a: {  	s8 =	sadd.s32 $0xFFFFE003, lr  }
0x1b: {  	s9 =	sadd.s32 $0xFFFFFEF7, lr;
	s5 =	simm.s32 $0xFFFFFFFF;
	p2 =	slt.u32 s8, $0xFFFFF086  }
0x1c: {  	p1 =	slt.u32 s9, $0xF7A;
	s5 =	simm.s32 @!p2 $0x0  }
0x1d: {  	s5 =	simm.s32 @p1 $0x1;
	p0 =	seq.s32 s7, s2  }
0x1e: {  	s7 =	smul.u32 @!p0 $0xF7A, s2;
	p2 =	seq.s32 @!p0 s5, $0x0  }
0x1f: {  	s9 =	smul.u32 $0xF7A, s1;
	s8 =	simm.s32 @!p0 $0x1BF5;
	p2 =	por !p2, p0  }
0x20: {  	[sflag:s8] =	ssyncset.s32 @!p0 $0xFFFFF086;
	s6 =	sadd.s32 @!p0 s3, s7;
	s7 =	simm.s32 @!p0 $0x108  }
0x21: {  	s3 =	sadd.s32 s3, s9;
	s6 =	sadd.s32 @!p0 $0x88, s6;
	s7 =	simm.s32 @p2 $0x1082  }
0x22: {  	[simem:s7], [sflag:s8] =	dma.local @!p0 [hbm:s6], $0xF7A  }
0x23: {  	s9 =	sor.u32 $0xD0000000, s2;
	s6 =	simm.s32 $0x108;
	_ =	swait.ge @!p0 [sflag:s8], $0x0  }
0x24: {  	s3 =	sadd.s32 $0x88, s3;
	s6 =	simm.s32 @!p1 $0x1082;
	[sflag:s4] =	ssyncset.s32 $0xFFFFF086  }
0x25: {  	[simem:s6], [sflag:s4] =	dma.local [hbm:s3], $0xF7A  }
0x26: {  	[smem:$0x3F9E] =	sst s1;
	(tag) =	ssettag s2;
	_ =	strace s9  }
0x27: {  	s1 =	sld [smem:$0x3FAE]  }
0x28: {  	s2 =	sld [smem:$0x3FAF]  }
0x29: {  	s4 =	sld [smem:$0x3FB1]  }
0x2a: {  	p0 =	seq.s32 s5, $0x0;
	s5 =	sld [smem:$0x3FB2]  }
0x2b: {  	s6 =	sld [smem:$0x3FB3]  }
0x2c: {  	s7 =	sld [smem:$0x3FB4]  }
0x2d: {  	s3 =	simm.s32 $0x108;
	s8 =	sld [smem:$0x3FB5]  }
0x2e: {  	s3 =	simm.s32 @!p0 $0x1082;
	s9 =	sld [smem:$0x3FB6]  }
0x2f: {  	lr =	sadd.s32 s0, s3;
	s0 =	sld [smem:$0x3FAD]  }
0x30: {  	s3 =	sld [smem:$0x3FB0]  }
0x31: {  	[smem:$0x3FB9] =	sst s10  }
0x32: {  	s10 =	sld [smem:$0x3FB7];
	_ =	sdelay $0x3  }
0x33: {  	p0 =	seq.s32 s10, $0x1;
	s10 =	sld [smem:$0x3FB9];
	_ =	sdelay $0x3  }
0x34: {  	[smem:$0x3FB9] =	sst s10  }
0x35: {  	s10 =	sld [smem:$0x3FB8];
	_ =	sdelay $0x3  }
0x36: {  	p1 =	seq.s32 s10, $0x1;
	s10 =	sld [smem:$0x3FB9];
	_ =	sdelay $0x3  }
0x37: {  	[smem:$0x3FB9] =	sst s10  }
0x38: {  	s10 =	sld [smem:$0x3FBA]  }
0x39: {  	_ = 	snop;
	(pc) =	sbr.ind lr, $3  }
0x3a: {  	_ = 	snop  }
0x3b: {  	_ = 	snop  }
0x3c: {  	p2 =	seq.s32 s10, $0x1;
	s10 =	sld [smem:$0x3FB9]  }
0x3d: {  	_ =	shalt  }
0x3e: {  	_ =	shalt  }
0x3f: {  	_ =	shalt  }
0x40: {  	_ =	shalt  }
0x41: {  	_ =	shalt  }
0x42: {  	_ =	shalt  }
0x43: {  	_ =	shalt  }
0x44: {  	_ =	shalt  }
0x45: {  	_ =	shalt  }
0x46: {  	_ =	shalt  }
0x47: {  	_ =	shalt  }
0x48: {  	_ =	shalt  }
0x49: {  	_ =	shalt  }
0x4a: {  	_ =	shalt  }
0x4b: {  	_ =	shalt  }
0x4c: {  	_ =	shalt  }
0x4d: {  	_ =	shalt  }
0x4e: {  	_ =	shalt  }
0x4f: {  	_ =	shalt  }
0x50: {  	_ =	shalt  }
0x51: {  	_ =	shalt  }
0x52: {  	_ =	shalt  }
0x53: {  	_ =	shalt  }
0x54: {  	_ =	shalt  }
0x55: {  	_ =	shalt  }
0x56: {  	_ =	shalt  }
0x57: {  	_ =	shalt  }
0x58: {  	_ =	shalt  }
0x59: {  	_ =	shalt  }
0x5a: {  	_ =	shalt  }
0x5b: {  	_ =	shalt  }
0x5c: {  	_ =	shalt  }
0x5d: {  	_ =	shalt  }
0x5e: {  	_ =	shalt  }
0x5f: {  	_ =	shalt  }
0x60: {  	_ =	shalt  }
0x61: {  	_ =	shalt  }
0x62: {  	_ =	shalt  }
0x63: {  	_ =	shalt  }
0x64: {  	_ =	shalt  }
0x65: {  	_ =	shalt  }
0x66: {  	_ =	shalt  }
0x67: {  	_ =	shalt  }
0x68: {  	_ =	shalt  }
0x69: {  	_ =	shalt  }
0x6a: {  	_ =	shalt  }
0x6b: {  	_ =	shalt  }
0x6c: {  	_ =	shalt  }
0x6d: {  	_ =	shalt  }
0x6e: {  	_ =	shalt  }
0x6f: {  	_ =	shalt  }
0x70: {  	_ =	shalt  }
0x71: {  	_ =	shalt  }
0x72: {  	_ =	shalt  }
0x73: {  	_ =	shalt  }
0x74: {  	_ =	shalt  }
0x75: {  	_ =	shalt  }
0x76: {  	_ =	shalt  }
0x77: {  	_ =	shalt  }
0x78: {  	_ =	shalt  }
0x79: {  	_ =	shalt  }
0x7a: {  	_ =	shalt  }
0x7b: {  	_ =	shalt  }
0x7c: {  	_ =	shalt  }
0x7d: {  	_ =	shalt  }
0x7e: {  	_ =	shalt  }
0x7f: {  	_ =	shalt  }
0x80: {  	_ =	shalt  }
0x81: {  	_ =	shalt  }
0x82: {  	_ =	shalt  }
0x83: {  	_ =	shalt  }
0x84: {  	_ =	shalt  }
0x85: {  	_ =	shalt  }
0x86: {  	_ =	shalt  }
0x87: {  	_ =	shalt  }
.Lfunc_end0:
.L_simem_size_0:
called_computation_lowered:
.L_overlay_start_0:
0x88: {  	s2 =	sld [smem:$0x3FD9]  }
0x89: {  	s3 =	sld [smem:$0x3FFE];
	_ =	sdelay $0x1  }
0x8a: {  	s1 =	srdreg.scid  }
0x8b: {  	s0 =	sand.u32 $0x1, s1  }
0x8c: {  	s17 =	sshll.u32 s0, $0xA;
	s2 =	sadd.s32 s3, s2  }
0x8d: {  	s2 =	sadd.s32 s2, s17  }
0x8e: {  	[smem:$0x3FC5] =	sst s2  }
0x8f: {  	_ = 	snop  }
0x90: {  	s2 =	sld [smem:$0x3FD0];
	(tm) =	ssettm $0x1  }
0x91: {  	s18 =	sld [smem:$0x3FFB];
	_ =	sdelay $0x3  }
0x92: {  	_ =	strace s18  }
0x93: {  	s3 =	sld [smem:$0x3FFC];
	_ =	sdelay $0x3  }
0x94: {  	_ =	strace s3  }
0x95: {  	s3 =	sld [smem:$0x3FFD];
	_ =	sdelay $0x3  }
0x96: {  	_ =	strace s3  }
0x97: {  	_ =	strace $0x8FFFFFFF  }
0x98: {  	s19 =	sld [smem:$0x3FDB];
	_ =	sdelay $0x1  }
0x99: {  	s4 =	simm.s32 $_scs_section_size  }
0x9a: {  	s5 =	simm.s32 $_size__tile_overlayer_lowered;
	s6 =	simm.s32 $_tile_overlayer_lowered  }
0x9b: {  	s22 =	simm.s32 $0x1BFF;
	s21 =	sshll.u32 s6, $0x1;
	s3 =	sadd.s32 s4, s19  }
0x9c: {  	s7 =	simm.s32 $0x0;
	s20 =	sshll.u32 s5, $0x1;
	s5 =	sadd.s32 s21, s3  }
0x9d: {  	[timem:s7], [sflag:s22] =	dma.local [hbm:s5], s20  }
0x9e: {  	_ =	swait.ge [sflag:s22], s20  }
0x9f: {  	s4 =	ssub.s32 $0x0, s20;
	[sflag:s22] =	ssyncset.done $0x0  }
0xa0: {  	[sflag:s22] =	ssyncadd.s32 s4;
	_ =	sdelay $0x1  }
0xa1: {  	s23 =	simm.s32 $0x1B8B  }
0xa2: {  	_ =	swait.ge [sflag:s23], $0x1  }
0xa3: {  	[sflag:s23] =	ssyncset.done $0x0  }
0xa4: {  	s25 =	simm.s32 $0x1B8E;
	s24 =	sld [smem:$0x3FFE];
	[sflag:s23] =	ssyncadd.s32 $0xFFFFFFFF  }
0xa5: {  	s26 =	simm.s32 $execute0_lowered;
	[smem:$0x3FD2] =	sst s25  }
0xa6: {  	s5 =	sshll.u32 s26, $0x1;
	_ =	strace $0x80000046;
	[dreg:$0x1] =	wrdreg $0xFFFFFFFF  }
0xa7: {  	s28 =	simm.s32 $_size_execute0_lowered;
	s3 =	sadd.s32 s3, s5;
	[dreg:$0x0] =	wrdreg $0x0  }
0xa8: {  	s5 =	sshll.u32 s28, $0x1;
	[dreg:$0x2] =	wrdreg s3  }
0xa9: {  	[dreg:$0x3] =	wrdreg s5  }
0xaa: {  	[dreg:$0x4] =	wrdreg $0xC0  }
0xab: {  	_ =	task [dreg:s7], $0x5FFFF  }
0xac: {  	[dreg:$0x1] =	wrdreg $0xFFFFFFFF  }
0xad: {  	[dreg:$0x0] =	wrdreg $0x60  }
0xae: {  	[dreg:$0x2] =	wrdreg s2  }
0xaf: {  	[dreg:$0x3] =	wrdreg s24  }
0xb0: {  	[dreg:$0x4] =	wrdreg $0x9  }
0xb1: {  	_ =	task.clear_ibuf [dreg:s7], $0x5FFFF;
	_ =	strace $0x90000046  }
0xb2: {  	s29 =	simm.s32 $0x9;
	_ =	strace $0x80000048  }
0xb3: {  	_ =	swait.ge [sflag:s29], $0x1  }
0xb4: {  	[sflag:s29] =	ssyncadd.s32 $0xFFFFFFFF  }
0xb5: {  	_ =	strace $0x90000048  }
0xb6: {  	_ =	sfence  }
0xb7: {  	s30 =	sld [smem:$0x0];
	_ =	sdelay $0x2  }
0xb8: {  	s31 =	sshll.u32 s1, $0xD;
	s1 =	sshrl.u32 s1, $0x2  }
0xb9: {  	s3 =	sand.u32 $0x4000, s31;
	s1 =	sadd.s32 s1, s30  }
0xba: {  	s0 =	sor.u32 s3, s0;
	s1 =	sshll.u32 s1, $0x11  }
0xbb: {  	s0 =	sor.u32 s1, s0  }
0xbc: {  	s0 =	sadd.s32 $0x8F2B, s0  }
0xbd: {  	[sflag:s0] =	ssyncadd.remote.s32 $0x1  }
0xbe: {  	_ =	sfence.sel $0xFFFF  }
0xbf: {  	[dreg:$0x0] =	wrdreg $0xFFFFFFFF;
	(pc) =	sbr.abs _section_cstart, $3  }
0xc0: {  	[dreg:$0x1] =	wrdreg $0xFFFFFFFF  }
0xc1: {  	_ =	task.clear_ibuf [dreg:s7], $0x2FFFF;
	_ =	strace $0x9FFFFFFF  }
0xc2: {  	(tm) =	ssettm $0x7FFFFFFF  }
0xc3: {  	_ =	shalt  }
tec
execute0_lowered:
.L_overlay_start_1:
0x0: {  	(tag) =	ssettag $0x1  }
0x1: {  	s0 =	rddreg [dreg:$0x0]  }
0x2: {  	s1 =	rddreg [dreg:$0x1];
	s2 =	simm.s32 $0x0;
	s3 =	srdreg.scid  }
0x3: {  	s4 =	stileid.u32;
	s12 =	simm.s32 $0x1;
	s11 =	simm.s32 $0x2  }
0x4: {  	s13 =	simm.s32 $0x280;
	s28 =	simm.s32 $0x980;
	s29 =	simm.s32 $0xA00  }
0x5: {  	s30 =	simm.s32 $0x0;
	[smem:$0x7FF] =	sst s2;
	s5 =	sand.u32 $0x1, s3  }
0x6: {  	s25 =	sshll.u32 s4, $0x1;
	s3 =	sadd.s32 $0xF42800, s1;
	s4 =	sadd.s32 $0x400, s1  }
0x7: {  	_ =	strace $0x80000047;
	s6 =	sor.u32 s5, s25;
	s5 =	ssub.s32 $0x2, s5  }
0x8: {  	s7 =	sshll.u32 s6, $0xD;
	s26 =	sshrl.u32 s5, $0x1;
	s8 =	sand.u32 $0x7, s6  }
0x9: {  	s9 =	sshll.u32 s6, $0x9;
	s6 =	sshll.u32 s6, $0x6;
	p0 =	sne.s32 s8, $0x0  }
0xa: {  	s1 =	sadd.s32 s7, s1;
	s31 =	smax.u32 s9, $0x8;
	s12 =	simm.s32 @!p0 $0x0  }
0xb: {  	vm0 =	vcmask $0x300;
	s10 =	ssub.s32 s5, s26;
	s5 =	simm.s32 $0x1;
	s7 =	sadd.s32 $0xFFFFFFF8, s31;
	v0 =	vmov s12  }
0xc: {  	s6 =	sadd.s32 s0, s6;
	s26 =	simm.s32 $0x900;
	s7 =	sshrl.u32 s7, $0x3;
	v0 =	vnsel vm0, $0x1, v0  }
0xd: {  	s8 =	sadd.s32 $0xF42A00, s1;
	s9 =	smax.u32 s10, $0x1;
	s7 =	sadd.s32 s0, s7;
	v0 =	vmul.u32 $0x6A37, v0  }
.LBB2_1:
0xe: {  	s0 =	simm.s32 $0x8  }
0xf: {  	[tilespmem:s0], [sflag:$0x2] =	stream.linear.gather [hbm4b:s6+s2], $0x200, $0x38;
	[tilespmem:$0x10300] =	vst v63  }
0x10: {  	_ =	swait.ge [sflag:s11], $0x200  }
0x11: {  	[sflag:s11] =	ssyncset.done $0x0  }
0x12: {  	[sflag:s11] =	ssyncadd.s32 $0xFFFFFE00  }
0x13: {  	[tilespmem:s2], [sflag:$0x2] =	stream.linear.gather [hbm4b:s7+s2], $0x8, $0x38;
	[tilespmem:$0x10300] =	vst v63  }
0x14: {  	_ =	swait.ge [sflag:s11], $0x8  }
0x15: {  	[sflag:s11] =	ssyncset.done $0x0  }
0x16: {  	s17 =	simm.s32 $0x10280;
	[sflag:s11] =	ssyncadd.s32 $0xFFFFFFF8  }
0x17: {  	[tilespmem:s17], [sflag:$0x2] =	stream.linear.gather [hbm4b:s3+s2], $0x80, $0x38;
	[tilespmem:$0x10300] =	vst v63  }
0x18: {  	_ =	swait.ge [sflag:s11], $0x80  }
0x19: {  	[sflag:s11] =	ssyncset.done $0x0  }
0x1a: {  	[sflag:s11] =	ssyncadd.s32 $0xFFFFFF80  }
0x1b: {  	v1 =	vld [tilespmem:$0x8]  }
0x1c: {  	v2 =	vld [tilespmem:$0x7];
	_ =	sdelay $0x4  }
0x1d: {  	v1 =	vmul.u32 $0x8DD9, v1;
	v2 =	vmul.u32 v2, v0;
	_ =	sdelay $0x1  }
0x1e: {  	v1 =	vxor.u32 v1, v2  }
0x1f: {  	v2 =	vcvt.s32.f32 v1;
	_ =	sdelay $0x1  }
0x20: {  	v2 =	vmul.f32 $1.000001020e-06, v2;
	_ =	sdelay $0x1  }
0x21: {  	v2 =	vtrunc.f32 v2  }
0x22: {  	v2 =	vcvt.f32.s32 v2;
	_ =	sdelay $0x1  }
0x23: {  	v2 =	vmul.u32 $0xFFF0BDC1, v2;
	_ =	sdelay $0x1  }
0x24: {  	v1 =	vadd.s32 v1, v2  }
0x25: {  	vm0 =	vlt.s32 v1, $0x0;
	v2 =	vadd.s32 $0xF423F, v1  }
0x26: {  	v1 =	vsel vm0, v2, v1  }
0x27: {  	vm0 =	vgt.s32 v1, $0xF423E;
	v2 =	vadd.s32 $0xFFF0BDC1, v1  }
0x28: {  	v1 =	vsel vm0, v2, v1  }
0x29: {  	v2 =	vshll.u32 v1, $0x4  }
0x2a: {  	(v2sf) =	vpush v2, $0x0;
	_ =	sdelay $0x1  }
0x2b: {  	(v2sf) =	vpush v2, $0x1;
	_ =	sdelay $0x2  }
0x2c: {  	(v2sf) =	vpush v2, $0x2;
	_ =	sdelay $0x1  }
0x2d: {  	(v2sf) =	vpush v2, $0x3  }
0x2e: {  	(v2sf) =	vpush v2, $0x4;
	_ =	sdelay $0x1  }
0x2f: {  	(v2sf) =	vpush v2, $0x5  }
0x30: {  	(v2sf) =	vpush v2, $0x6;
	_ =	sdelay $0x2  }
0x31: {  	(v2sf) =	vpush v2, $0x7  }
0x32: {  	s18 =	spop (v2sf)  }
0x33: {  	s0 =	sand.u32 $0x1FFFFFF0, s18  }
0x34: {  	s19 =	spop (v2sf);
	s0 =	sadd.s32 s4, s0  }
0x35: {  	v1 =	vld [tilespmem:$0x10280];
	[tilespmem:s13], [sflag:$0x1] =	stream.linear.gather [hbm4b:s0+s2], $0x80, $0x38  }
0x36: {  	s0 =	sand.u32 $0x1FFFFFF0, s19  }
0x37: {  	s1 =	simm.s32 $0x300;
	s20 =	spop (v2sf);
	s0 =	sadd.s32 s4, s0  }
0x38: {  	[tilespmem:s1], [sflag:$0x1] =	stream.linear.gather [hbm4b:s0+s2], $0x80, $0x38;
	[tilespmem:$0x10300] =	vst v63  }
0x39: {  	s22 =	spop (v2sf);
	s0 =	sand.u32 $0x1FFFFFF0, s20  }
0x3a: {  	s21 =	simm.s32 $0x380;
	s24 =	spop (v2sf);
	(v2sf) =	vpush v2, $0x8;
	s0 =	sadd.s32 s4, s0  }
0x3b: {  	[tilespmem:s21], [sflag:$0x1] =	stream.linear.gather [hbm4b:s0+s2], $0x80, $0x38;
	[tilespmem:$0x10300] =	vst v63  }
0x3c: {  	s10 =	spop (v2sf);
	(v2sf) =	vpush v2, $0x9;
	s0 =	sand.u32 $0x1FFFFFF0, s22  }
0x3d: {  	s23 =	simm.s32 $0x400;
	s14 =	spop (v2sf);
	s0 =	sadd.s32 s4, s0  }
0x3e: {  	(v2sf) =	vpush v2, $0xA;
	[tilespmem:s23], [sflag:$0x1] =	stream.linear.gather [hbm4b:s0+s2], $0x80, $0x38;
	[tilespmem:$0x10300] =	vst v63  }
0x3f: {  	s0 =	sand.u32 $0x1FFFFFF0, s24  }
0x40: {  	s25 =	simm.s32 $0x480;
	s16 =	spop (v2sf);
	s0 =	sadd.s32 s4, s0  }
0x41: {  	(v2sf) =	vpush v2, $0xB;
	[tilespmem:s25], [sflag:$0x1] =	stream.linear.gather [hbm4b:s0+s2], $0x80, $0x38;
	[tilespmem:$0x10300] =	vst v63  }
0x42: {  	s0 =	sand.u32 $0x1FFFFFF0, s10  }
0x43: {  	s12 =	simm.s32 $0x500;
	s0 =	sadd.s32 s4, s0  }
0x44: {  	[tilespmem:s12], [sflag:$0x1] =	stream.linear.gather [hbm4b:s0+s2], $0x80, $0x38;
	[tilespmem:$0x10300] =	vst v63  }
0x45: {  	s0 =	sand.u32 $0x1FFFFFF0, s14  }
0x46: {  	s15 =	simm.s32 $0x580;
	s0 =	sadd.s32 s4, s0  }
0x47: {  	[tilespmem:s15], [sflag:$0x1] =	stream.linear.gather [hbm4b:s0+s2], $0x80, $0x38;
	[tilespmem:$0x10300] =	vst v63  }
0x48: {  	s0 =	sand.u32 $0x1FFFFFF0, s16  }
0x49: {  	s17 =	simm.s32 $0x600;
	s0 =	sadd.s32 s4, s0;
	s18 =	spop (v2sf);
	(v2sf) =	vpush v2, $0xC  }
0x4a: {  	[tilespmem:s17], [sflag:$0x1] =	stream.linear.gather [hbm4b:s0+s2], $0x80, $0x38;
	[tilespmem:$0x10300] =	vst v63  }
0x4b: {  	s20 =	spop (v2sf);
	(v2sf) =	vpush v2, $0xD  }
0x4c: {  	s0 =	sand.u32 $0x1FFFFFF0, s18  }
0x4d: {  	s19 =	simm.s32 $0x680;
	s0 =	sadd.s32 s4, s0;
	s22 =	spop (v2sf)  }
0x4e: {  	(v2sf) =	vpush v2, $0xE;
	[tilespmem:s19], [sflag:$0x1] =	stream.linear.gather [hbm4b:s0+s2], $0x80, $0x38;
	[tilespmem:$0x10300] =	vst v63  }
0x4f: {  	s0 =	sand.u32 $0x1FFFFFF0, s20  }
0x50: {  	s21 =	simm.s32 $0x700;
	s24 =	spop (v2sf);
	s0 =	sadd.s32 s4, s0  }
0x51: {  	(v2sf) =	vpush v2, $0xF;
	[tilespmem:s21], [sflag:$0x1] =	stream.linear.gather [hbm4b:s0+s2], $0x80, $0x38;
	[tilespmem:$0x10300] =	vst v63  }
0x52: {  	s0 =	sand.u32 $0x1FFFFFF0, s22  }
0x53: {  	s23 =	simm.s32 $0x780;
	s0 =	sadd.s32 s4, s0  }
0x54: {  	[tilespmem:s23], [sflag:$0x1] =	stream.linear.gather [hbm4b:s0+s2], $0x80, $0x38;
	[tilespmem:$0x10300] =	vst v63  }
0x55: {  	s0 =	sand.u32 $0x1FFFFFF0, s24  }
0x56: {  	s25 =	simm.s32 $0x800;
	s0 =	sadd.s32 s4, s0  }
0x57: {  	[tilespmem:s25], [sflag:$0x1] =	stream.linear.gather [hbm4b:s0+s2], $0x80, $0x38;
	[tilespmem:$0x10300] =	vst v63  }
0x58: {  	s10 =	spop (v2sf)  }
0x59: {  	s0 =	sand.u32 $0x1FFFFFF0, s10  }
0x5a: {  	s12 =	simm.s32 $0x880;
	s14 =	spop (v2sf);
	s0 =	sadd.s32 s4, s0  }
0x5b: {  	[tilespmem:s12], [sflag:$0x1] =	stream.linear.gather [hbm4b:s0+s2], $0x80, $0x38;
	[tilespmem:$0x10300] =	vst v63  }
0x5c: {  	s0 =	sand.u32 $0x1FFFFFF0, s14  }
0x5d: {  	s15 =	spop (v2sf);
	s0 =	sadd.s32 s4, s0  }
0x5e: {  	[tilespmem:s26], [sflag:$0x1] =	stream.linear.gather [hbm4b:s0+s2], $0x80, $0x38;
	[tilespmem:$0x10300] =	vst v63  }
0x5f: {  	s0 =	sand.u32 $0x1FFFFFF0, s15  }
0x60: {  	s16 =	spop (v2sf);
	s0 =	sadd.s32 s4, s0  }
0x61: {  	[tilespmem:s28], [sflag:$0x1] =	stream.linear.gather [hbm4b:s0+s2], $0x80, $0x38;
	[tilespmem:$0x10300] =	vst v63  }
0x62: {  	s0 =	sand.u32 $0x1FFFFFF0, s16  }
0x63: {  	s17 =	simm.s32 $0x18;
	s0 =	sadd.s32 s4, s0  }
0x64: {  	[tilespmem:s29], [sflag:$0x1] =	stream.linear.gather [hbm4b:s0+s2], $0x80, $0x38;
	[tilespmem:$0x10300] =	vst v63  }
0x65: {  	v2 =	vld [tilespmem:s17+$0xFFFFFFFF]  }
0x66: {  	v3 =	vld [tilespmem:s17+$0x0];
	_ =	sdelay $0x4  }
0x67: {  	v3 =	vmul.u32 $0x8DD9, v3;
	v2 =	vmul.u32 $0x6A37, v2;
	_ =	sdelay $0x1  }
0x68: {  	v2 =	vxor.u32 v3, v2  }
0x69: {  	v3 =	vcvt.s32.f32 v2;
	_ =	sdelay $0x1  }
0x6a: {  	v3 =	vmul.f32 $1.000001020e-06, v3;
	_ =	sdelay $0x1  }
0x6b: {  	v3 =	vtrunc.f32 v3  }
0x6c: {  	v3 =	vcvt.f32.s32 v3;
	_ =	sdelay $0x1  }
0x6d: {  	v3 =	vmul.u32 $0xFFF0BDC1, v3;
	_ =	sdelay $0x1  }
0x6e: {  	v2 =	vadd.s32 v2, v3  }
0x6f: {  	vm15 =	vlt.s32 v2, $0x0;
	v3 =	vadd.s32 $0xF423F, v2  }
0x70: {  	v2 =	vsel vm15, v3, v2  }
0x71: {  	vm0 =	vgt.s32 v2, $0xF423E;
	v3 =	vadd.s32 $0xFFF0BDC1, v2  }
0x72: {  	v2 =	vsel vm0, v3, v2  }
0x73: {  	v2 =	vshll.u32 v2, $0x4  }
0x74: {  	(v2sf) =	vpush v2, $0x0  }
0x75: {  	(v2sf) =	vpush v2, $0x1  }
0x76: {  	(v2sf) =	vpush v2, $0x2;
	_ =	sdelay $0x1  }
0x77: {  	(v2sf) =	vpush v2, $0x3;
	_ =	sdelay $0x1  }
0x78: {  	(v2sf) =	vpush v2, $0x4;
	_ =	sdelay $0x1  }
0x79: {  	(v2sf) =	vpush v2, $0x5;
	_ =	sdelay $0x1  }
0x7a: {  	(v2sf) =	vpush v2, $0x6;
	_ =	sdelay $0x1  }
0x7b: {  	(v2sf) =	vpush v2, $0x7  }
0x7c: {  	s31 =	simm.s32 $0x2000;
	s1 =	simm.s32 $0xC80  }
0x7d: {  	s18 =	simm.s32 $0xB00;
	s21 =	simm.s32 $0xB80;
	s23 =	simm.s32 $0xC00  }
0x7e: {  	s10 =	simm.s32 $0xF00;
	s14 =	simm.s32 $0xA80;
	s12 =	spop (v2sf)  }
0x7f: {  	s0 =	simm.s32 $0x0;
	(v2sf) =	vpush v2, $0x8;
	s12 =	sand.u32 $0x1FFFFFF0, s12;
	s15 =	spop (v2sf)  }
0x80: {  	s12 =	sadd.s32 s4, s12;
	s15 =	sand.u32 $0x1FFFFFF0, s15;
	s16 =	spop (v2sf)  }
0x81: {  	(v2sf) =	vpush v2, $0x9;
	[tilespmem:s14], [sflag:$0x1] =	stream.linear.gather [hbm4b:s12+s2], $0x80, $0x38;
	[tilespmem:$0x10300] =	vst v63  }
0x82: {  	s19 =	sadd.s32 s4, s15;
	s20 =	sand.u32 $0x1FFFFFF0, s16;
	s22 =	spop (v2sf)  }
0x83: {  	(v2sf) =	vpush v2, $0xA;
	s12 =	simm.s32 $0xF80;
	s16 =	simm.s32 $0xE80;
	s15 =	sadd.s32 s4, s20  }
0x84: {  	(v2sf) =	vpush v2, $0xB;
	s14 =	sand.u32 $0x1FFFFFF0, s22;
	s24 =	spop (v2sf);
	s20 =	simm.s32 $0xD80  }
0x85: {  	[tilespmem:s18], [sflag:$0x1] =	stream.linear.gather [hbm4b:s19+s2], $0x80, $0x38;
	[tilespmem:$0x10300] =	vst v63  }
0x86: {  	s14 =	sadd.s32 s4, s14;
	s25 =	spop (v2sf);
	s18 =	simm.s32 $0xD00  }
0x87: {  	[tilespmem:s21], [sflag:$0x1] =	stream.linear.gather [hbm4b:s15+s2], $0x80, $0x38;
	[tilespmem:$0x10300] =	vst v63  }
0x88: {  	(v2sf) =	vpush v2, $0xC;
	s17 =	sand.u32 $0x1FFFFFF0, s25;
	s19 =	spop (v2sf);
	s15 =	sand.u32 $0x1FFFFFF0, s24  }
0x89: {  	[tilespmem:s23], [sflag:$0x1] =	stream.linear.gather [hbm4b:s14+s2], $0x80, $0x38;
	[tilespmem:$0x10300] =	vst v63  }
0x8a: {  	(v2sf) =	vpush v2, $0xD;
	s21 =	spop (v2sf);
	s15 =	sadd.s32 s4, s15;
	s14 =	sand.u32 $0x1FFFFFF0, s19  }
0x8b: {  	[tilespmem:s1], [sflag:$0x1] =	stream.linear.gather [hbm4b:s15+s2], $0x80, $0x38;
	[tilespmem:$0x10300] =	vst v63  }
0x8c: {  	(v2sf) =	vpush v2, $0xE;
	s23 =	simm.s32 $0xE00;
	s14 =	sadd.s32 s4, s14;
	s15 =	sadd.s32 s4, s17  }
0x8d: {  	[tilespmem:s18], [sflag:$0x1] =	stream.linear.gather [hbm4b:s15+s2], $0x80, $0x38;
	[tilespmem:$0x10300] =	vst v63  }
0x8e: {  	s1 =	simm.s32 $0x28;
	s15 =	sand.u32 $0x1FFFFFF0, s21;
	s22 =	spop (v2sf);
	(v2sf) =	vpush v2, $0xF  }
0x8f: {  	[tilespmem:s20], [sflag:$0x1] =	stream.linear.gather [hbm4b:s14+s2], $0x80, $0x38;
	[tilespmem:$0x10300] =	vst v63  }
0x90: {  	s24 =	sadd.s32 s4, s15;
	s25 =	sand.u32 $0x1FFFFFF0, s22;
	s17 =	spop (v2sf)  }
0x91: {  	[tilespmem:s23], [sflag:$0x1] =	stream.linear.gather [hbm4b:s24+s2], $0x80, $0x38;
	[tilespmem:$0x10300] =	vst v63  }
0x92: {  	s20 =	simm.s32 $0x1000;
	s15 =	sadd.s32 s4, s25;
	s18 =	spop (v2sf)  }
0x93: {  	s14 =	sand.u32 $0x1FFFFFF0, s17;
	s17 =	simm.s32 $0x1080;
	s19 =	spop (v2sf)  }
0x94: {  	[tilespmem:s16], [sflag:$0x1] =	stream.linear.gather [hbm4b:s15+s2], $0x80, $0x38;
	[tilespmem:$0x10300] =	vst v63  }
0x95: {  	s14 =	sadd.s32 s4, s14;
	s15 =	sand.u32 $0x1FFFFFF0, s18;
	s22 =	sand.u32 $0x1FFFFFF0, s19  }
0x96: {  	[tilespmem:s10], [sflag:$0x1] =	stream.linear.gather [hbm4b:s14+s2], $0x80, $0x38;
	[tilespmem:$0x10300] =	vst v63  }
0x97: {  	s23 =	spop (v2sf);
	s21 =	sadd.s32 s4, s15;
	s15 =	sadd.s32 s4, s22  }
0x98: {  	[tilespmem:s12], [sflag:$0x1] =	stream.linear.gather [hbm4b:s21+s2], $0x80, $0x38;
	[tilespmem:$0x10300] =	vst v63  }
0x99: {  	s24 =	sand.u32 $0x1FFFFFF0, s23;
	s25 =	spop (v2sf);
	s14 =	simm.s32 $0x1100  }
0x9a: {  	[tilespmem:s20], [sflag:$0x1] =	stream.linear.gather [hbm4b:s15+s2], $0x80, $0x38;
	[tilespmem:$0x10300] =	vst v63  }
0x9b: {  	s10 =	sand.u32 $0x1FFFFFF0, s25;
	s12 =	spop (v2sf);
	s15 =	sadd.s32 s4, s24  }
.LBB2_2:
0x9c: {  	[tilespmem:s17], [sflag:$0x1] =	stream.linear.gather [hbm4b:s15+s2], $0x80, $0x38;
	[tilespmem:$0x10300] =	vst v63  }
0x9d: {  	s10 =	sadd.s32 s4, s10;
	s12 =	sand.u32 $0x1FFFFFF0, s12;
	s15 =	spop (v2sf)  }
0x9e: {  	[tilespmem:s14], [sflag:$0x1] =	stream.linear.gather [hbm4b:s10+s2], $0x80, $0x38;
	[tilespmem:$0x10300] =	vst v63  }
0x9f: {  	s12 =	sadd.s32 s4, s12;
	s10 =	sadd.s32 $0x1180, s0;
	s14 =	sand.u32 $0x1FFFFFF0, s15  }
0xa0: {  	[tilespmem:s10], [sflag:$0x1] =	stream.linear.gather [hbm4b:s12+s2], $0x80, $0x38;
	[tilespmem:$0x10300] =	vst v63  }
0xa1: {  	p0 =	sne.s32 s31, $0x3C000;
	s0 =	sadd.s32 $0x1200, s0;
	s10 =	sadd.s32 s4, s14  }
0xa2: {  	[tilespmem:s0], [sflag:$0x1] =	stream.linear.gather [hbm4b:s10+s2], $0x80, $0x38;
	[tilespmem:$0x10300] =	vst v63  }
0xa3: {  	s0 =	smov.u32 s31;
	s31 =	sadd.s32 $0x2000, s31;
	v2 =	vld [tilespmem:s1+$0xFFFFFFFF]  }
0xa4: {  	v3 =	vld [tilespmem:s1+$0x0];
	_ =	sdelay $0x4  }
0xa5: {  	v2 =	vmul.u32 $0x6A37, v2;
	v3 =	vmul.u32 $0x8DD9, v3;
	_ =	sdelay $0x1  }
0xa6: {  	v2 =	vxor.u32 v3, v2  }
0xa7: {  	v3 =	vcvt.s32.f32 v2;
	_ =	sdelay $0x1  }
0xa8: {  	v3 =	vmul.f32 $1.000001020e-06, v3;
	_ =	sdelay $0x1  }
0xa9: {  	v3 =	vtrunc.f32 v3  }
0xaa: {  	v3 =	vcvt.f32.s32 v3;
	_ =	sdelay $0x1  }
0xab: {  	v3 =	vmul.u32 $0xFFF0BDC1, v3;
	_ =	sdelay $0x1  }
0xac: {  	v2 =	vadd.s32 v2, v3  }
0xad: {  	vm0 =	vlt.s32 v2, $0x0;
	v3 =	vadd.s32 $0xF423F, v2  }
0xae: {  	v2 =	vsel vm0, v3, v2  }
0xaf: {  	vm0 =	vgt.s32 v2, $0xF423E;
	v3 =	vadd.s32 $0xFFF0BDC1, v2  }
0xb0: {  	v2 =	vsel vm0, v3, v2  }
0xb1: {  	v2 =	vshll.u32 v2, $0x4  }
0xb2: {  	(v2sf) =	vpush v2, $0x0  }
0xb3: {  	(v2sf) =	vpush v2, $0x1  }
0xb4: {  	(v2sf) =	vpush v2, $0x2;
	_ =	sdelay $0x1  }
0xb5: {  	(v2sf) =	vpush v2, $0x3;
	_ =	sdelay $0x3  }
0xb6: {  	(v2sf) =	vpush v2, $0x4  }
0xb7: {  	(v2sf) =	vpush v2, $0x5;
	_ =	sdelay $0x1  }
0xb8: {  	s0 =	sshra.s32 s0, $0x2;
	(v2sf) =	vpush v2, $0x6  }
0xb9: {  	s20 =	sadd.s32 $0xC80, s0;
	s12 =	sadd.s32 $0xF00, s0;
	s10 =	sadd.s32 $0xF80, s0  }
0xba: {  	s14 =	sadd.s32 $0xA80, s0;
	s17 =	sadd.s32 $0xB00, s0;
	s21 =	sadd.s32 $0xD00, s0;
	(v2sf) =	vpush v2, $0x7  }
0xbb: {  	s19 =	sadd.s32 $0xD80, s0;
	s18 =	sadd.s32 $0xE00, s0;
	s1 =	sadd.s32 $0x10, s1  }
0xbc: {  	s22 =	sadd.s32 $0xB80, s0;
	s16 =	sadd.s32 $0xE80, s0;
	s15 =	spop (v2sf);
	(v2sf) =	vpush v2, $0x8  }
0xbd: {  	s23 =	sand.u32 $0x1FFFFFF0, s15;
	s15 =	sadd.s32 $0x1000, s0;
	s24 =	spop (v2sf)  }
0xbe: {  	s23 =	sadd.s32 s4, s23;
	s24 =	sand.u32 $0x1FFFFFF0, s24;
	s25 =	spop (v2sf);
	(v2sf) =	vpush v2, $0x9  }
0xbf: {  	[tilespmem:s14], [sflag:$0x1] =	stream.linear.gather [hbm4b:s23+s2], $0x80, $0x38;
	[tilespmem:$0x10300] =	vst v63  }
0xc0: {  	s14 =	sadd.s32 s4, s24;
	s23 =	sand.u32 $0x1FFFFFF0, s25;
	s24 =	spop (v2sf);
	(v2sf) =	vpush v2, $0xA  }
0xc1: {  	[tilespmem:s17], [sflag:$0x1] =	stream.linear.gather [hbm4b:s14+s2], $0x80, $0x38;
	[tilespmem:$0x10300] =	vst v63  }
0xc2: {  	s14 =	sadd.s32 s4, s23;
	s23 =	sadd.s32 $0xC00, s0;
	s17 =	sand.u32 $0x1FFFFFF0, s24;
	(v2sf) =	vpush v2, $0xB  }
0xc3: {  	[tilespmem:s22], [sflag:$0x1] =	stream.linear.gather [hbm4b:s14+s2], $0x80, $0x38;
	[tilespmem:$0x10300] =	vst v63  }
0xc4: {  	s22 =	sadd.s32 s4, s17;
	s14 =	sadd.s32 $0x1100, s0;
	s17 =	spop (v2sf);
	(v2sf) =	vpush v2, $0xC  }
0xc5: {  	s24 =	sand.u32 $0x1FFFFFF0, s17;
	s17 =	sadd.s32 $0x1080, s0;
	s25 =	spop (v2sf)  }
0xc6: {  	[tilespmem:s23], [sflag:$0x1] =	stream.linear.gather [hbm4b:s22+s2], $0x80, $0x38;
	(v2sf) =	vpush v2, $0xD;
	[tilespmem:$0x10300] =	vst v63  }
0xc7: {  	s22 =	sadd.s32 s4, s24;
	s23 =	sand.u32 $0x1FFFFFF0, s25;
	s24 =	spop (v2sf)  }
0xc8: {  	[tilespmem:s20], [sflag:$0x1] =	stream.linear.gather [hbm4b:s22+s2], $0x80, $0x38;
	(v2sf) =	vpush v2, $0xE;
	[tilespmem:$0x10300] =	vst v63  }
0xc9: {  	s20 =	sadd.s32 s4, s23;
	s22 =	sand.u32 $0x1FFFFFF0, s24;
	s23 =	spop (v2sf)  }
0xca: {  	[tilespmem:s21], [sflag:$0x1] =	stream.linear.gather [hbm4b:s20+s2], $0x80, $0x38;
	(v2sf) =	vpush v2, $0xF;
	[tilespmem:$0x10300] =	vst v63  }
0xcb: {  	s20 =	sadd.s32 s4, s22;
	s21 =	sand.u32 $0x1FFFFFF0, s23;
	s22 =	spop (v2sf)  }
0xcc: {  	[tilespmem:s19], [sflag:$0x1] =	stream.linear.gather [hbm4b:s20+s2], $0x80, $0x38;
	[tilespmem:$0x10300] =	vst v63  }
0xcd: {  	s19 =	sadd.s32 s4, s21;
	s20 =	sand.u32 $0x1FFFFFF0, s22;
	s21 =	spop (v2sf)  }
0xce: {  	[tilespmem:s18], [sflag:$0x1] =	stream.linear.gather [hbm4b:s19+s2], $0x80, $0x38;
	[tilespmem:$0x10300] =	vst v63  }
0xcf: {  	s18 =	sadd.s32 s4, s20;
	s19 =	sand.u32 $0x1FFFFFF0, s21;
	s20 =	spop (v2sf)  }
0xd0: {  	[tilespmem:s16], [sflag:$0x1] =	stream.linear.gather [hbm4b:s18+s2], $0x80, $0x38;
	[tilespmem:$0x10300] =	vst v63  }
0xd1: {  	s16 =	sadd.s32 s4, s19;
	s18 =	sand.u32 $0x1FFFFFF0, s20;
	s19 =	spop (v2sf)  }
0xd2: {  	[tilespmem:s12], [sflag:$0x1] =	stream.linear.gather [hbm4b:s16+s2], $0x80, $0x38;
	[tilespmem:$0x10300] =	vst v63  }
0xd3: {  	s12 =	sadd.s32 s4, s18  }
.Ltmp0:
0xd4: {  	s16 =	sand.u32 $0x1FFFFFF0, s19;
	s18 =	spop (v2sf);
	(pc) =	sbr.rel @p0 .LBB2_2-.Ltmp0, $4  }
0xd5: {  	[tilespmem:s10], [sflag:$0x1] =	stream.linear.gather [hbm4b:s12+s2], $0x80, $0x38;
	[tilespmem:$0x10300] =	vst v63  }
0xd6: {  	s10 =	sadd.s32 s4, s16;
	s12 =	sand.u32 $0x1FFFFFF0, s18;
	s16 =	spop (v2sf)  }
0xd7: {  	[tilespmem:s15], [sflag:$0x1] =	stream.linear.gather [hbm4b:s10+s2], $0x80, $0x38;
	[tilespmem:$0x10300] =	vst v63  }
0xd8: {  	s15 =	sadd.s32 s4, s12;
	s10 =	sand.u32 $0x1FFFFFF0, s16;
	s12 =	spop (v2sf)  }
0xd9: {  	[tilespmem:s17], [sflag:$0x1] =	stream.linear.gather [hbm4b:s15+s2], $0x80, $0x38;
	[tilespmem:$0x10300] =	vst v63  }
0xda: {  	s1 =	sadd.s32 s4, s10;
	s21 =	sand.u32 $0x1FFFFFF0, s12;
	s22 =	spop (v2sf)  }
0xdb: {  	[tilespmem:s14], [sflag:$0x1] =	stream.linear.gather [hbm4b:s1+s2], $0x80, $0x38;
	[tilespmem:$0x10300] =	vst v63  }
0xdc: {  	s23 =	sadd.s32 $0x1180, s0;
	s10 =	sadd.s32 s4, s21;
	s12 =	sand.u32 $0x1FFFFFF0, s22  }
0xdd: {  	[tilespmem:s23], [sflag:$0x1] =	stream.linear.gather [hbm4b:s10+s2], $0x80, $0x38;
	[tilespmem:$0x10300] =	vst v63  }
0xde: {  	s24 =	sadd.s32 $0x1200, s0;
	s25 =	sadd.s32 s4, s12  }
0xdf: {  	[tilespmem:s24], [sflag:$0x1] =	stream.linear.gather [hbm4b:s25+s2], $0x80, $0x38;
	[tilespmem:$0x10300] =	vst v63  }
0xe0: {  	_ =	swait.ge [sflag:s5], $0x10000  }
0xe1: {  	[sflag:s5] =	ssyncset.done $0x0  }
0xe2: {  	s31 =	simm.s32 $0x0;
	[sflag:s5] =	ssyncadd.s32 $0xFFFF0000  }
0xe3: {  	v2 =	vld [tilespmem:s31+$0x280]  }
0xe4: {  	v3 =	vld [tilespmem:s31+$0x290]  }
0xe5: {  	v4 =	vld [tilespmem:s31+$0x2A0]  }
0xe6: {  	v5 =	vld [tilespmem:s31+$0x2B0]  }
0xe7: {  	v6 =	vld [tilespmem:s31+$0x300]  }
0xe8: {  	v7 =	vld [tilespmem:s31+$0x310];
	v2 =	vmul.f32 v2, v1  }
0xe9: {  	v8 =	vld [tilespmem:s31+$0x320];
	v3 =	vmul.f32 v3, v1  }
0xea: {  	v4 =	vmul.f32 v4, v1;
	[tilespmem:s31+$0x280] =	vst v2;
	v2 =	vld [tilespmem:s31+$0x330]  }
0xeb: {  	v5 =	vmul.f32 v5, v1;
	[tilespmem:s31+$0x290] =	vst v3;
	v3 =	vld [tilespmem:s31+$0x380]  }
0xec: {  	v6 =	vmul.f32 v6, v1;
	[tilespmem:s31+$0x2A0] =	vst v4;
	v4 =	vld [tilespmem:s31+$0x390]  }
0xed: {  	v7 =	vmul.f32 v7, v1;
	[tilespmem:s31+$0x2B0] =	vst v5;
	v5 =	vld [tilespmem:s31+$0x3A0]  }
0xee: {  	v8 =	vmul.f32 v8, v1;
	[tilespmem:s31+$0x300] =	vst v6;
	v6 =	vld [tilespmem:s31+$0x3B0]  }
0xef: {  	[tilespmem:s31+$0x310] =	vst v7;
	v7 =	vld [tilespmem:s31+$0x400];
	v2 =	vmul.f32 v2, v1  }
0xf0: {  	[tilespmem:s31+$0x320] =	vst v8;
	v8 =	vld [tilespmem:s31+$0x410];
	v3 =	vmul.f32 v3, v1  }
0xf1: {  	v4 =	vmul.f32 v4, v1;
	[tilespmem:s31+$0x330] =	vst v2;
	v2 =	vld [tilespmem:s31+$0x420]  }
0xf2: {  	v5 =	vmul.f32 v5, v1;
	[tilespmem:s31+$0x380] =	vst v3;
	v3 =	vld [tilespmem:s31+$0x430]  }
0xf3: {  	v6 =	vmul.f32 v6, v1;
	[tilespmem:s31+$0x390] =	vst v4;
	v4 =	vld [tilespmem:s31+$0x480]  }
0xf4: {  	v7 =	vmul.f32 v7, v1;
	[tilespmem:s31+$0x3A0] =	vst v5;
	v5 =	vld [tilespmem:s31+$0x490]  }
0xf5: {  	v8 =	vmul.f32 v8, v1;
	[tilespmem:s31+$0x3B0] =	vst v6;
	v6 =	vld [tilespmem:s31+$0x4A0]  }
0xf6: {  	[tilespmem:s31+$0x400] =	vst v7;
	v7 =	vld [tilespmem:s31+$0x4B0];
	v2 =	vmul.f32 v2, v1  }
0xf7: {  	[tilespmem:s31+$0x410] =	vst v8;
	v8 =	vld [tilespmem:s31+$0x500];
	v3 =	vmul.f32 v3, v1  }
0xf8: {  	v4 =	vmul.f32 v4, v1;
	[tilespmem:s31+$0x420] =	vst v2;
	v2 =	vld [tilespmem:s31+$0x510]  }
0xf9: {  	v5 =	vmul.f32 v5, v1;
	[tilespmem:s31+$0x430] =	vst v3;
	v3 =	vld [tilespmem:s31+$0x520]  }
0xfa: {  	v6 =	vmul.f32 v6, v1;
	[tilespmem:s31+$0x480] =	vst v4;
	v4 =	vld [tilespmem:s31+$0x530]  }
0xfb: {  	v7 =	vmul.f32 v7, v1;
	[tilespmem:s31+$0x490] =	vst v5;
	v5 =	vld [tilespmem:s31+$0x580]  }
0xfc: {  	v8 =	vmul.f32 v8, v1;
	[tilespmem:s31+$0x4A0] =	vst v6;
	v6 =	vld [tilespmem:s31+$0x590]  }
0xfd: {  	[tilespmem:s31+$0x4B0] =	vst v7;
	v7 =	vld [tilespmem:s31+$0x5A0];
	v2 =	vmul.f32 v2, v1  }
0xfe: {  	[tilespmem:s31+$0x500] =	vst v8;
	v8 =	vld [tilespmem:s31+$0x5B0];
	v3 =	vmul.f32 v3, v1  }
0xff: {  	v4 =	vmul.f32 v4, v1;
	[tilespmem:s31+$0x510] =	vst v2;
	v2 =	vld [tilespmem:s31+$0x600]  }
0x100: {  	v5 =	vmul.f32 v5, v1;
	[tilespmem:s31+$0x520] =	vst v3;
	v3 =	vld [tilespmem:s31+$0x610]  }
0x101: {  	v6 =	vmul.f32 v6, v1;
	[tilespmem:s31+$0x530] =	vst v4;
	v4 =	vld [tilespmem:s31+$0x620]  }
0x102: {  	v7 =	vmul.f32 v7, v1;
	[tilespmem:s31+$0x580] =	vst v5;
	v5 =	vld [tilespmem:s31+$0x630]  }
0x103: {  	v8 =	vmul.f32 v8, v1;
	[tilespmem:s31+$0x590] =	vst v6;
	v6 =	vld [tilespmem:s31+$0x680]  }
0x104: {  	[tilespmem:s31+$0x5A0] =	vst v7;
	v7 =	vld [tilespmem:s31+$0x690];
	v2 =	vmul.f32 v2, v1  }
0x105: {  	[tilespmem:s31+$0x5B0] =	vst v8;
	v8 =	vld [tilespmem:s31+$0x6A0];
	v3 =	vmul.f32 v3, v1  }
0x106: {  	v4 =	vmul.f32 v4, v1;
	[tilespmem:s31+$0x600] =	vst v2;
	v2 =	vld [tilespmem:s31+$0x6B0]  }
0x107: {  	v5 =	vmul.f32 v5, v1;
	[tilespmem:s31+$0x610] =	vst v3;
	v3 =	vld [tilespmem:s31+$0x700]  }
0x108: {  	v6 =	vmul.f32 v6, v1;
	[tilespmem:s31+$0x620] =	vst v4;
	v4 =	vld [tilespmem:s31+$0x710]  }
0x109: {  	v7 =	vmul.f32 v7, v1;
	[tilespmem:s31+$0x630] =	vst v5;
	v5 =	vld [tilespmem:s31+$0x720]  }
0x10a: {  	v8 =	vmul.f32 v8, v1;
	[tilespmem:s31+$0x680] =	vst v6;
	v6 =	vld [tilespmem:s31+$0x730]  }
0x10b: {  	[tilespmem:s31+$0x690] =	vst v7;
	v7 =	vld [tilespmem:s31+$0x780];
	v2 =	vmul.f32 v2, v1  }
0x10c: {  	[tilespmem:s31+$0x6A0] =	vst v8;
	v8 =	vld [tilespmem:s31+$0x790];
	v3 =	vmul.f32 v3, v1  }
0x10d: {  	v4 =	vmul.f32 v4, v1;
	[tilespmem:s31+$0x6B0] =	vst v2;
	v2 =	vld [tilespmem:s31+$0x7A0]  }
0x10e: {  	v5 =	vmul.f32 v5, v1;
	[tilespmem:s31+$0x700] =	vst v3;
	v3 =	vld [tilespmem:s31+$0x7B0]  }
0x10f: {  	v6 =	vmul.f32 v6, v1;
	[tilespmem:s31+$0x710] =	vst v4;
	v4 =	vld [tilespmem:s31+$0x800]  }
0x110: {  	v7 =	vmul.f32 v7, v1;
	[tilespmem:s31+$0x720] =	vst v5;
	v5 =	vld [tilespmem:s31+$0x810]  }
0x111: {  	v8 =	vmul.f32 v8, v1;
	[tilespmem:s31+$0x730] =	vst v6;
	v6 =	vld [tilespmem:s31+$0x820]  }
0x112: {  	[tilespmem:s31+$0x780] =	vst v7;
	v7 =	vld [tilespmem:s31+$0x830];
	v2 =	vmul.f32 v2, v1  }
0x113: {  	[tilespmem:s31+$0x790] =	vst v8;
	v8 =	vld [tilespmem:s31+$0x880];
	v3 =	vmul.f32 v3, v1  }
0x114: {  	v4 =	vmul.f32 v4, v1;
	[tilespmem:s31+$0x7A0] =	vst v2;
	v2 =	vld [tilespmem:s31+$0x890]  }
0x115: {  	v5 =	vmul.f32 v5, v1;
	[tilespmem:s31+$0x7B0] =	vst v3;
	v3 =	vld [tilespmem:s31+$0x8A0]  }
0x116: {  	v6 =	vmul.f32 v6, v1;
	[tilespmem:s31+$0x800] =	vst v4;
	v4 =	vld [tilespmem:s31+$0x8B0]  }
0x117: {  	v7 =	vmul.f32 v7, v1;
	[tilespmem:s31+$0x810] =	vst v5;
	v5 =	vld [tilespmem:s31+$0x900]  }
0x118: {  	v8 =	vmul.f32 v8, v1;
	[tilespmem:s31+$0x820] =	vst v6;
	v6 =	vld [tilespmem:s31+$0x910]  }
0x119: {  	[tilespmem:s31+$0x830] =	vst v7;
	v7 =	vld [tilespmem:s31+$0x920];
	v2 =	vmul.f32 v2, v1  }
0x11a: {  	[tilespmem:s31+$0x880] =	vst v8;
	v8 =	vld [tilespmem:s31+$0x930];
	v3 =	vmul.f32 v3, v1  }
0x11b: {  	v9 =	vld [tilespmem:s31+$0x980];
	[tilespmem:s31+$0x890] =	vst v2;
	v2 =	vmul.f32 v4, v1  }
0x11c: {  	v10 =	vld [tilespmem:s31+$0x990];
	[tilespmem:s31+$0x8A0] =	vst v3;
	v4 =	vmul.f32 v5, v1  }
0x11d: {  	v3 =	vld [tilespmem:s31+$0x9A0];
	v5 =	vmul.f32 v6, v1;
	[tilespmem:s31+$0x8B0] =	vst v2  }
0x11e: {  	v6 =	vmul.f32 v7, v1;
	[tilespmem:s31+$0x900] =	vst v4;
	v2 =	vld [tilespmem:s31+$0x9B0]  }
0x11f: {  	v7 =	vmul.f32 v8, v1;
	[tilespmem:s31+$0x910] =	vst v5;
	v4 =	vld [tilespmem:s31+$0xA00]  }
0x120: {  	v8 =	vmul.f32 v9, v1;
	[tilespmem:s31+$0x920] =	vst v6;
	v5 =	vld [tilespmem:s31+$0xA10]  }
0x121: {  	s0 =	simm.s32 $0x2000;
	[tilespmem:s31+$0x930] =	vst v7;
	v7 =	vmul.f32 v10, v1;
	v6 =	vld [tilespmem:s31+$0xA20]  }
.LBB2_4:
0x122: {  	s1 =	sshra.s32 s0, $0x2;
	p0 =	sne.s32 s0, $0x3E000;
	[tilespmem:s31+$0x980] =	vst v8;
	v3 =	vmul.f32 v3, v1;
	v8 =	vld [tilespmem:s31+$0xA30]  }
0x123: {  	v9 =	vld [tilespmem:s1+$0x280];
	[tilespmem:s31+$0x990] =	vst v7;
	v2 =	vmul.f32 v2, v1  }
0x124: {  	v7 =	vld [tilespmem:s1+$0x290];
	[tilespmem:s31+$0x9A0] =	vst v3;
	v3 =	vmul.f32 v4, v1  }
0x125: {  	v4 =	vld [tilespmem:s1+$0x2A0];
	[tilespmem:s31+$0x9B0] =	vst v2;
	v2 =	vmul.f32 v5, v1  }
0x126: {  	v5 =	vld [tilespmem:s1+$0x2B0];
	[tilespmem:s31+$0xA00] =	vst v3;
	v3 =	vmul.f32 v6, v1  }
0x127: {  	v6 =	vld [tilespmem:s1+$0x300];
	[tilespmem:s31+$0xA10] =	vst v2;
	v2 =	vmul.f32 v8, v1  }
0x128: {  	v8 =	vmul.f32 v9, v1;
	v9 =	vld [tilespmem:s1+$0x310];
	[tilespmem:s31+$0xA20] =	vst v3  }
0x129: {  	v3 =	vmul.f32 v7, v1;
	v7 =	vld [tilespmem:s1+$0x320];
	[tilespmem:s31+$0xA30] =	vst v2;
	s31 =	smov.u32 s1  }
0x12a: {  	[tilespmem:s31+$0x280] =	vst v8;
	v2 =	vmul.f32 v4, v1;
	v4 =	vld [tilespmem:s31+$0x330]  }
0x12b: {  	[tilespmem:s31+$0x290] =	vst v3;
	v3 =	vmul.f32 v5, v1;
	v5 =	vld [tilespmem:s31+$0x380]  }
0x12c: {  	[tilespmem:s31+$0x2A0] =	vst v2;
	v2 =	vmul.f32 v6, v1;
	v6 =	vld [tilespmem:s31+$0x390]  }
0x12d: {  	[tilespmem:s31+$0x2B0] =	vst v3;
	v3 =	vmul.f32 v9, v1;
	v8 =	vld [tilespmem:s31+$0x3A0]  }
0x12e: {  	[tilespmem:s31+$0x300] =	vst v2;
	v2 =	vmul.f32 v7, v1;
	v7 =	vld [tilespmem:s31+$0x3B0]  }
0x12f: {  	[tilespmem:s31+$0x310] =	vst v3;
	v3 =	vmul.f32 v4, v1;
	v4 =	vld [tilespmem:s31+$0x400]  }
0x130: {  	[tilespmem:s31+$0x320] =	vst v2;
	v2 =	vmul.f32 v5, v1;
	v5 =	vld [tilespmem:s31+$0x410]  }
0x131: {  	[tilespmem:s31+$0x330] =	vst v3;
	v3 =	vmul.f32 v6, v1;
	v6 =	vld [tilespmem:s31+$0x420]  }
0x132: {  	[tilespmem:s31+$0x380] =	vst v2;
	v2 =	vmul.f32 v8, v1;
	v8 =	vld [tilespmem:s31+$0x430]  }
0x133: {  	[tilespmem:s31+$0x390] =	vst v3;
	v3 =	vmul.f32 v7, v1;
	v7 =	vld [tilespmem:s31+$0x480]  }
0x134: {  	[tilespmem:s31+$0x3A0] =	vst v2;
	v2 =	vmul.f32 v4, v1;
	v4 =	vld [tilespmem:s31+$0x490]  }
0x135: {  	[tilespmem:s31+$0x3B0] =	vst v3;
	v3 =	vmul.f32 v5, v1;
	v5 =	vld [tilespmem:s31+$0x4A0]  }
0x136: {  	[tilespmem:s31+$0x400] =	vst v2;
	v2 =	vmul.f32 v6, v1;
	v6 =	vld [tilespmem:s31+$0x4B0]  }
0x137: {  	[tilespmem:s31+$0x410] =	vst v3;
	v3 =	vmul.f32 v8, v1;
	v8 =	vld [tilespmem:s31+$0x500]  }
0x138: {  	[tilespmem:s31+$0x420] =	vst v2;
	v2 =	vmul.f32 v7, v1;
	v7 =	vld [tilespmem:s31+$0x510]  }
0x139: {  	[tilespmem:s31+$0x430] =	vst v3;
	v3 =	vmul.f32 v4, v1;
	v4 =	vld [tilespmem:s31+$0x520]  }
0x13a: {  	[tilespmem:s31+$0x480] =	vst v2;
	v2 =	vmul.f32 v5, v1;
	v5 =	vld [tilespmem:s31+$0x530]  }
0x13b: {  	[tilespmem:s31+$0x490] =	vst v3;
	v3 =	vmul.f32 v6, v1;
	v6 =	vld [tilespmem:s31+$0x580]  }
0x13c: {  	[tilespmem:s31+$0x4A0] =	vst v2;
	v2 =	vmul.f32 v8, v1;
	v8 =	vld [tilespmem:s31+$0x590]  }
0x13d: {  	[tilespmem:s31+$0x4B0] =	vst v3;
	v3 =	vmul.f32 v7, v1;
	v7 =	vld [tilespmem:s31+$0x5A0]  }
0x13e: {  	[tilespmem:s31+$0x500] =	vst v2;
	v2 =	vmul.f32 v4, v1;
	v4 =	vld [tilespmem:s31+$0x5B0]  }
0x13f: {  	[tilespmem:s31+$0x510] =	vst v3;
	v3 =	vmul.f32 v5, v1;
	v5 =	vld [tilespmem:s31+$0x600]  }
0x140: {  	[tilespmem:s31+$0x520] =	vst v2;
	v2 =	vmul.f32 v6, v1;
	v6 =	vld [tilespmem:s31+$0x610]  }
0x141: {  	[tilespmem:s31+$0x530] =	vst v3;
	v3 =	vmul.f32 v8, v1;
	v8 =	vld [tilespmem:s31+$0x620]  }
0x142: {  	[tilespmem:s31+$0x580] =	vst v2;
	v2 =	vmul.f32 v7, v1;
	v7 =	vld [tilespmem:s31+$0x630]  }
0x143: {  	[tilespmem:s31+$0x590] =	vst v3;
	v3 =	vmul.f32 v4, v1;
	v4 =	vld [tilespmem:s31+$0x680]  }
0x144: {  	[tilespmem:s31+$0x5A0] =	vst v2;
	v2 =	vmul.f32 v5, v1;
	v5 =	vld [tilespmem:s31+$0x690]  }
0x145: {  	[tilespmem:s31+$0x5B0] =	vst v3;
	v3 =	vmul.f32 v6, v1;
	v6 =	vld [tilespmem:s31+$0x6A0]  }
0x146: {  	[tilespmem:s31+$0x600] =	vst v2;
	v2 =	vmul.f32 v8, v1;
	v8 =	vld [tilespmem:s31+$0x6B0]  }
0x147: {  	[tilespmem:s31+$0x610] =	vst v3;
	v3 =	vmul.f32 v7, v1;
	v7 =	vld [tilespmem:s31+$0x700]  }
0x148: {  	[tilespmem:s31+$0x620] =	vst v2;
	v2 =	vmul.f32 v4, v1;
	v4 =	vld [tilespmem:s31+$0x710]  }
0x149: {  	[tilespmem:s31+$0x630] =	vst v3;
	v3 =	vmul.f32 v5, v1;
	v5 =	vld [tilespmem:s31+$0x720]  }
0x14a: {  	[tilespmem:s31+$0x680] =	vst v2;
	v2 =	vmul.f32 v6, v1;
	v6 =	vld [tilespmem:s31+$0x730]  }
0x14b: {  	[tilespmem:s31+$0x690] =	vst v3;
	v3 =	vmul.f32 v8, v1;
	v8 =	vld [tilespmem:s31+$0x780]  }
0x14c: {  	[tilespmem:s31+$0x6A0] =	vst v2;
	v2 =	vmul.f32 v7, v1;
	v7 =	vld [tilespmem:s31+$0x790]  }
0x14d: {  	[tilespmem:s31+$0x6B0] =	vst v3;
	v3 =	vmul.f32 v4, v1;
	v4 =	vld [tilespmem:s31+$0x7A0]  }
0x14e: {  	[tilespmem:s31+$0x700] =	vst v2;
	v2 =	vmul.f32 v5, v1;
	v5 =	vld [tilespmem:s31+$0x7B0]  }
0x14f: {  	[tilespmem:s31+$0x710] =	vst v3;
	v3 =	vmul.f32 v6, v1;
	v6 =	vld [tilespmem:s31+$0x800]  }
0x150: {  	[tilespmem:s31+$0x720] =	vst v2;
	v2 =	vmul.f32 v8, v1;
	v8 =	vld [tilespmem:s31+$0x810]  }
0x151: {  	[tilespmem:s31+$0x730] =	vst v3;
	v3 =	vmul.f32 v7, v1;
	v7 =	vld [tilespmem:s31+$0x820]  }
0x152: {  	[tilespmem:s31+$0x780] =	vst v2;
	v2 =	vmul.f32 v4, v1;
	v4 =	vld [tilespmem:s31+$0x830]  }
0x153: {  	[tilespmem:s31+$0x790] =	vst v3;
	v3 =	vmul.f32 v5, v1;
	v5 =	vld [tilespmem:s31+$0x880]  }
0x154: {  	[tilespmem:s31+$0x7A0] =	vst v2;
	v2 =	vmul.f32 v6, v1;
	v6 =	vld [tilespmem:s31+$0x890]  }
0x155: {  	[tilespmem:s31+$0x7B0] =	vst v3;
	v3 =	vmul.f32 v8, v1;
	v8 =	vld [tilespmem:s31+$0x8A0]  }
0x156: {  	[tilespmem:s31+$0x800] =	vst v2;
	v2 =	vmul.f32 v7, v1;
	v7 =	vld [tilespmem:s31+$0x8B0]  }
0x157: {  	[tilespmem:s31+$0x810] =	vst v3;
	v3 =	vmul.f32 v4, v1;
	v4 =	vld [tilespmem:s31+$0x900]  }
0x158: {  	[tilespmem:s31+$0x820] =	vst v2;
	v2 =	vmul.f32 v5, v1;
	v5 =	vld [tilespmem:s31+$0x910]  }
0x159: {  	[tilespmem:s31+$0x830] =	vst v3;
	v3 =	vmul.f32 v6, v1;
	v6 =	vld [tilespmem:s31+$0x920]  }
0x15a: {  	[tilespmem:s31+$0x880] =	vst v2;
	v2 =	vmul.f32 v8, v1;
	v8 =	vld [tilespmem:s31+$0x930]  }
0x15b: {  	[tilespmem:s31+$0x890] =	vst v3;
	v3 =	vmul.f32 v7, v1;
	v7 =	vld [tilespmem:s31+$0x980]  }
0x15c: {  	[tilespmem:s31+$0x8A0] =	vst v2;
	v2 =	vmul.f32 v4, v1;
	v9 =	vld [tilespmem:s31+$0x990]  }
.Ltmp1:
0x15d: {  	[tilespmem:s31+$0x8B0] =	vst v3;
	v4 =	vmul.f32 v5, v1;
	v3 =	vld [tilespmem:s31+$0x9A0];
	(pc) =	sbr.rel @p0 .LBB2_4-.Ltmp1, $4  }
0x15e: {  	[tilespmem:s31+$0x900] =	vst v2;
	v5 =	vmul.f32 v6, v1;
	v2 =	vld [tilespmem:s31+$0x9B0]  }
0x15f: {  	[tilespmem:s31+$0x910] =	vst v4;
	v6 =	vmul.f32 v8, v1;
	v4 =	vld [tilespmem:s31+$0xA00]  }
0x160: {  	[tilespmem:s31+$0x920] =	vst v5;
	v8 =	vmul.f32 v7, v1;
	v5 =	vld [tilespmem:s31+$0xA10]  }
0x161: {  	s0 =	sadd.s32 $0x2000, s0;
	[tilespmem:s31+$0x930] =	vst v6;
	v7 =	vmul.f32 v9, v1;
	v6 =	vld [tilespmem:s31+$0xA20]  }
0x162: {  	[tilespmem:s31+$0x980] =	vst v8;
	v3 =	vmul.f32 v3, v1;
	v63 =	vld [tilespmem:s31+$0xA30]  }
0x163: {  	[tilespmem:s31+$0x990] =	vst v7;
	v2 =	vmul.f32 v2, v1  }
0x164: {  	[tilespmem:s31+$0x9A0] =	vst v3;
	v3 =	vmul.f32 v4, v1  }
0x165: {  	[tilespmem:s31+$0x9B0] =	vst v2;
	v2 =	vmul.f32 v5, v1  }
0x166: {  	[tilespmem:s31+$0xA00] =	vst v3;
	v3 =	vmul.f32 v6, v1  }
0x167: {  	s30 =	sadd.s32 $0x1, s30;
	[tilespmem:s31+$0xA10] =	vst v2;
	v1 =	vmul.f32 v63, v1  }
0x168: {  	p0 =	sne.s32 s30, s9;
	[tilespmem:s31+$0xA20] =	vst v3  }
.Ltmp2:
0x169: {  	[tilespmem:s31+$0xA30] =	vst v1;
	(pc) =	sbr.rel @p0 .LBB2_1-.Ltmp2, $4  }
0x16a: {  	[hbm4b:s8+s2] =	stream.linear.scatter [tilespmem:s13], [sflag:$0x2], $0x10000, $0x38;
	[tilespmem:$0x10300] =	vst v63  }
0x16b: {  	_ =	swait.ge [sflag:s11], $0x10000  }
0x16c: {  	[sflag:s11] =	ssyncset.done $0x0  }
0x16d: {  	[sflag:s11] =	ssyncadd.s32 $0xFFFF0000  }
0x16e: {  	_ =	sfence.sel $0x180000  }
0x16f: {  	[bflag:$0x0] =	sbarrier.arrive $0xFFFF  }
0x170: {  	_ =	strace $0x90000047  }
0x171: {  	s0 =	stileid.u32;
	[bflag:$0x2] =	sbarrier.arrive $0xFFFF  }
0x172: {  	p0 =	sne.s32 s0, $0x0;
	s0 =	rddreg [dreg:$0x2]  }
0x173: {  	s0 =	sadd.s32 @!p0 $0x100000, s0  }
0x174: {  	[sflag:s0] =	ssyncadd.tile.s32 @!p0 $0x1;
	_ =	shalt  }
.Lfunc_end2:
_tile_overlayer_lowered:
.L_overlay_start_2:
0x175: {  	(tag) =	ssettag $0x2  }
0x176: {  	s0 =	rddreg [dreg:$0x0];
	s2 =	stileid.u32  }
0x177: {  	s1 =	rddreg [dreg:$0x1];
	p0 =	sne.s32 s2, $0x0  }
0x178: {  	s3 =	rddreg [dreg:$0x2];
	[bflag:$0x3] =	sbarrier.arrive $0xFFFF;
	s2 =	simm.s32 @!p0 $0x1C02  }
0x179: {  	[timem:s3], [sflag:s2] =	dma.local @!p0 [hbm:s0], s1  }
0x17a: {  	s0 =	simm.s32 @!p0 $0x2  }
0x17b: {  	_ =	swait.ge @!p0 [sflag:s0], s1  }
0x17c: {  	s1 =	ssub.s32 @!p0 $0x0, s1;
	[sflag:s0] =	ssyncset.done @!p0 $0x0  }
0x17d: {  	[sflag:s0] =	ssyncadd.s32 @!p0 s1  }
0x17e: {  	[bflag:$0x3] =	sbarrier.arrive $0xFFFF  }
0x17f: {  	_ =	shalt  }

</sc_bundles>
